<compile_context>
chip_gen: v7x
topology: tpu7x:2x2x1
jax: 0.10.2.dev20260603
libtpu: 0.0.44.dev20260713+nightly
codegen_flags: <defaults>
</compile_context>

<pallas_src>
import functools

import jax
import jax.numpy as jnp
from jax import lax
from jax.experimental import pallas as pl
from jax.experimental.pallas import tpu as pltpu
from jax.experimental.pallas import tpu_sc as plsc

NC = 2
NS = 16
NW = NC * NS
CHUNK = 128
ECHUNK = 64


def _cdiv(a, b):
    return (a + b - 1) // b


def _sc_mesh():
    return plsc.VectorSubcoreMesh(core_axis_name="c", subcore_axis_name="s")


def _degrees(src3, dst3, *, npad, chunks):
    rows_pt = npad // NS

    @functools.partial(
        pl.kernel,
        mesh=_sc_mesh(),
        out_type=jax.ShapeDtypeStruct((NC, 2, npad), jnp.float32),
        scratch_types=[
            pltpu.VMEM((chunks, CHUNK), jnp.int32),
            pltpu.VMEM((chunks, CHUNK), jnp.int32),
            pltpu.VMEM((CHUNK,), jnp.float32),
            pltpu.VMEM((rows_pt,), jnp.float32),
            pltpu.VMEM_SHARED((npad,), jnp.float32),
            pltpu.VMEM_SHARED((npad,), jnp.float32),
            pltpu.SemaphoreType.DMA,
            pltpu.SemaphoreType.DMA,
        ],
    )
    def k(src_h, dst_h, out_h, src_v, dst_v, ones_v, z_v, degs_sh, degd_sh,
          sem_s, sem_d):
        cid = lax.axis_index("c")
        sid = lax.axis_index("s")
        wid = sid * NC + cid

        @pl.loop(0, CHUNK, step=16)
        def _(i):
            ones_v[pl.ds(i, 16)] = jnp.full((16,), 1.0, jnp.float32)

        @pl.loop(0, rows_pt, step=16)
        def _(i):
            z_v[pl.ds(i, 16)] = jnp.zeros((16,), jnp.float32)

        pltpu.sync_copy(z_v, degs_sh.at[pl.ds(sid * rows_pt, rows_pt)])
        pltpu.sync_copy(z_v, degd_sh.at[pl.ds(sid * rows_pt, rows_pt)])
        plsc.subcore_barrier()

        pltpu.sync_copy(src_h.at[wid], src_v)
        pltpu.sync_copy(dst_h.at[wid], dst_v)

        @pl.loop(0, chunks)
        def _(j):
            pltpu.async_copy(ones_v, degs_sh.at[src_v.at[j]], sem_s, add=True)
            pltpu.async_copy(ones_v, degd_sh.at[dst_v.at[j]], sem_d, add=True)

        @pl.loop(0, chunks)
        def _(j):
            pltpu.make_async_copy(ones_v, degs_sh.at[pl.ds(0, CHUNK)], sem_s).wait()
            pltpu.make_async_copy(ones_v, degd_sh.at[pl.ds(0, CHUNK)], sem_d).wait()

        plsc.subcore_barrier()
        sl = pl.ds(sid * rows_pt, rows_pt)
        pltpu.sync_copy(degs_sh.at[sl], out_h.at[cid, 0, sl])
        pltpu.sync_copy(degd_sh.at[sl], out_h.at[cid, 1, sl])

    return k(src3, dst3)


def _edge_aggregate(src3, dst3, hws, *, npad, d, chunks):
    rows_pt = npad // NS

    nbuf = 4
    npass = 2
    assert chunks % (nbuf * npass) == 0
    half = chunks // npass

    @functools.partial(
        pl.kernel,
        mesh=_sc_mesh(),
        out_type=jax.ShapeDtypeStruct((NC, npad, d), jnp.float32),
        scratch_types=[
            pltpu.VMEM((half * ECHUNK,), jnp.int32),
            pltpu.VMEM((half, ECHUNK), jnp.int32),
            pltpu.VMEM((nbuf, ECHUNK, d), jnp.float32),
            pltpu.VMEM_SHARED((npad, d), jnp.float32),
        ]
        + [pltpu.SemaphoreType.DMA] * nbuf,
    )
    def k(src_h, dst_h, hws_h, out_h, src_v, dst_v, rows_v, acc_sh, *sems):
        cid = lax.axis_index("c")
        sid = lax.axis_index("s")
        wid = sid * NC + cid

        @pl.loop(0, ECHUNK)
        def _(r):
            @pl.loop(0, d, step=16)
            def _(c):
                rows_v[0, r, pl.ds(c, 16)] = jnp.zeros((16,), jnp.float32)

        @pl.loop(0, rows_pt, step=ECHUNK)
        def _(r0):
            pltpu.sync_copy(
                rows_v.at[0], acc_sh.at[pl.ds(sid * rows_pt + r0, ECHUNK)]
            )

        plsc.subcore_barrier()

        def wait_gather(b):
            pltpu.make_async_copy(
                hws_h.at[pl.ds(0, ECHUNK)], rows_v.at[b], sems[b]
            ).wait()

        def src_idx(c):
            return src_v.at[pl.ds(c * ECHUNK, ECHUNK)]

        @pl.loop(0, npass)
        def _(p):
            pltpu.sync_copy(
                src_h.at[wid, pl.ds(p * half * ECHUNK, half * ECHUNK)], src_v
            )
            pltpu.sync_copy(dst_h.at[wid, pl.ds(p * half, half)], dst_v)
            for b in range(nbuf):
                pltpu.async_copy(hws_h.at[src_idx(b)], rows_v.at[b], sems[b])

            @pl.loop(0, half, step=nbuf)
            def _(j):
                for b in range(nbuf):
                    wait_gather(b)
                    pltpu.sync_copy(
                        rows_v.at[b], acc_sh.at[dst_v.at[j + b]], add=True
                    )

                    @pl.when(j + b + nbuf < half)
                    def _():
                        pltpu.async_copy(
                            hws_h.at[src_idx(j + b + nbuf)],
                            rows_v.at[b],
                            sems[b],
                        )

        plsc.subcore_barrier()
        sl = pl.ds(sid * rows_pt, rows_pt)
        pltpu.sync_copy(acc_sh.at[sl], out_h.at[cid, sl])

    return k(src3, dst3, hws)


def _mm_body(x_ref, w_ref, o_ref):
    o_ref[...] = jnp.dot(
        x_ref[...], w_ref[...], preferred_element_type=jnp.float32
    )


def _mm(x, w, *, br):
    npad, d_in = x.shape
    d_out = w.shape[1]
    return pl.pallas_call(
        _mm_body,
        grid=(npad // br,),
        in_specs=[
            pl.BlockSpec((br, d_in), lambda i: (i, 0)),
            pl.BlockSpec((d_in, d_out), lambda i: (0, 0)),
        ],
        out_specs=pl.BlockSpec((br, d_out), lambda i: (i, 0)),
        out_shape=jax.ShapeDtypeStruct((npad, d_out), jnp.float32),
    )(x, w)


def _mm1ns_body(ds_ref, dd_ref, x_ref, w_ref, hws_ref, ns_ref, nd_ref):
    s = ds_ref[...]
    d = dd_ref[...]
    ns = 1.0 / jnp.sqrt(jnp.maximum(s[0] + s[1], 1.0))
    nd = 1.0 / jnp.sqrt(jnp.maximum(d[0] + d[1], 1.0))
    ns_ref[...] = ns
    nd_ref[...] = nd
    hws_ref[...] = (
        jnp.dot(x_ref[...], w_ref[...], preferred_element_type=jnp.float32) * ns
    )


def _mm1ns(dps, dpd, x, w, *, br):
    npad, d_in = x.shape
    d_out = w.shape[1]
    return pl.pallas_call(
        _mm1ns_body,
        grid=(npad // br,),
        in_specs=[
            pl.BlockSpec((2, br, 1), lambda i: (0, i, 0)),
            pl.BlockSpec((2, br, 1), lambda i: (0, i, 0)),
            pl.BlockSpec((br, d_in), lambda i: (i, 0)),
            pl.BlockSpec((d_in, d_out), lambda i: (0, 0)),
        ],
        out_specs=[
            pl.BlockSpec((br, d_out), lambda i: (i, 0)),
            pl.BlockSpec((br, 1), lambda i: (i, 0)),
            pl.BlockSpec((br, 1), lambda i: (i, 0)),
        ],
        out_shape=[
            jax.ShapeDtypeStruct((npad, d_out), jnp.float32),
            jax.ShapeDtypeStruct((npad, 1), jnp.float32),
            jax.ShapeDtypeStruct((npad, 1), jnp.float32),
        ],
    )(dps, dpd, x, w)


def _layer_body(p_ref, nd_ref, b_ref, w_ref, ns_ref, o_ref):
    p = p_ref[...]
    agg = (p[0] + p[1]) * nd_ref[...] + b_ref[...]
    x = jnp.maximum(agg, 0.0)
    o_ref[...] = (
        jnp.dot(x, w_ref[...], preferred_element_type=jnp.float32) * ns_ref[...]
    )


def _layer(p, nd, b, w, ns, *, br):
    _, npad, d_in = p.shape
    d_out = w.shape[1]
    return pl.pallas_call(
        _layer_body,
        grid=(npad // br,),
        in_specs=[
            pl.BlockSpec((2, br, d_in), lambda i: (0, i, 0)),
            pl.BlockSpec((br, 1), lambda i: (i, 0)),
            pl.BlockSpec((1, d_in), lambda i: (0, 0)),
            pl.BlockSpec((d_in, d_out), lambda i: (0, 0)),
            pl.BlockSpec((br, 1), lambda i: (i, 0)),
        ],
        out_specs=pl.BlockSpec((br, d_out), lambda i: (i, 0)),
        out_shape=jax.ShapeDtypeStruct((npad, d_out), jnp.float32),
    )(p, nd, b, w, ns)


def _scale_relu_body(p_ref, nd_ref, b_ref, ns_ref, o_ref):
    p = p_ref[...]
    agg = (p[0] + p[1]) * nd_ref[...] + b_ref[...]
    o_ref[...] = jnp.maximum(agg, 0.0) * ns_ref[...]


def _scale_relu(p, nd, b, ns, *, br):
    _, npad, d = p.shape
    return pl.pallas_call(
        _scale_relu_body,
        grid=(npad // br,),
        in_specs=[
            pl.BlockSpec((2, br, d), lambda i: (0, i, 0)),
            pl.BlockSpec((br, 1), lambda i: (i, 0)),
            pl.BlockSpec((1, d), lambda i: (0, 0)),
            pl.BlockSpec((br, 1), lambda i: (i, 0)),
        ],
        out_specs=pl.BlockSpec((br, d), lambda i: (i, 0)),
        out_shape=jax.ShapeDtypeStruct((npad, d), jnp.float32),
    )(p, nd, b, ns)


def _final_mm_body(p_ref, nd_ref, w_ref, b_ref, o_ref):
    p = p_ref[...]
    agg = (p[0] + p[1]) * nd_ref[...]
    o_ref[...] = (
        jnp.dot(agg, w_ref[...], preferred_element_type=jnp.float32) + b_ref[...]
    )


def _final_mm(p, nd, w, b, *, br):
    _, npad, d_in = p.shape
    d_out = w.shape[1]
    return pl.pallas_call(
        _final_mm_body,
        grid=(npad // br,),
        in_specs=[
            pl.BlockSpec((2, br, d_in), lambda i: (0, i, 0)),
            pl.BlockSpec((br, 1), lambda i: (i, 0)),
            pl.BlockSpec((d_in, d_out), lambda i: (0, 0)),
            pl.BlockSpec((1, d_out), lambda i: (0, 0)),
        ],
        out_specs=pl.BlockSpec((br, d_out), lambda i: (i, 0)),
        out_shape=jax.ShapeDtypeStruct((npad, d_out), jnp.float32),
    )(p, nd, w, b)


def kernel(h, edge_index, W1, b1, W2, b2, W3, b3):
    n, d_in = h.shape
    e = edge_index.shape[1]
    d_h = W2.shape[0]
    d_out = W3.shape[1]

    npad = _cdiv(n + 1, NS * CHUNK) * NS * CHUNK
    tile_edges = _cdiv(e, NW * ECHUNK * 8) * ECHUNK * 8
    epad = NW * tile_edges
    chunks_d = tile_edges // CHUNK
    chunks_e = tile_edges // ECHUNK
    pad_rows = npad - n

    src = edge_index[0]
    dst = edge_index[1]
    pad_idx = (n + (jnp.arange(epad - e, dtype=jnp.int32) % pad_rows)).astype(
        jnp.int32
    )
    src_p = jnp.concatenate([src, pad_idx])
    dst_p = jnp.concatenate([dst, pad_idx])
    src3d = src_p.reshape(NW, chunks_d, CHUNK)
    dst3d = dst_p.reshape(NW, chunks_d, CHUNK)
    src2e = src_p.reshape(NW, tile_edges)
    dst3e = dst_p.reshape(NW, chunks_e, ECHUNK)
    hp = jnp.zeros((npad, d_in), jnp.float32).at[:n].set(h)

    br = 2048

    dp = _degrees(src3d, dst3d, npad=npad, chunks=chunks_d)
    dps = dp[:, 0].reshape(NC, npad, 1)
    dpd = dp[:, 1].reshape(NC, npad, 1)
    hws1, ns, nd = _mm1ns(dps, dpd, hp, W1, br=br)

    p1 = _edge_aggregate(src2e, dst3e, hws1, npad=npad, d=d_h, chunks=chunks_e)
    hws2 = _layer(p1, nd, b1.reshape(1, d_h), W2, ns, br=br)
    p2 = _edge_aggregate(src2e, dst3e, hws2, npad=npad, d=d_h, chunks=chunks_e)
    x3s = _scale_relu(p2, nd, b2.reshape(1, d_h), ns, br=br)
    p3 = _edge_aggregate(src2e, dst3e, x3s, npad=npad, d=d_h, chunks=chunks_e)
    out = _final_mm(p3, nd, W3, b3.reshape(1, d_out), br=br)
    return out[:n]

# --- scband reference (transcript-rebuilt; emitter-appended) ---
"""Pipeline reference for scband-gcn-50362786513303 (READ-ONLY COPY).

The authoritative reference and input builder live on the scoring server;
editing this copy changes nothing except your own understanding.
"""

import jax, jax.numpy as jnp
import numpy as np

N = 10000
E = 320000
D_IN = 128
D_H = 128
D_OUT = 64


def setup_inputs(seed: int = 0) -> dict:
    key = jax.random.key(seed)
    ks = jax.random.split(key, 8)
    h = jax.random.normal(ks[0], (N, D_IN), dtype=jnp.float32)
    edge_index = jax.random.randint(ks[1], (2, E), 0, N, dtype=jnp.int32)
    # GraphConv weights (Glorot-ish init) and biases for the 3 layers
    W1 = jax.random.normal(ks[2], (D_IN, D_H), dtype=jnp.float32) * (1.0 / np.sqrt(D_IN))
    b1 = jnp.zeros((D_H,), dtype=jnp.float32)
    W2 = jax.random.normal(ks[3], (D_H, D_H), dtype=jnp.float32) * (1.0 / np.sqrt(D_H))
    b2 = jnp.zeros((D_H,), dtype=jnp.float32)
    W3 = jax.random.normal(ks[4], (D_H, D_OUT), dtype=jnp.float32) * (1.0 / np.sqrt(D_H))
    b3 = jnp.zeros((D_OUT,), dtype=jnp.float32)
    return {"h": h, "edge_index": edge_index, "W1": W1, "b1": b1, "W2": W2, "b2": b2, "W3": W3, "b3": b3}


def _graph_conv(h, src, dst, norm_src, norm_dst, W, b):
    # DGL GraphConv with norm='both': out = D_dst^{-1/2} A D_src^{-1/2} h W + b
    hw = jnp.dot(h, W)  # apply weight first (order is mathematically equivalent)
    m = (hw * norm_src[:, None])[src]
    agg = jax.ops.segment_sum(m, dst, num_segments=N)
    return agg * norm_dst[:, None] + b


def reference(h, edge_index, W1, b1, W2, b2, W3, b3):
    src = edge_index[0]
    dst = edge_index[1]
    ones = jnp.ones((E,), dtype=jnp.float32)
    out_deg = jax.ops.segment_sum(ones, src, num_segments=N)
    in_deg = jax.ops.segment_sum(ones, dst, num_segments=N)
    norm_src = jnp.clip(out_deg, 1.0, None) ** -0.5
    norm_dst = jnp.clip(in_deg, 1.0, None) ** -0.5

    x = _graph_conv(h, src, dst, norm_src, norm_dst, W1, b1)
    x = jax.nn.relu(x)  # dropout is identity in eval mode
    x = _graph_conv(x, src, dst, norm_src, norm_dst, W2, b2)
    x = jax.nn.relu(x)
    x = _graph_conv(x, src, dst, norm_src, norm_dst, W3, b3)
    return x

if __name__ == "__main__":
    import jax
    _d = setup_inputs()
    print(jax.jit(kernel)(*tuple(_d.values())))

</pallas_src>

<mosaic_0001>
#map = affine_map<(d0, d1) -> (0, 0, 0)>
module attributes {stable_mosaic.version = 14 : i64} {
  func.func @k(%arg0: i32, %arg1: i32, %arg2: memref<32x80x128xi32, #tpu.memory_space<hbm>>, %arg3: memref<32x80x128xi32, #tpu.memory_space<hbm>>, %arg4: memref<2x2x10240xf32, #tpu.memory_space<hbm>>, %arg5: memref<80x128xi32, #tpu.memory_space<vmem>>, %arg6: memref<80x128xi32, #tpu.memory_space<vmem>>, %arg7: memref<128xf32, #tpu.memory_space<vmem>>, %arg8: memref<640xf32, #tpu.memory_space<vmem>>, %arg9: memref<10240xf32, #tpu.memory_space<vmem_shared>>, %arg10: memref<10240xf32, #tpu.memory_space<vmem_shared>>, %arg11: memref<!tpu.dma_semaphore, #tpu.memory_space<semaphore_mem>>, %arg12: memref<!tpu.dma_semaphore, #tpu.memory_space<semaphore_mem>>) attributes {dimension_semantics = [#tpu.dimension_semantics<core_parallel>, #tpu.dimension_semantics<subcore_parallel>], iteration_bounds = array<i64: 2, 16>, scalar_prefetch = 0 : i64, scratch_operands = 8 : i64, tpu.core_type = #tpu.core_type<sc_vector_subcore>, window_params = [{transform_indices = #map}, {transform_indices = #map}, {transform_indices = #map}]} {
    %mul3A = arith.constant 2 : i32
    %mul3A_0 = arith.muli %arg1, %mul3A : i32
    %add3A = arith.addi %mul3A_0, %arg0 : i32
    %scan3A = arith.constant 0 : i32
    %scan3A_1 = arith.constant 8 : i32
    %scan3A_2 = arith.addi %scan3A, %scan3A_1 : i32
    %scan3A_3 = arith.constant 1 : i32
    scf.for %scan3A_28 = %scan3A to %scan3A_2 step %scan3A_3  : i32 {
      %mul3A_29 = arith.constant 16 : i32
      %mul3A_30 = arith.muli %scan3A_28, %mul3A_29 : i32
      %add3A_31 = arith.constant 0 : i32
      %add3A_32 = arith.addi %add3A_31, %mul3A_30 : i32
      %broadcast_in_dim3A = arith.constant 1.000000e+00 : f32
      %broadcast_in_dim3A_33 = vector.broadcast %broadcast_in_dim3A : f32 to vector<16xf32>
      %swap3A = arith.index_cast %add3A_32 : i32 to index
      %swap3A_34 = tpu.vector_load %arg7[%swap3A] {strides = array<i32>} : memref<128xf32, #tpu.memory_space<vmem>>, vector<16xf32>,
      %swap3A_35 = vector.shape_cast %swap3A_34 : vector<16xf32> to vector<16xf32>
      %swap3A_36 = vector.shape_cast %broadcast_in_dim3A_33 : vector<16xf32> to vector<16xf32>
      tpu.vector_store %arg7[%swap3A], %swap3A_36 {strides = array<i32>} : memref<128xf32, #tpu.memory_space<vmem>>, vector<16xf32>,
    }
    %scan3A_4 = arith.constant 8 : i32
    %scan3A_5 = arith.constant 0 : i32
    %scan3A_6 = arith.constant 40 : i32
    %scan3A_7 = arith.addi %scan3A_5, %scan3A_6 : i32
    %scan3A_8 = arith.constant 1 : i32
    scf.for %scan3A_28 = %scan3A_5 to %scan3A_7 step %scan3A_8  : i32 {
      %mul3A_29 = arith.constant 16 : i32
      %mul3A_30 = arith.muli %scan3A_28, %mul3A_29 : i32
      %add3A_31 = arith.constant 0 : i32
      %add3A_32 = arith.addi %add3A_31, %mul3A_30 : i32
      %broadcast_in_dim3A = arith.constant 0.000000e+00 : f32
      %broadcast_in_dim3A_33 = vector.broadcast %broadcast_in_dim3A : f32 to vector<16xf32>
      %swap3A = arith.index_cast %add3A_32 : i32 to index
      %swap3A_34 = tpu.vector_load %arg8[%swap3A] {strides = array<i32>} : memref<640xf32, #tpu.memory_space<vmem>>, vector<16xf32>,
      %swap3A_35 = vector.shape_cast %swap3A_34 : vector<16xf32> to vector<16xf32>
      %swap3A_36 = vector.shape_cast %broadcast_in_dim3A_33 : vector<16xf32> to vector<16xf32>
      tpu.vector_store %arg8[%swap3A], %swap3A_36 {strides = array<i32>} : memref<640xf32, #tpu.memory_space<vmem>>, vector<16xf32>,
    }
    %scan3A_9 = arith.constant 40 : i32
    %mul3A_10 = arith.constant 640 : i32
    %mul3A_11 = arith.muli %arg1, %mul3A_10 : i32
    "tpu.region"() ({
      %run_scoped3A_28 = tpu.sem_alloc : memref<!tpu.dma_semaphore, #tpu.memory_space<semaphore_mem>>
      %dma_start3A = tpu.memref_slice %arg9[%mul3A_11] : memref<10240xf32, #tpu.memory_space<vmem_shared>> -> memref<640xf32, #tpu.memory_space<vmem_shared>>
      %dma_start3A_29 = tpu.memref_slice %arg9[%mul3A_11] : memref<10240xf32, #tpu.memory_space<vmem_shared>> -> memref<640xf32, #tpu.memory_space<vmem_shared>>
      tpu.enqueue_dma source(%arg8 : memref<640xf32, #tpu.memory_space<vmem>>) target(%dma_start3A_29 : memref<640xf32, #tpu.memory_space<vmem_shared>>) target_semaphore(%run_scoped3A_28 : memref<!tpu.dma_semaphore, #tpu.memory_space<semaphore_mem>>)
      %dma_wait3A = tpu.memref_slice %arg9[%mul3A_11] : memref<10240xf32, #tpu.memory_space<vmem_shared>> -> memref<640xf32, #tpu.memory_space<vmem_shared>>
      %dma_wait3A_30 = tpu.memref_slice %arg9[%mul3A_11] : memref<10240xf32, #tpu.memory_space<vmem_shared>> -> memref<640xf32, #tpu.memory_space<vmem_shared>>
      tpu.wait_dma2 semaphore(%run_scoped3A_28 : memref<!tpu.dma_semaphore, #tpu.memory_space<semaphore_mem>>) src(%arg8 : memref<640xf32, #tpu.memory_space<vmem>>) dst(%dma_wait3A_30 : memref<640xf32, #tpu.memory_space<vmem_shared>>)
      tpu.yield
    }) : () -> ()
    %mul3A_12 = arith.constant 640 : i32
    %mul3A_13 = arith.muli %arg1, %mul3A_12 : i32
    "tpu.region"() ({
      %run_scoped3A_28 = tpu.sem_alloc : memref<!tpu.dma_semaphore, #tpu.memory_space<semaphore_mem>>
      %dma_start3A = tpu.memref_slice %arg10[%mul3A_13] : memref<10240xf32, #tpu.memory_space<vmem_shared>> -> memref<640xf32, #tpu.memory_space<vmem_shared>>
      %dma_start3A_29 = tpu.memref_slice %arg10[%mul3A_13] : memref<10240xf32, #tpu.memory_space<vmem_shared>> -> memref<640xf32, #tpu.memory_space<vmem_shared>>
      tpu.enqueue_dma source(%arg8 : memref<640xf32, #tpu.memory_space<vmem>>) target(%dma_start3A_29 : memref<640xf32, #tpu.memory_space<vmem_shared>>) target_semaphore(%run_scoped3A_28 : memref<!tpu.dma_semaphore, #tpu.memory_space<semaphore_mem>>)
      %dma_wait3A = tpu.memref_slice %arg10[%mul3A_13] : memref<10240xf32, #tpu.memory_space<vmem_shared>> -> memref<640xf32, #tpu.memory_space<vmem_shared>>
      %dma_wait3A_30 = tpu.memref_slice %arg10[%mul3A_13] : memref<10240xf32, #tpu.memory_space<vmem_shared>> -> memref<640xf32, #tpu.memory_space<vmem_shared>>
      tpu.wait_dma2 semaphore(%run_scoped3A_28 : memref<!tpu.dma_semaphore, #tpu.memory_space<semaphore_mem>>) src(%arg8 : memref<640xf32, #tpu.memory_space<vmem>>) dst(%dma_wait3A_30 : memref<640xf32, #tpu.memory_space<vmem_shared>>)
      tpu.yield
    }) : () -> ()
    %barrier3A = arith.constant 0 : index
    tpu.barrier barrier_id(%barrier3A)
    "tpu.region"() ({
      %run_scoped3A_28 = tpu.sem_alloc : memref<!tpu.dma_semaphore, #tpu.memory_space<semaphore_mem>>
      %dma_start3A = arith.constant 0 : i32
      %dma_start3A_29 = arith.constant 0 : i32
      %dma_start3A_30 = tpu.memref_slice %arg2[%add3A, %dma_start3A, %dma_start3A_29] : memref<32x80x128xi32, #tpu.memory_space<hbm>> -> memref<1x80x128xi32, #tpu.memory_space<hbm>>
      %dma_start3A_31 = tpu.memref_squeeze %dma_start3A_30 : memref<1x80x128xi32, #tpu.memory_space<hbm>> -> memref<80x128xi32, #tpu.memory_space<hbm>>
      %dma_start3A_32 = arith.constant 0 : i32
      %dma_start3A_33 = arith.constant 0 : i32
      %dma_start3A_34 = tpu.memref_slice %arg2[%add3A, %dma_start3A_32, %dma_start3A_33] : memref<32x80x128xi32, #tpu.memory_space<hbm>> -> memref<1x80x128xi32, #tpu.memory_space<hbm>>
      %dma_start3A_35 = tpu.memref_squeeze %dma_start3A_34 : memref<1x80x128xi32, #tpu.memory_space<hbm>> -> memref<80x128xi32, #tpu.memory_space<hbm>>
      tpu.enqueue_dma source(%dma_start3A_35 : memref<80x128xi32, #tpu.memory_space<hbm>>) target(%arg5 : memref<80x128xi32, #tpu.memory_space<vmem>>) target_semaphore(%run_scoped3A_28 : memref<!tpu.dma_semaphore, #tpu.memory_space<semaphore_mem>>)
      %dma_wait3A = arith.constant 0 : i32
      %dma_wait3A_36 = arith.constant 0 : i32
      %dma_wait3A_37 = tpu.memref_slice %arg2[%add3A, %dma_wait3A, %dma_wait3A_36] : memref<32x80x128xi32, #tpu.memory_space<hbm>> -> memref<1x80x128xi32, #tpu.memory_space<hbm>>
      %dma_wait3A_38 = tpu.memref_squeeze %dma_wait3A_37 : memref<1x80x128xi32, #tpu.memory_space<hbm>> -> memref<80x128xi32, #tpu.memory_space<hbm>>
      %dma_wait3A_39 = arith.constant 0 : i32
      %dma_wait3A_40 = arith.constant 0 : i32
      %dma_wait3A_41 = tpu.memref_slice %arg2[%add3A, %dma_wait3A_39, %dma_wait3A_40] : memref<32x80x128xi32, #tpu.memory_space<hbm>> -> memref<1x80x128xi32, #tpu.memory_space<hbm>>
      %dma_wait3A_42 = tpu.memref_squeeze %dma_wait3A_41 : memref<1x80x128xi32, #tpu.memory_space<hbm>> -> memref<80x128xi32, #tpu.memory_space<hbm>>
      tpu.wait_dma2 semaphore(%run_scoped3A_28 : memref<!tpu.dma_semaphore, #tpu.memory_space<semaphore_mem>>) src(%dma_wait3A_42 : memref<80x128xi32, #tpu.memory_space<hbm>>) dst(%arg5 : memref<80x128xi32, #tpu.memory_space<vmem>>)
      tpu.yield
    }) : () -> ()
    "tpu.region"() ({
      %run_scoped3A_28 = tpu.sem_alloc : memref<!tpu.dma_semaphore, #tpu.memory_space<semaphore_mem>>
      %dma_start3A = arith.constant 0 : i32
      %dma_start3A_29 = arith.constant 0 : i32
      %dma_start3A_30 = tpu.memref_slice %arg3[%add3A, %dma_start3A, %dma_start3A_29] : memref<32x80x128xi32, #tpu.memory_space<hbm>> -> memref<1x80x128xi32, #tpu.memory_space<hbm>>
      %dma_start3A_31 = tpu.memref_squeeze %dma_start3A_30 : memref<1x80x128xi32, #tpu.memory_space<hbm>> -> memref<80x128xi32, #tpu.memory_space<hbm>>
      %dma_start3A_32 = arith.constant 0 : i32
      %dma_start3A_33 = arith.constant 0 : i32
      %dma_start3A_34 = tpu.memref_slice %arg3[%add3A, %dma_start3A_32, %dma_start3A_33] : memref<32x80x128xi32, #tpu.memory_space<hbm>> -> memref<1x80x128xi32, #tpu.memory_space<hbm>>
      %dma_start3A_35 = tpu.memref_squeeze %dma_start3A_34 : memref<1x80x128xi32, #tpu.memory_space<hbm>> -> memref<80x128xi32, #tpu.memory_space<hbm>>
      tpu.enqueue_dma source(%dma_start3A_35 : memref<80x128xi32, #tpu.memory_space<hbm>>) target(%arg6 : memref<80x128xi32, #tpu.memory_space<vmem>>) target_semaphore(%run_scoped3A_28 : memref<!tpu.dma_semaphore, #tpu.memory_space<semaphore_mem>>)
      %dma_wait3A = arith.constant 0 : i32
      %dma_wait3A_36 = arith.constant 0 : i32
      %dma_wait3A_37 = tpu.memref_slice %arg3[%add3A, %dma_wait3A, %dma_wait3A_36] : memref<32x80x128xi32, #tpu.memory_space<hbm>> -> memref<1x80x128xi32, #tpu.memory_space<hbm>>
      %dma_wait3A_38 = tpu.memref_squeeze %dma_wait3A_37 : memref<1x80x128xi32, #tpu.memory_space<hbm>> -> memref<80x128xi32, #tpu.memory_space<hbm>>
      %dma_wait3A_39 = arith.constant 0 : i32
      %dma_wait3A_40 = arith.constant 0 : i32
      %dma_wait3A_41 = tpu.memref_slice %arg3[%add3A, %dma_wait3A_39, %dma_wait3A_40] : memref<32x80x128xi32, #tpu.memory_space<hbm>> -> memref<1x80x128xi32, #tpu.memory_space<hbm>>
      %dma_wait3A_42 = tpu.memref_squeeze %dma_wait3A_41 : memref<1x80x128xi32, #tpu.memory_space<hbm>> -> memref<80x128xi32, #tpu.memory_space<hbm>>
      tpu.wait_dma2 semaphore(%run_scoped3A_28 : memref<!tpu.dma_semaphore, #tpu.memory_space<semaphore_mem>>) src(%dma_wait3A_42 : memref<80x128xi32, #tpu.memory_space<hbm>>) dst(%arg6 : memref<80x128xi32, #tpu.memory_space<vmem>>)
      tpu.yield
    }) : () -> ()
    %scan3A_14 = arith.constant 0 : i32
    %scan3A_15 = arith.constant 80 : i32
    %scan3A_16 = arith.addi %scan3A_14, %scan3A_15 : i32
    %scan3A_17 = arith.constant 1 : i32
    scf.for %scan3A_28 = %scan3A_14 to %scan3A_16 step %scan3A_17  : i32 {
      %mul3A_29 = arith.constant 1 : i32
      %mul3A_30 = arith.muli %scan3A_28, %mul3A_29 : i32
      %add3A_31 = arith.constant 0 : i32
      %add3A_32 = arith.addi %add3A_31, %mul3A_30 : i32
      %dma_start3A = arith.constant 0 : i32
      %dma_start3A_33 = tpu.memref_slice %arg5[%add3A_32, %dma_start3A] : memref<80x128xi32, #tpu.memory_space<vmem>> -> memref<1x128xi32, #tpu.memory_space<vmem>>
      %dma_start3A_34 = tpu.memref_squeeze %dma_start3A_33 : memref<1x128xi32, #tpu.memory_space<vmem>> -> memref<128xi32, #tpu.memory_space<vmem>>
      %dma_start3A_35 = arith.constant 0 : i32
      %dma_start3A_36 = tpu.memref_slice %arg9[%dma_start3A_35] : memref<10240xf32, #tpu.memory_space<vmem_shared>> -> memref<10240xf32, #tpu.memory_space<vmem_shared>>
      tpu.enqueue_indirect_dma source(%arg7 : memref<128xf32, #tpu.memory_space<vmem>>) target(%dma_start3A_36 : memref<10240xf32, #tpu.memory_space<vmem_shared>>) offsets(%dma_start3A_34 : memref<128xi32, #tpu.memory_space<vmem>>) semaphore(%arg11 : memref<!tpu.dma_semaphore, #tpu.memory_space<semaphore_mem>>) {add = true}
      %dma_start3A_37 = arith.constant 0 : i32
      %dma_start3A_38 = tpu.memref_slice %arg6[%add3A_32, %dma_start3A_37] : memref<80x128xi32, #tpu.memory_space<vmem>> -> memref<1x128xi32, #tpu.memory_space<vmem>>
      %dma_start3A_39 = tpu.memref_squeeze %dma_start3A_38 : memref<1x128xi32, #tpu.memory_space<vmem>> -> memref<128xi32, #tpu.memory_space<vmem>>
      %dma_start3A_40 = arith.constant 0 : i32
      %dma_start3A_41 = tpu.memref_slice %arg10[%dma_start3A_40] : memref<10240xf32, #tpu.memory_space<vmem_shared>> -> memref<10240xf32, #tpu.memory_space<vmem_shared>>
      tpu.enqueue_indirect_dma source(%arg7 : memref<128xf32, #tpu.memory_space<vmem>>) target(%dma_start3A_41 : memref<10240xf32, #tpu.memory_space<vmem_shared>>) offsets(%dma_start3A_39 : memref<128xi32, #tpu.memory_space<vmem>>) semaphore(%arg12 : memref<!tpu.dma_semaphore, #tpu.memory_space<semaphore_mem>>) {add = true}
    }
    %scan3A_18 = arith.constant 80 : i32
    %scan3A_19 = arith.constant 0 : i32
    %scan3A_20 = arith.constant 80 : i32
    %scan3A_21 = arith.addi %scan3A_19, %scan3A_20 : i32
    %scan3A_22 = arith.constant 1 : i32
    scf.for %scan3A_28 = %scan3A_19 to %scan3A_21 step %scan3A_22  : i32 {
      %mul3A_29 = arith.constant 1 : i32
      %mul3A_30 = arith.muli %scan3A_28, %mul3A_29 : i32
      %add3A_31 = arith.constant 0 : i32
      %add3A_32 = arith.addi %add3A_31, %mul3A_30 : i32
      %dma_wait3A = arith.constant 0 : i32
      %dma_wait3A_33 = tpu.memref_slice %arg9[%dma_wait3A] : memref<10240xf32, #tpu.memory_space<vmem_shared>> -> memref<128xf32, #tpu.memory_space<vmem_shared>>
      %dma_wait3A_34 = arith.constant 0 : i32
      %dma_wait3A_35 = tpu.memref_slice %arg9[%dma_wait3A_34] : memref<10240xf32, #tpu.memory_space<vmem_shared>> -> memref<128xf32, #tpu.memory_space<vmem_shared>>
      tpu.wait_dma2 semaphore(%arg11 : memref<!tpu.dma_semaphore, #tpu.memory_space<semaphore_mem>>) src(%arg7 : memref<128xf32, #tpu.memory_space<vmem>>) dst(%dma_wait3A_35 : memref<128xf32, #tpu.memory_space<vmem_shared>>)
      %dma_wait3A_36 = arith.constant 0 : i32
      %dma_wait3A_37 = tpu.memref_slice %arg10[%dma_wait3A_36] : memref<10240xf32, #tpu.memory_space<vmem_shared>> -> memref<128xf32, #tpu.memory_space<vmem_shared>>
      %dma_wait3A_38 = arith.constant 0 : i32
      %dma_wait3A_39 = tpu.memref_slice %arg10[%dma_wait3A_38] : memref<10240xf32, #tpu.memory_space<vmem_shared>> -> memref<128xf32, #tpu.memory_space<vmem_shared>>
      tpu.wait_dma2 semaphore(%arg12 : memref<!tpu.dma_semaphore, #tpu.memory_space<semaphore_mem>>) src(%arg7 : memref<128xf32, #tpu.memory_space<vmem>>) dst(%dma_wait3A_39 : memref<128xf32, #tpu.memory_space<vmem_shared>>)
    }
    %scan3A_23 = arith.constant 80 : i32
    %barrier3A_24 = arith.constant 0 : index
    tpu.barrier barrier_id(%barrier3A_24)
    %mul3A_25 = arith.constant 640 : i32
    %mul3A_26 = arith.muli %arg1, %mul3A_25 : i32
    %run_scoped3A = arith.constant 0 : i32
    "tpu.region"() ({
      %run_scoped3A_28 = tpu.sem_alloc : memref<!tpu.dma_semaphore, #tpu.memory_space<semaphore_mem>>
      %dma_start3A = tpu.memref_slice %arg4[%arg0, %run_scoped3A, %mul3A_26] : memref<2x2x10240xf32, #tpu.memory_space<hbm>> -> memref<1x1x640xf32, #tpu.memory_space<hbm>>
      %dma_start3A_29 = tpu.memref_squeeze %dma_start3A : memref<1x1x640xf32, #tpu.memory_space<hbm>> -> memref<640xf32, #tpu.memory_space<hbm>>
      %dma_start3A_30 = tpu.memref_slice %arg9[%mul3A_26] : memref<10240xf32, #tpu.memory_space<vmem_shared>> -> memref<640xf32, #tpu.memory_space<vmem_shared>>
      tpu.enqueue_dma source(%dma_start3A_30 : memref<640xf32, #tpu.memory_space<vmem_shared>>) target(%dma_start3A_29 : memref<640xf32, #tpu.memory_space<hbm>>) target_semaphore(%run_scoped3A_28 : memref<!tpu.dma_semaphore, #tpu.memory_space<semaphore_mem>>)
      %dma_wait3A = tpu.memref_slice %arg4[%arg0, %run_scoped3A, %mul3A_26] : memref<2x2x10240xf32, #tpu.memory_space<hbm>> -> memref<1x1x640xf32, #tpu.memory_space<hbm>>
      %dma_wait3A_31 = tpu.memref_squeeze %dma_wait3A : memref<1x1x640xf32, #tpu.memory_space<hbm>> -> memref<640xf32, #tpu.memory_space<hbm>>
      %dma_wait3A_32 = tpu.memref_slice %arg9[%mul3A_26] : memref<10240xf32, #tpu.memory_space<vmem_shared>> -> memref<640xf32, #tpu.memory_space<vmem_shared>>
      tpu.wait_dma2 semaphore(%run_scoped3A_28 : memref<!tpu.dma_semaphore, #tpu.memory_space<semaphore_mem>>) src(%dma_wait3A_32 : memref<640xf32, #tpu.memory_space<vmem_shared>>) dst(%dma_wait3A_31 : memref<640xf32, #tpu.memory_space<hbm>>)
      tpu.yield
    }) : () -> ()
    %run_scoped3A_27 = arith.constant 1 : i32
    "tpu.region"() ({
      %run_scoped3A_28 = tpu.sem_alloc : memref<!tpu.dma_semaphore, #tpu.memory_space<semaphore_mem>>
      %dma_start3A = tpu.memref_slice %arg4[%arg0, %run_scoped3A_27, %mul3A_26] : memref<2x2x10240xf32, #tpu.memory_space<hbm>> -> memref<1x1x640xf32, #tpu.memory_space<hbm>>
      %dma_start3A_29 = tpu.memref_squeeze %dma_start3A : memref<1x1x640xf32, #tpu.memory_space<hbm>> -> memref<640xf32, #tpu.memory_space<hbm>>
      %dma_start3A_30 = tpu.memref_slice %arg10[%mul3A_26] : memref<10240xf32, #tpu.memory_space<vmem_shared>> -> memref<640xf32, #tpu.memory_space<vmem_shared>>
      tpu.enqueue_dma source(%dma_start3A_30 : memref<640xf32, #tpu.memory_space<vmem_shared>>) target(%dma_start3A_29 : memref<640xf32, #tpu.memory_space<hbm>>) target_semaphore(%run_scoped3A_28 : memref<!tpu.dma_semaphore, #tpu.memory_space<semaphore_mem>>)
      %dma_wait3A = tpu.memref_slice %arg4[%arg0, %run_scoped3A_27, %mul3A_26] : memref<2x2x10240xf32, #tpu.memory_space<hbm>> -> memref<1x1x640xf32, #tpu.memory_space<hbm>>
      %dma_wait3A_31 = tpu.memref_squeeze %dma_wait3A : memref<1x1x640xf32, #tpu.memory_space<hbm>> -> memref<640xf32, #tpu.memory_space<hbm>>
      %dma_wait3A_32 = tpu.memref_slice %arg10[%mul3A_26] : memref<10240xf32, #tpu.memory_space<vmem_shared>> -> memref<640xf32, #tpu.memory_space<vmem_shared>>
      tpu.wait_dma2 semaphore(%run_scoped3A_28 : memref<!tpu.dma_semaphore, #tpu.memory_space<semaphore_mem>>) src(%dma_wait3A_32 : memref<640xf32, #tpu.memory_space<vmem_shared>>) dst(%dma_wait3A_31 : memref<640xf32, #tpu.memory_space<hbm>>)
      tpu.yield
    }) : () -> ()
    return
  }
}

#map = affine_map<(d0, d1) -> (0, 0)>
#map1 = affine_map<(d0, d1) -> (0, 0, 0)>
module attributes {stable_mosaic.version = 14 : i64} {
  func.func @k(%arg0: i32, %arg1: i32, %arg2: memref<32x10240xi32, #tpu.memory_space<hbm>>, %arg3: memref<32x160x64xi32, #tpu.memory_space<hbm>>, %arg4: memref<10240x128xf32, #tpu.memory_space<hbm>>, %arg5: memref<2x10240x128xf32, #tpu.memory_space<hbm>>, %arg6: memref<5120xi32, #tpu.memory_space<vmem>>, %arg7: memref<80x64xi32, #tpu.memory_space<vmem>>, %arg8: memref<4x64x128xf32, #tpu.memory_space<vmem>>, %arg9: memref<10240x128xf32, #tpu.memory_space<vmem_shared>>, %arg10: memref<!tpu.dma_semaphore, #tpu.memory_space<semaphore_mem>>, %arg11: memref<!tpu.dma_semaphore, #tpu.memory_space<semaphore_mem>>, %arg12: memref<!tpu.dma_semaphore, #tpu.memory_space<semaphore_mem>>, %arg13: memref<!tpu.dma_semaphore, #tpu.memory_space<semaphore_mem>>) attributes {dimension_semantics = [#tpu.dimension_semantics<core_parallel>, #tpu.dimension_semantics<subcore_parallel>], iteration_bounds = array<i64: 2, 16>, scalar_prefetch = 0 : i64, scratch_operands = 8 : i64, tpu.core_type = #tpu.core_type<sc_vector_subcore>, window_params = [{transform_indices = #map}, {transform_indices = #map1}, {transform_indices = #map}, {transform_indices = #map1}]} {
    %mul3A = arith.constant 2 : i32
    %mul3A_0 = arith.muli %arg1, %mul3A : i32
    %add3A = arith.addi %mul3A_0, %arg0 : i32
    %scan3A = arith.constant 0 : i32
    %scan3A_1 = arith.constant 64 : i32
    %scan3A_2 = arith.addi %scan3A, %scan3A_1 : i32
    %scan3A_3 = arith.constant 1 : i32
    scf.for %scan3A_18 = %scan3A to %scan3A_2 step %scan3A_3  : i32 {
      %mul3A_19 = arith.constant 1 : i32
      %mul3A_20 = arith.muli %scan3A_18, %mul3A_19 : i32
      %add3A_21 = arith.constant 0 : i32
      %add3A_22 = arith.addi %add3A_21, %mul3A_20 : i32
      %scan3A_23 = arith.constant 0 : i32
      %scan3A_24 = arith.constant 8 : i32
      %scan3A_25 = arith.addi %scan3A_23, %scan3A_24 : i32
      %scan3A_26 = arith.constant 1 : i32
      scf.for %scan3A_28 = %scan3A_23 to %scan3A_25 step %scan3A_26  : i32 {
        %mul3A_29 = arith.constant 16 : i32
        %mul3A_30 = arith.muli %scan3A_28, %mul3A_29 : i32
        %add3A_31 = arith.constant 0 : i32
        %add3A_32 = arith.addi %add3A_31, %mul3A_30 : i32
        %broadcast_in_dim3A = arith.constant 0.000000e+00 : f32
        %broadcast_in_dim3A_33 = vector.broadcast %broadcast_in_dim3A : f32 to vector<16xf32>
        %swap3A = arith.constant 0 : i32
        %swap3A_34 = arith.index_cast %swap3A : i32 to index
        %swap3A_35 = arith.index_cast %add3A_22 : i32 to index
        %swap3A_36 = arith.index_cast %add3A_32 : i32 to index
        %swap3A_37 = tpu.vector_load %arg8[%swap3A_34, %swap3A_35, %swap3A_36] {strides = array<i32>} : memref<4x64x128xf32, #tpu.memory_space<vmem>>, vector<1x1x16xf32>,
        %swap3A_38 = vector.shape_cast %swap3A_37 : vector<1x1x16xf32> to vector<16xf32>
        %swap3A_39 = vector.shape_cast %broadcast_in_dim3A_33 : vector<16xf32> to vector<1x1x16xf32>
        tpu.vector_store %arg8[%swap3A_34, %swap3A_35, %swap3A_36], %swap3A_39 {strides = array<i32>} : memref<4x64x128xf32, #tpu.memory_space<vmem>>, vector<1x1x16xf32>,
      }
      %scan3A_27 = arith.constant 8 : i32
    }
    %scan3A_4 = arith.constant 64 : i32
    %scan3A_5 = arith.constant 0 : i32
    %scan3A_6 = arith.constant 10 : i32
    %scan3A_7 = arith.addi %scan3A_5, %scan3A_6 : i32
    %scan3A_8 = arith.constant 1 : i32
    scf.for %scan3A_18 = %scan3A_5 to %scan3A_7 step %scan3A_8  : i32 {
      %mul3A_19 = arith.constant 64 : i32
      %mul3A_20 = arith.muli %scan3A_18, %mul3A_19 : i32
      %add3A_21 = arith.constant 0 : i32
      %add3A_22 = arith.addi %add3A_21, %mul3A_20 : i32
      %mul3A_23 = arith.constant 640 : i32
      %mul3A_24 = arith.muli %arg1, %mul3A_23 : i32
      %add3A_25 = arith.addi %mul3A_24, %add3A_22 : i32
      %run_scoped3A = arith.constant 0 : i32
      "tpu.region"() ({
        %run_scoped3A_26 = tpu.sem_alloc : memref<!tpu.dma_semaphore, #tpu.memory_space<semaphore_mem>>
        %dma_start3A = arith.constant 0 : i32
        %dma_start3A_27 = arith.constant 0 : i32
        %dma_start3A_28 = tpu.memref_slice %arg8[%run_scoped3A, %dma_start3A, %dma_start3A_27] : memref<4x64x128xf32, #tpu.memory_space<vmem>> -> memref<1x64x128xf32, #tpu.memory_space<vmem>>
        %dma_start3A_29 = tpu.memref_squeeze %dma_start3A_28 : memref<1x64x128xf32, #tpu.memory_space<vmem>> -> memref<64x128xf32, #tpu.memory_space<vmem>>
        %dma_start3A_30 = arith.constant 0 : i32
        %dma_start3A_31 = tpu.memref_slice %arg9[%add3A_25, %dma_start3A_30] : memref<10240x128xf32, #tpu.memory_space<vmem_shared>> -> memref<64x128xf32, #tpu.memory_space<vmem_shared>>
        %dma_start3A_32 = arith.constant 0 : i32
        %dma_start3A_33 = tpu.memref_slice %arg9[%add3A_25, %dma_start3A_32] : memref<10240x128xf32, #tpu.memory_space<vmem_shared>> -> memref<64x128xf32, #tpu.memory_space<vmem_shared>>
        %dma_start3A_34 = arith.constant 0 : i32
        %dma_start3A_35 = arith.constant 0 : i32
        %dma_start3A_36 = tpu.memref_slice %arg8[%run_scoped3A, %dma_start3A_34, %dma_start3A_35] : memref<4x64x128xf32, #tpu.memory_space<vmem>> -> memref<1x64x128xf32, #tpu.memory_space<vmem>>
        %dma_start3A_37 = tpu.memref_squeeze %dma_start3A_36 : memref<1x64x128xf32, #tpu.memory_space<vmem>> -> memref<64x128xf32, #tpu.memory_space<vmem>>
        tpu.enqueue_dma source(%dma_start3A_37 : memref<64x128xf32, #tpu.memory_space<vmem>>) target(%dma_start3A_33 : memref<64x128xf32, #tpu.memory_space<vmem_shared>>) target_semaphore(%run_scoped3A_26 : memref<!tpu.dma_semaphore, #tpu.memory_space<semaphore_mem>>)
        %dma_wait3A = arith.constant 0 : i32
        %dma_wait3A_38 = arith.constant 0 : i32
        %dma_wait3A_39 = tpu.memref_slice %arg8[%run_scoped3A, %dma_wait3A, %dma_wait3A_38] : memref<4x64x128xf32, #tpu.memory_space<vmem>> -> memref<1x64x128xf32, #tpu.memory_space<vmem>>
        %dma_wait3A_40 = tpu.memref_squeeze %dma_wait3A_39 : memref<1x64x128xf32, #tpu.memory_space<vmem>> -> memref<64x128xf32, #tpu.memory_space<vmem>>
        %dma_wait3A_41 = arith.constant 0 : i32
        %dma_wait3A_42 = tpu.memref_slice %arg9[%add3A_25, %dma_wait3A_41] : memref<10240x128xf32, #tpu.memory_space<vmem_shared>> -> memref<64x128xf32, #tpu.memory_space<vmem_shared>>
        %dma_wait3A_43 = arith.constant 0 : i32
        %dma_wait3A_44 = tpu.memref_slice %arg9[%add3A_25, %dma_wait3A_43] : memref<10240x128xf32, #tpu.memory_space<vmem_shared>> -> memref<64x128xf32, #tpu.memory_space<vmem_shared>>
        %dma_wait3A_45 = arith.constant 0 : i32
        %dma_wait3A_46 = arith.constant 0 : i32
        %dma_wait3A_47 = tpu.memref_slice %arg8[%run_scoped3A, %dma_wait3A_45, %dma_wait3A_46] : memref<4x64x128xf32, #tpu.memory_space<vmem>> -> memref<1x64x128xf32, #tpu.memory_space<vmem>>
        %dma_wait3A_48 = tpu.memref_squeeze %dma_wait3A_47 : memref<1x64x128xf32, #tpu.memory_space<vmem>> -> memref<64x128xf32, #tpu.memory_space<vmem>>
        tpu.wait_dma2 semaphore(%run_scoped3A_26 : memref<!tpu.dma_semaphore, #tpu.memory_space<semaphore_mem>>) src(%dma_wait3A_48 : memref<64x128xf32, #tpu.memory_space<vmem>>) dst(%dma_wait3A_44 : memref<64x128xf32, #tpu.memory_space<vmem_shared>>)
        tpu.yield
      }) : () -> ()
    }
    %scan3A_9 = arith.constant 10 : i32
    %barrier3A = arith.constant 0 : index
    tpu.barrier barrier_id(%barrier3A)
    %scan3A_10 = arith.constant 0 : i32
    %scan3A_11 = arith.constant 2 : i32
    %scan3A_12 = arith.addi %scan3A_10, %scan3A_11 : i32
    %scan3A_13 = arith.constant 1 : i32
    scf.for %scan3A_18 = %scan3A_10 to %scan3A_12 step %scan3A_13  : i32 {
      %mul3A_19 = arith.constant 1 : i32
      %mul3A_20 = arith.muli %scan3A_18, %mul3A_19 : i32
      %add3A_21 = arith.constant 0 : i32
      %add3A_22 = arith.addi %add3A_21, %mul3A_20 : i32
      %mul3A_23 = arith.constant 80 : i32
      %mul3A_24 = arith.muli %add3A_22, %mul3A_23 : i32
      %mul3A_25 = arith.constant 64 : i32
      %mul3A_26 = arith.muli %mul3A_24, %mul3A_25 : i32
      "tpu.region"() ({
        %run_scoped3A = tpu.sem_alloc : memref<!tpu.dma_semaphore, #tpu.memory_space<semaphore_mem>>
        %dma_start3A_73 = tpu.memref_slice %arg2[%add3A, %mul3A_26] : memref<32x10240xi32, #tpu.memory_space<hbm>> -> memref<1x5120xi32, #tpu.memory_space<hbm>>
        %dma_start3A_74 = tpu.memref_squeeze %dma_start3A_73 : memref<1x5120xi32, #tpu.memory_space<hbm>> -> memref<5120xi32, #tpu.memory_space<hbm>>
        %dma_start3A_75 = tpu.memref_slice %arg2[%add3A, %mul3A_26] : memref<32x10240xi32, #tpu.memory_space<hbm>> -> memref<1x5120xi32, #tpu.memory_space<hbm>>
        %dma_start3A_76 = tpu.memref_squeeze %dma_start3A_75 : memref<1x5120xi32, #tpu.memory_space<hbm>> -> memref<5120xi32, #tpu.memory_space<hbm>>
        tpu.enqueue_dma source(%dma_start3A_76 : memref<5120xi32, #tpu.memory_space<hbm>>) target(%arg6 : memref<5120xi32, #tpu.memory_space<vmem>>) target_semaphore(%run_scoped3A : memref<!tpu.dma_semaphore, #tpu.memory_space<semaphore_mem>>)
        %dma_wait3A = tpu.memref_slice %arg2[%add3A, %mul3A_26] : memref<32x10240xi32, #tpu.memory_space<hbm>> -> memref<1x5120xi32, #tpu.memory_space<hbm>>
        %dma_wait3A_77 = tpu.memref_squeeze %dma_wait3A : memref<1x5120xi32, #tpu.memory_space<hbm>> -> memref<5120xi32, #tpu.memory_space<hbm>>
        %dma_wait3A_78 = tpu.memref_slice %arg2[%add3A, %mul3A_26] : memref<32x10240xi32, #tpu.memory_space<hbm>> -> memref<1x5120xi32, #tpu.memory_space<hbm>>
        %dma_wait3A_79 = tpu.memref_squeeze %dma_wait3A_78 : memref<1x5120xi32, #tpu.memory_space<hbm>> -> memref<5120xi32, #tpu.memory_space<hbm>>
        tpu.wait_dma2 semaphore(%run_scoped3A : memref<!tpu.dma_semaphore, #tpu.memory_space<semaphore_mem>>) src(%dma_wait3A_79 : memref<5120xi32, #tpu.memory_space<hbm>>) dst(%arg6 : memref<5120xi32, #tpu.memory_space<vmem>>)
        tpu.yield
      }) : () -> ()
      %mul3A_27 = arith.constant 80 : i32
      %mul3A_28 = arith.muli %add3A_22, %mul3A_27 : i32
      "tpu.region"() ({
        %run_scoped3A = tpu.sem_alloc : memref<!tpu.dma_semaphore, #tpu.memory_space<semaphore_mem>>
        %dma_start3A_73 = arith.constant 0 : i32
        %dma_start3A_74 = tpu.memref_slice %arg3[%add3A, %mul3A_28, %dma_start3A_73] : memref<32x160x64xi32, #tpu.memory_space<hbm>> -> memref<1x80x64xi32, #tpu.memory_space<hbm>>
        %dma_start3A_75 = tpu.memref_squeeze %dma_start3A_74 : memref<1x80x64xi32, #tpu.memory_space<hbm>> -> memref<80x64xi32, #tpu.memory_space<hbm>>
        %dma_start3A_76 = arith.constant 0 : i32
        %dma_start3A_77 = tpu.memref_slice %arg3[%add3A, %mul3A_28, %dma_start3A_76] : memref<32x160x64xi32, #tpu.memory_space<hbm>> -> memref<1x80x64xi32, #tpu.memory_space<hbm>>
        %dma_start3A_78 = tpu.memref_squeeze %dma_start3A_77 : memref<1x80x64xi32, #tpu.memory_space<hbm>> -> memref<80x64xi32, #tpu.memory_space<hbm>>
        tpu.enqueue_dma source(%dma_start3A_78 : memref<80x64xi32, #tpu.memory_space<hbm>>) target(%arg7 : memref<80x64xi32, #tpu.memory_space<vmem>>) target_semaphore(%run_scoped3A : memref<!tpu.dma_semaphore, #tpu.memory_space<semaphore_mem>>)
        %dma_wait3A = arith.constant 0 : i32
        %dma_wait3A_79 = tpu.memref_slice %arg3[%add3A, %mul3A_28, %dma_wait3A] : memref<32x160x64xi32, #tpu.memory_space<hbm>> -> memref<1x80x64xi32, #tpu.memory_space<hbm>>
        %dma_wait3A_80 = tpu.memref_squeeze %dma_wait3A_79 : memref<1x80x64xi32, #tpu.memory_space<hbm>> -> memref<80x64xi32, #tpu.memory_space<hbm>>
        %dma_wait3A_81 = arith.constant 0 : i32
        %dma_wait3A_82 = tpu.memref_slice %arg3[%add3A, %mul3A_28, %dma_wait3A_81] : memref<32x160x64xi32, #tpu.memory_space<hbm>> -> memref<1x80x64xi32, #tpu.memory_space<hbm>>
        %dma_wait3A_83 = tpu.memref_squeeze %dma_wait3A_82 : memref<1x80x64xi32, #tpu.memory_space<hbm>> -> memref<80x64xi32, #tpu.memory_space<hbm>>
        tpu.wait_dma2 semaphore(%run_scoped3A : memref<!tpu.dma_semaphore, #tpu.memory_space<semaphore_mem>>) src(%dma_wait3A_83 : memref<80x64xi32, #tpu.memory_space<hbm>>) dst(%arg7 : memref<80x64xi32, #tpu.memory_space<vmem>>)
        tpu.yield
      }) : () -> ()
      %dma_start3A = arith.constant 0 : i32
      %dma_start3A_29 = arith.constant 0 : i32
      %dma_start3A_30 = arith.constant 0 : i32
      %dma_start3A_31 = tpu.memref_slice %arg8[%dma_start3A, %dma_start3A_29, %dma_start3A_30] : memref<4x64x128xf32, #tpu.memory_space<vmem>> -> memref<1x64x128xf32, #tpu.memory_space<vmem>>
      %dma_start3A_32 = tpu.memref_squeeze %dma_start3A_31 : memref<1x64x128xf32, #tpu.memory_space<vmem>> -> memref<64x128xf32, #tpu.memory_space<vmem>>
      %dma_start3A_33 = arith.constant 0 : i32
      %dma_start3A_34 = tpu.memref_slice %arg6[%dma_start3A_33] : memref<5120xi32, #tpu.memory_space<vmem>> -> memref<64xi32, #tpu.memory_space<vmem>>
      %dma_start3A_35 = arith.constant 0 : i32
      %dma_start3A_36 = arith.constant 0 : i32
      %dma_start3A_37 = tpu.memref_slice %arg4[%dma_start3A_35, %dma_start3A_36] : memref<10240x128xf32, #tpu.memory_space<hbm>> -> memref<10240x128xf32, #tpu.memory_space<hbm>>
      tpu.enqueue_indirect_dma source(%dma_start3A_37 : memref<10240x128xf32, #tpu.memory_space<hbm>>) target(%dma_start3A_32 : memref<64x128xf32, #tpu.memory_space<vmem>>) offsets(%dma_start3A_34 : memref<64xi32, #tpu.memory_space<vmem>>) semaphore(%arg10 : memref<!tpu.dma_semaphore, #tpu.memory_space<semaphore_mem>>)
      %dma_start3A_38 = arith.constant 1 : i32
      %dma_start3A_39 = arith.constant 0 : i32
      %dma_start3A_40 = arith.constant 0 : i32
      %dma_start3A_41 = tpu.memref_slice %arg8[%dma_start3A_38, %dma_start3A_39, %dma_start3A_40] : memref<4x64x128xf32, #tpu.memory_space<vmem>> -> memref<1x64x128xf32, #tpu.memory_space<vmem>>
      %dma_start3A_42 = tpu.memref_squeeze %dma_start3A_41 : memref<1x64x128xf32, #tpu.memory_space<vmem>> -> memref<64x128xf32, #tpu.memory_space<vmem>>
      %dma_start3A_43 = arith.constant 64 : i32
      %dma_start3A_44 = tpu.memref_slice %arg6[%dma_start3A_43] : memref<5120xi32, #tpu.memory_space<vmem>> -> memref<64xi32, #tpu.memory_space<vmem>>
      %dma_start3A_45 = arith.constant 0 : i32
      %dma_start3A_46 = arith.constant 0 : i32
      %dma_start3A_47 = tpu.memref_slice %arg4[%dma_start3A_45, %dma_start3A_46] : memref<10240x128xf32, #tpu.memory_space<hbm>> -> memref<10240x128xf32, #tpu.memory_space<hbm>>
      tpu.enqueue_indirect_dma source(%dma_start3A_47 : memref<10240x128xf32, #tpu.memory_space<hbm>>) target(%dma_start3A_42 : memref<64x128xf32, #tpu.memory_space<vmem>>) offsets(%dma_start3A_44 : memref<64xi32, #tpu.memory_space<vmem>>) semaphore(%arg11 : memref<!tpu.dma_semaphore, #tpu.memory_space<semaphore_mem>>)
      %dma_start3A_48 = arith.constant 2 : i32
      %dma_start3A_49 = arith.constant 0 : i32
      %dma_start3A_50 = arith.constant 0 : i32
      %dma_start3A_51 = tpu.memref_slice %arg8[%dma_start3A_48, %dma_start3A_49, %dma_start3A_50] : memref<4x64x128xf32, #tpu.memory_space<vmem>> -> memref<1x64x128xf32, #tpu.memory_space<vmem>>
      %dma_start3A_52 = tpu.memref_squeeze %dma_start3A_51 : memref<1x64x128xf32, #tpu.memory_space<vmem>> -> memref<64x128xf32, #tpu.memory_space<vmem>>
      %dma_start3A_53 = arith.constant 128 : i32
      %dma_start3A_54 = tpu.memref_slice %arg6[%dma_start3A_53] : memref<5120xi32, #tpu.memory_space<vmem>> -> memref<64xi32, #tpu.memory_space<vmem>>
      %dma_start3A_55 = arith.constant 0 : i32
      %dma_start3A_56 = arith.constant 0 : i32
      %dma_start3A_57 = tpu.memref_slice %arg4[%dma_start3A_55, %dma_start3A_56] : memref<10240x128xf32, #tpu.memory_space<hbm>> -> memref<10240x128xf32, #tpu.memory_space<hbm>>
      tpu.enqueue_indirect_dma source(%dma_start3A_57 : memref<10240x128xf32, #tpu.memory_space<hbm>>) target(%dma_start3A_52 : memref<64x128xf32, #tpu.memory_space<vmem>>) offsets(%dma_start3A_54 : memref<64xi32, #tpu.memory_space<vmem>>) semaphore(%arg12 : memref<!tpu.dma_semaphore, #tpu.memory_space<semaphore_mem>>)
      %dma_start3A_58 = arith.constant 3 : i32
      %dma_start3A_59 = arith.constant 0 : i32
      %dma_start3A_60 = arith.constant 0 : i32
      %dma_start3A_61 = tpu.memref_slice %arg8[%dma_start3A_58, %dma_start3A_59, %dma_start3A_60] : memref<4x64x128xf32, #tpu.memory_space<vmem>> -> memref<1x64x128xf32, #tpu.memory_space<vmem>>
      %dma_start3A_62 = tpu.memref_squeeze %dma_start3A_61 : memref<1x64x128xf32, #tpu.memory_space<vmem>> -> memref<64x128xf32, #tpu.memory_space<vmem>>
      %dma_start3A_63 = arith.constant 192 : i32
      %dma_start3A_64 = tpu.memref_slice %arg6[%dma_start3A_63] : memref<5120xi32, #tpu.memory_space<vmem>> -> memref<64xi32, #tpu.memory_space<vmem>>
      %dma_start3A_65 = arith.constant 0 : i32
      %dma_start3A_66 = arith.constant 0 : i32
      %dma_start3A_67 = tpu.memref_slice %arg4[%dma_start3A_65, %dma_start3A_66] : memref<10240x128xf32, #tpu.memory_space<hbm>> -> memref<10240x128xf32, #tpu.memory_space<hbm>>
      tpu.enqueue_indirect_dma source(%dma_start3A_67 : memref<10240x128xf32, #tpu.memory_space<hbm>>) target(%dma_start3A_62 : memref<64x128xf32, #tpu.memory_space<vmem>>) offsets(%dma_start3A_64 : memref<64xi32, #tpu.memory_space<vmem>>) semaphore(%arg13 : memref<!tpu.dma_semaphore, #tpu.memory_space<semaphore_mem>>)
      %scan3A_68 = arith.constant 0 : i32
      %scan3A_69 = arith.constant 20 : i32
      %scan3A_70 = arith.addi %scan3A_68, %scan3A_69 : i32
      %scan3A_71 = arith.constant 1 : i32
      scf.for %scan3A_73 = %scan3A_68 to %scan3A_70 step %scan3A_71  : i32 {
        %mul3A_74 = arith.constant 4 : i32
        %mul3A_75 = arith.muli %scan3A_73, %mul3A_74 : i32
        %add3A_76 = arith.constant 0 : i32
        %add3A_77 = arith.addi %add3A_76, %mul3A_75 : i32
        %dma_wait3A = arith.constant 0 : i32
        %dma_wait3A_78 = arith.constant 0 : i32
        %dma_wait3A_79 = arith.constant 0 : i32
        %dma_wait3A_80 = tpu.memref_slice %arg8[%dma_wait3A, %dma_wait3A_78, %dma_wait3A_79] : memref<4x64x128xf32, #tpu.memory_space<vmem>> -> memref<1x64x128xf32, #tpu.memory_space<vmem>>
        %dma_wait3A_81 = tpu.memref_squeeze %dma_wait3A_80 : memref<1x64x128xf32, #tpu.memory_space<vmem>> -> memref<64x128xf32, #tpu.memory_space<vmem>>
        %dma_wait3A_82 = arith.constant 0 : i32
        %dma_wait3A_83 = arith.constant 0 : i32
        %dma_wait3A_84 = tpu.memref_slice %arg4[%dma_wait3A_82, %dma_wait3A_83] : memref<10240x128xf32, #tpu.memory_space<hbm>> -> memref<64x128xf32, #tpu.memory_space<hbm>>
        %dma_wait3A_85 = arith.constant 0 : i32
        %dma_wait3A_86 = arith.constant 0 : i32
        %dma_wait3A_87 = tpu.memref_slice %arg8[%dma_wait3A, %dma_wait3A_85, %dma_wait3A_86] : memref<4x64x128xf32, #tpu.memory_space<vmem>> -> memref<1x64x128xf32, #tpu.memory_space<vmem>>
        %dma_wait3A_88 = tpu.memref_squeeze %dma_wait3A_87 : memref<1x64x128xf32, #tpu.memory_space<vmem>> -> memref<64x128xf32, #tpu.memory_space<vmem>>
        %dma_wait3A_89 = arith.constant 0 : i32
        %dma_wait3A_90 = arith.constant 0 : i32
        %dma_wait3A_91 = tpu.memref_slice %arg4[%dma_wait3A_89, %dma_wait3A_90] : memref<10240x128xf32, #tpu.memory_space<hbm>> -> memref<64x128xf32, #tpu.memory_space<hbm>>
        tpu.wait_dma2 semaphore(%arg10 : memref<!tpu.dma_semaphore, #tpu.memory_space<semaphore_mem>>) src(%dma_wait3A_91 : memref<64x128xf32, #tpu.memory_space<hbm>>) dst(%dma_wait3A_88 : memref<64x128xf32, #tpu.memory_space<vmem>>)
        %add3A_92 = arith.constant 0 : i32
        %add3A_93 = arith.addi %add3A_77, %add3A_92 : i32
        %run_scoped3A = arith.constant 0 : i32
        "tpu.region"() ({
          %run_scoped3A_181 = tpu.sem_alloc : memref<!tpu.dma_semaphore, #tpu.memory_space<semaphore_mem>>
          %dma_start3A_182 = arith.constant 0 : i32
          %dma_start3A_183 = arith.constant 0 : i32
          %dma_start3A_184 = tpu.memref_slice %arg8[%run_scoped3A, %dma_start3A_182, %dma_start3A_183] : memref<4x64x128xf32, #tpu.memory_space<vmem>> -> memref<1x64x128xf32, #tpu.memory_space<vmem>>
          %dma_start3A_185 = tpu.memref_squeeze %dma_start3A_184 : memref<1x64x128xf32, #tpu.memory_space<vmem>> -> memref<64x128xf32, #tpu.memory_space<vmem>>
          %dma_start3A_186 = arith.constant 0 : i32
          %dma_start3A_187 = tpu.memref_slice %arg7[%add3A_93, %dma_start3A_186] : memref<80x64xi32, #tpu.memory_space<vmem>> -> memref<1x64xi32, #tpu.memory_space<vmem>>
          %dma_start3A_188 = tpu.memref_squeeze %dma_start3A_187 : memref<1x64xi32, #tpu.memory_space<vmem>> -> memref<64xi32, #tpu.memory_space<vmem>>
          %dma_start3A_189 = arith.constant 0 : i32
          %dma_start3A_190 = arith.constant 0 : i32
          %dma_start3A_191 = tpu.memref_slice %arg9[%dma_start3A_189, %dma_start3A_190] : memref<10240x128xf32, #tpu.memory_space<vmem_shared>> -> memref<10240x128xf32, #tpu.memory_space<vmem_shared>>
          tpu.enqueue_indirect_dma source(%dma_start3A_185 : memref<64x128xf32, #tpu.memory_space<vmem>>) target(%dma_start3A_191 : memref<10240x128xf32, #tpu.memory_space<vmem_shared>>) offsets(%dma_start3A_188 : memref<64xi32, #tpu.memory_space<vmem>>) semaphore(%run_scoped3A_181 : memref<!tpu.dma_semaphore, #tpu.memory_space<semaphore_mem>>) {add = true}
          %dma_wait3A_192 = arith.constant 0 : i32
          %dma_wait3A_193 = arith.constant 0 : i32
          %dma_wait3A_194 = tpu.memref_slice %arg8[%run_scoped3A, %dma_wait3A_192, %dma_wait3A_193] : memref<4x64x128xf32, #tpu.memory_space<vmem>> -> memref<1x64x128xf32, #tpu.memory_space<vmem>>
          %dma_wait3A_195 = tpu.memref_squeeze %dma_wait3A_194 : memref<1x64x128xf32, #tpu.memory_space<vmem>> -> memref<64x128xf32, #tpu.memory_space<vmem>>
          %dma_wait3A_196 = arith.constant 0 : i32
          %dma_wait3A_197 = tpu.memref_slice %arg7[%add3A_93, %dma_wait3A_196] : memref<80x64xi32, #tpu.memory_space<vmem>> -> memref<1x64xi32, #tpu.memory_space<vmem>>
          %dma_wait3A_198 = tpu.memref_squeeze %dma_wait3A_197 : memref<1x64xi32, #tpu.memory_space<vmem>> -> memref<64xi32, #tpu.memory_space<vmem>>
          %dma_wait3A_199 = arith.constant 0 : i32
          %dma_wait3A_200 = arith.constant 0 : i32
          %dma_wait3A_201 = tpu.memref_slice %arg9[%dma_wait3A_199, %dma_wait3A_200] : memref<10240x128xf32, #tpu.memory_space<vmem_shared>> -> memref<10240x128xf32, #tpu.memory_space<vmem_shared>>
          tpu.wait_indirect_dma semaphore(%run_scoped3A_181 : memref<!tpu.dma_semaphore, #tpu.memory_space<semaphore_mem>>) src(%dma_wait3A_195 : memref<64x128xf32, #tpu.memory_space<vmem>>) dst(%dma_wait3A_201 : memref<10240x128xf32, #tpu.memory_space<vmem_shared>>)
          tpu.yield
        }) : () -> ()
        %add3A_94 = arith.constant 0 : i32
        %add3A_95 = arith.addi %add3A_77, %add3A_94 : i32
        %add3A_96 = arith.constant 4 : i32
        %add3A_97 = arith.addi %add3A_95, %add3A_96 : i32
        %lt3A = arith.constant 80 : i32
        %lt3A_98 = arith.cmpi slt, %add3A_97, %lt3A : i32
        %convert_element_type3A = arith.extui %lt3A_98 : i1 to i32
        %cond3A = arith.constant 0 : i32
        %cond3A_99 = arith.cmpi ne, %convert_element_type3A, %cond3A : i32
        scf.if %cond3A_99 {
          %add3A_181 = arith.constant 0 : i32
          %add3A_182 = arith.addi %add3A_77, %add3A_181 : i32
          %add3A_183 = arith.constant 4 : i32
          %add3A_184 = arith.addi %add3A_182, %add3A_183 : i32
          %mul3A_185 = arith.constant 64 : i32
          %mul3A_186 = arith.muli %add3A_184, %mul3A_185 : i32
          %dma_start3A_187 = arith.constant 0 : i32
          %dma_start3A_188 = arith.constant 0 : i32
          %dma_start3A_189 = arith.constant 0 : i32
          %dma_start3A_190 = tpu.memref_slice %arg8[%dma_start3A_187, %dma_start3A_188, %dma_start3A_189] : memref<4x64x128xf32, #tpu.memory_space<vmem>> -> memref<1x64x128xf32, #tpu.memory_space<vmem>>
          %dma_start3A_191 = tpu.memref_squeeze %dma_start3A_190 : memref<1x64x128xf32, #tpu.memory_space<vmem>> -> memref<64x128xf32, #tpu.memory_space<vmem>>
          %dma_start3A_192 = tpu.memref_slice %arg6[%mul3A_186] : memref<5120xi32, #tpu.memory_space<vmem>> -> memref<64xi32, #tpu.memory_space<vmem>>
          %dma_start3A_193 = arith.constant 0 : i32
          %dma_start3A_194 = arith.constant 0 : i32
          %dma_start3A_195 = tpu.memref_slice %arg4[%dma_start3A_193, %dma_start3A_194] : memref<10240x128xf32, #tpu.memory_space<hbm>> -> memref<10240x128xf32, #tpu.memory_space<hbm>>
          tpu.enqueue_indirect_dma source(%dma_start3A_195 : memref<10240x128xf32, #tpu.memory_space<hbm>>) target(%dma_start3A_191 : memref<64x128xf32, #tpu.memory_space<vmem>>) offsets(%dma_start3A_192 : memref<64xi32, #tpu.memory_space<vmem>>) semaphore(%arg10 : memref<!tpu.dma_semaphore, #tpu.memory_space<semaphore_mem>>)
        } else {
        }
        %dma_wait3A_100 = arith.constant 1 : i32
        %dma_wait3A_101 = arith.constant 0 : i32
        %dma_wait3A_102 = arith.constant 0 : i32
        %dma_wait3A_103 = tpu.memref_slice %arg8[%dma_wait3A_100, %dma_wait3A_101, %dma_wait3A_102] : memref<4x64x128xf32, #tpu.memory_space<vmem>> -> memref<1x64x128xf32, #tpu.memory_space<vmem>>
        %dma_wait3A_104 = tpu.memref_squeeze %dma_wait3A_103 : memref<1x64x128xf32, #tpu.memory_space<vmem>> -> memref<64x128xf32, #tpu.memory_space<vmem>>
        %dma_wait3A_105 = arith.constant 0 : i32
        %dma_wait3A_106 = arith.constant 0 : i32
        %dma_wait3A_107 = tpu.memref_slice %arg4[%dma_wait3A_105, %dma_wait3A_106] : memref<10240x128xf32, #tpu.memory_space<hbm>> -> memref<64x128xf32, #tpu.memory_space<hbm>>
        %dma_wait3A_108 = arith.constant 0 : i32
        %dma_wait3A_109 = arith.constant 0 : i32
        %dma_wait3A_110 = tpu.memref_slice %arg8[%dma_wait3A_100, %dma_wait3A_108, %dma_wait3A_109] : memref<4x64x128xf32, #tpu.memory_space<vmem>> -> memref<1x64x128xf32, #tpu.memory_space<vmem>>
        %dma_wait3A_111 = tpu.memref_squeeze %dma_wait3A_110 : memref<1x64x128xf32, #tpu.memory_space<vmem>> -> memref<64x128xf32, #tpu.memory_space<vmem>>
        %dma_wait3A_112 = arith.constant 0 : i32
        %dma_wait3A_113 = arith.constant 0 : i32
        %dma_wait3A_114 = tpu.memref_slice %arg4[%dma_wait3A_112, %dma_wait3A_113] : memref<10240x128xf32, #tpu.memory_space<hbm>> -> memref<64x128xf32, #tpu.memory_space<hbm>>
        tpu.wait_dma2 semaphore(%arg11 : memref<!tpu.dma_semaphore, #tpu.memory_space<semaphore_mem>>) src(%dma_wait3A_114 : memref<64x128xf32, #tpu.memory_space<hbm>>) dst(%dma_wait3A_111 : memref<64x128xf32, #tpu.memory_space<vmem>>)
        %add3A_115 = arith.constant 1 : i32
        %add3A_116 = arith.addi %add3A_77, %add3A_115 : i32
        %run_scoped3A_117 = arith.constant 1 : i32
        "tpu.region"() ({
          %run_scoped3A_181 = tpu.sem_alloc : memref<!tpu.dma_semaphore, #tpu.memory_space<semaphore_mem>>
          %dma_start3A_182 = arith.constant 0 : i32
          %dma_start3A_183 = arith.constant 0 : i32
          %dma_start3A_184 = tpu.memref_slice %arg8[%run_scoped3A_117, %dma_start3A_182, %dma_start3A_183] : memref<4x64x128xf32, #tpu.memory_space<vmem>> -> memref<1x64x128xf32, #tpu.memory_space<vmem>>
          %dma_start3A_185 = tpu.memref_squeeze %dma_start3A_184 : memref<1x64x128xf32, #tpu.memory_space<vmem>> -> memref<64x128xf32, #tpu.memory_space<vmem>>
          %dma_start3A_186 = arith.constant 0 : i32
          %dma_start3A_187 = tpu.memref_slice %arg7[%add3A_116, %dma_start3A_186] : memref<80x64xi32, #tpu.memory_space<vmem>> -> memref<1x64xi32, #tpu.memory_space<vmem>>
          %dma_start3A_188 = tpu.memref_squeeze %dma_start3A_187 : memref<1x64xi32, #tpu.memory_space<vmem>> -> memref<64xi32, #tpu.memory_space<vmem>>
          %dma_start3A_189 = arith.constant 0 : i32
          %dma_start3A_190 = arith.constant 0 : i32
          %dma_start3A_191 = tpu.memref_slice %arg9[%dma_start3A_189, %dma_start3A_190] : memref<10240x128xf32, #tpu.memory_space<vmem_shared>> -> memref<10240x128xf32, #tpu.memory_space<vmem_shared>>
          tpu.enqueue_indirect_dma source(%dma_start3A_185 : memref<64x128xf32, #tpu.memory_space<vmem>>) target(%dma_start3A_191 : memref<10240x128xf32, #tpu.memory_space<vmem_shared>>) offsets(%dma_start3A_188 : memref<64xi32, #tpu.memory_space<vmem>>) semaphore(%run_scoped3A_181 : memref<!tpu.dma_semaphore, #tpu.memory_space<semaphore_mem>>) {add = true}
          %dma_wait3A_192 = arith.constant 0 : i32
          %dma_wait3A_193 = arith.constant 0 : i32
          %dma_wait3A_194 = tpu.memref_slice %arg8[%run_scoped3A_117, %dma_wait3A_192, %dma_wait3A_193] : memref<4x64x128xf32, #tpu.memory_space<vmem>> -> memref<1x64x128xf32, #tpu.memory_space<vmem>>
          %dma_wait3A_195 = tpu.memref_squeeze %dma_wait3A_194 : memref<1x64x128xf32, #tpu.memory_space<vmem>> -> memref<64x128xf32, #tpu.memory_space<vmem>>
          %dma_wait3A_196 = arith.constant 0 : i32
          %dma_wait3A_197 = tpu.memref_slice %arg7[%add3A_116, %dma_wait3A_196] : memref<80x64xi32, #tpu.memory_space<vmem>> -> memref<1x64xi32, #tpu.memory_space<vmem>>
          %dma_wait3A_198 = tpu.memref_squeeze %dma_wait3A_197 : memref<1x64xi32, #tpu.memory_space<vmem>> -> memref<64xi32, #tpu.memory_space<vmem>>
          %dma_wait3A_199 = arith.constant 0 : i32
          %dma_wait3A_200 = arith.constant 0 : i32
          %dma_wait3A_201 = tpu.memref_slice %arg9[%dma_wait3A_199, %dma_wait3A_200] : memref<10240x128xf32, #tpu.memory_space<vmem_shared>> -> memref<10240x128xf32, #tpu.memory_space<vmem_shared>>
          tpu.wait_indirect_dma semaphore(%run_scoped3A_181 : memref<!tpu.dma_semaphore, #tpu.memory_space<semaphore_mem>>) src(%dma_wait3A_195 : memref<64x128xf32, #tpu.memory_space<vmem>>) dst(%dma_wait3A_201 : memref<10240x128xf32, #tpu.memory_space<vmem_shared>>)
          tpu.yield
        }) : () -> ()
        %add3A_118 = arith.constant 1 : i32
        %add3A_119 = arith.addi %add3A_77, %add3A_118 : i32
        %add3A_120 = arith.constant 4 : i32
        %add3A_121 = arith.addi %add3A_119, %add3A_120 : i32
        %lt3A_122 = arith.constant 80 : i32
        %lt3A_123 = arith.cmpi slt, %add3A_121, %lt3A_122 : i32
        %convert_element_type3A_124 = arith.extui %lt3A_123 : i1 to i32
        %cond3A_125 = arith.constant 0 : i32
        %cond3A_126 = arith.cmpi ne, %convert_element_type3A_124, %cond3A_125 : i32
        scf.if %cond3A_126 {
          %add3A_181 = arith.constant 1 : i32
          %add3A_182 = arith.addi %add3A_77, %add3A_181 : i32
          %add3A_183 = arith.constant 4 : i32
          %add3A_184 = arith.addi %add3A_182, %add3A_183 : i32
          %mul3A_185 = arith.constant 64 : i32
          %mul3A_186 = arith.muli %add3A_184, %mul3A_185 : i32
          %dma_start3A_187 = arith.constant 1 : i32
          %dma_start3A_188 = arith.constant 0 : i32
          %dma_start3A_189 = arith.constant 0 : i32
          %dma_start3A_190 = tpu.memref_slice %arg8[%dma_start3A_187, %dma_start3A_188, %dma_start3A_189] : memref<4x64x128xf32, #tpu.memory_space<vmem>> -> memref<1x64x128xf32, #tpu.memory_space<vmem>>
          %dma_start3A_191 = tpu.memref_squeeze %dma_start3A_190 : memref<1x64x128xf32, #tpu.memory_space<vmem>> -> memref<64x128xf32, #tpu.memory_space<vmem>>
          %dma_start3A_192 = tpu.memref_slice %arg6[%mul3A_186] : memref<5120xi32, #tpu.memory_space<vmem>> -> memref<64xi32, #tpu.memory_space<vmem>>
          %dma_start3A_193 = arith.constant 0 : i32
          %dma_start3A_194 = arith.constant 0 : i32
          %dma_start3A_195 = tpu.memref_slice %arg4[%dma_start3A_193, %dma_start3A_194] : memref<10240x128xf32, #tpu.memory_space<hbm>> -> memref<10240x128xf32, #tpu.memory_space<hbm>>
          tpu.enqueue_indirect_dma source(%dma_start3A_195 : memref<10240x128xf32, #tpu.memory_space<hbm>>) target(%dma_start3A_191 : memref<64x128xf32, #tpu.memory_space<vmem>>) offsets(%dma_start3A_192 : memref<64xi32, #tpu.memory_space<vmem>>) semaphore(%arg11 : memref<!tpu.dma_semaphore, #tpu.memory_space<semaphore_mem>>)
        } else {
        }
        %dma_wait3A_127 = arith.constant 2 : i32
        %dma_wait3A_128 = arith.constant 0 : i32
        %dma_wait3A_129 = arith.constant 0 : i32
        %dma_wait3A_130 = tpu.memref_slice %arg8[%dma_wait3A_127, %dma_wait3A_128, %dma_wait3A_129] : memref<4x64x128xf32, #tpu.memory_space<vmem>> -> memref<1x64x128xf32, #tpu.memory_space<vmem>>
        %dma_wait3A_131 = tpu.memref_squeeze %dma_wait3A_130 : memref<1x64x128xf32, #tpu.memory_space<vmem>> -> memref<64x128xf32, #tpu.memory_space<vmem>>
        %dma_wait3A_132 = arith.constant 0 : i32
        %dma_wait3A_133 = arith.constant 0 : i32
        %dma_wait3A_134 = tpu.memref_slice %arg4[%dma_wait3A_132, %dma_wait3A_133] : memref<10240x128xf32, #tpu.memory_space<hbm>> -> memref<64x128xf32, #tpu.memory_space<hbm>>
        %dma_wait3A_135 = arith.constant 0 : i32
        %dma_wait3A_136 = arith.constant 0 : i32
        %dma_wait3A_137 = tpu.memref_slice %arg8[%dma_wait3A_127, %dma_wait3A_135, %dma_wait3A_136] : memref<4x64x128xf32, #tpu.memory_space<vmem>> -> memref<1x64x128xf32, #tpu.memory_space<vmem>>
        %dma_wait3A_138 = tpu.memref_squeeze %dma_wait3A_137 : memref<1x64x128xf32, #tpu.memory_space<vmem>> -> memref<64x128xf32, #tpu.memory_space<vmem>>
        %dma_wait3A_139 = arith.constant 0 : i32
        %dma_wait3A_140 = arith.constant 0 : i32
        %dma_wait3A_141 = tpu.memref_slice %arg4[%dma_wait3A_139, %dma_wait3A_140] : memref<10240x128xf32, #tpu.memory_space<hbm>> -> memref<64x128xf32, #tpu.memory_space<hbm>>
        tpu.wait_dma2 semaphore(%arg12 : memref<!tpu.dma_semaphore, #tpu.memory_space<semaphore_mem>>) src(%dma_wait3A_141 : memref<64x128xf32, #tpu.memory_space<hbm>>) dst(%dma_wait3A_138 : memref<64x128xf32, #tpu.memory_space<vmem>>)
        %add3A_142 = arith.constant 2 : i32
        %add3A_143 = arith.addi %add3A_77, %add3A_142 : i32
        %run_scoped3A_144 = arith.constant 2 : i32
        "tpu.region"() ({
          %run_scoped3A_181 = tpu.sem_alloc : memref<!tpu.dma_semaphore, #tpu.memory_space<semaphore_mem>>
          %dma_start3A_182 = arith.constant 0 : i32
          %dma_start3A_183 = arith.constant 0 : i32
          %dma_start3A_184 = tpu.memref_slice %arg8[%run_scoped3A_144, %dma_start3A_182, %dma_start3A_183] : memref<4x64x128xf32, #tpu.memory_space<vmem>> -> memref<1x64x128xf32, #tpu.memory_space<vmem>>
          %dma_start3A_185 = tpu.memref_squeeze %dma_start3A_184 : memref<1x64x128xf32, #tpu.memory_space<vmem>> -> memref<64x128xf32, #tpu.memory_space<vmem>>
          %dma_start3A_186 = arith.constant 0 : i32
          %dma_start3A_187 = tpu.memref_slice %arg7[%add3A_143, %dma_start3A_186] : memref<80x64xi32, #tpu.memory_space<vmem>> -> memref<1x64xi32, #tpu.memory_space<vmem>>
          %dma_start3A_188 = tpu.memref_squeeze %dma_start3A_187 : memref<1x64xi32, #tpu.memory_space<vmem>> -> memref<64xi32, #tpu.memory_space<vmem>>
          %dma_start3A_189 = arith.constant 0 : i32
          %dma_start3A_190 = arith.constant 0 : i32
          %dma_start3A_191 = tpu.memref_slice %arg9[%dma_start3A_189, %dma_start3A_190] : memref<10240x128xf32, #tpu.memory_space<vmem_shared>> -> memref<10240x128xf32, #tpu.memory_space<vmem_shared>>
          tpu.enqueue_indirect_dma source(%dma_start3A_185 : memref<64x128xf32, #tpu.memory_space<vmem>>) target(%dma_start3A_191 : memref<10240x128xf32, #tpu.memory_space<vmem_shared>>) offsets(%dma_start3A_188 : memref<64xi32, #tpu.memory_space<vmem>>) semaphore(%run_scoped3A_181 : memref<!tpu.dma_semaphore, #tpu.memory_space<semaphore_mem>>) {add = true}
          %dma_wait3A_192 = arith.constant 0 : i32
          %dma_wait3A_193 = arith.constant 0 : i32
          %dma_wait3A_194 = tpu.memref_slice %arg8[%run_scoped3A_144, %dma_wait3A_192, %dma_wait3A_193] : memref<4x64x128xf32, #tpu.memory_space<vmem>> -> memref<1x64x128xf32, #tpu.memory_space<vmem>>
          %dma_wait3A_195 = tpu.memref_squeeze %dma_wait3A_194 : memref<1x64x128xf32, #tpu.memory_space<vmem>> -> memref<64x128xf32, #tpu.memory_space<vmem>>
          %dma_wait3A_196 = arith.constant 0 : i32
          %dma_wait3A_197 = tpu.memref_slice %arg7[%add3A_143, %dma_wait3A_196] : memref<80x64xi32, #tpu.memory_space<vmem>> -> memref<1x64xi32, #tpu.memory_space<vmem>>
          %dma_wait3A_198 = tpu.memref_squeeze %dma_wait3A_197 : memref<1x64xi32, #tpu.memory_space<vmem>> -> memref<64xi32, #tpu.memory_space<vmem>>
          %dma_wait3A_199 = arith.constant 0 : i32
          %dma_wait3A_200 = arith.constant 0 : i32
          %dma_wait3A_201 = tpu.memref_slice %arg9[%dma_wait3A_199, %dma_wait3A_200] : memref<10240x128xf32, #tpu.memory_space<vmem_shared>> -> memref<10240x128xf32, #tpu.memory_space<vmem_shared>>
          tpu.wait_indirect_dma semaphore(%run_scoped3A_181 : memref<!tpu.dma_semaphore, #tpu.memory_space<semaphore_mem>>) src(%dma_wait3A_195 : memref<64x128xf32, #tpu.memory_space<vmem>>) dst(%dma_wait3A_201 : memref<10240x128xf32, #tpu.memory_space<vmem_shared>>)
          tpu.yield
        }) : () -> ()
        %add3A_145 = arith.constant 2 : i32
        %add3A_146 = arith.addi %add3A_77, %add3A_145 : i32
        %add3A_147 = arith.constant 4 : i32
        %add3A_148 = arith.addi %add3A_146, %add3A_147 : i32
        %lt3A_149 = arith.constant 80 : i32
        %lt3A_150 = arith.cmpi slt, %add3A_148, %lt3A_149 : i32
        %convert_element_type3A_151 = arith.extui %lt3A_150 : i1 to i32
        %cond3A_152 = arith.constant 0 : i32
        %cond3A_153 = arith.cmpi ne, %convert_element_type3A_151, %cond3A_152 : i32
        scf.if %cond3A_153 {
          %add3A_181 = arith.constant 2 : i32
          %add3A_182 = arith.addi %add3A_77, %add3A_181 : i32
          %add3A_183 = arith.constant 4 : i32
          %add3A_184 = arith.addi %add3A_182, %add3A_183 : i32
          %mul3A_185 = arith.constant 64 : i32
          %mul3A_186 = arith.muli %add3A_184, %mul3A_185 : i32
          %dma_start3A_187 = arith.constant 2 : i32
          %dma_start3A_188 = arith.constant 0 : i32
          %dma_start3A_189 = arith.constant 0 : i32
          %dma_start3A_190 = tpu.memref_slice %arg8[%dma_start3A_187, %dma_start3A_188, %dma_start3A_189] : memref<4x64x128xf32, #tpu.memory_space<vmem>> -> memref<1x64x128xf32, #tpu.memory_space<vmem>>
          %dma_start3A_191 = tpu.memref_squeeze %dma_start3A_190 : memref<1x64x128xf32, #tpu.memory_space<vmem>> -> memref<64x128xf32, #tpu.memory_space<vmem>>
          %dma_start3A_192 = tpu.memref_slice %arg6[%mul3A_186] : memref<5120xi32, #tpu.memory_space<vmem>> -> memref<64xi32, #tpu.memory_space<vmem>>
          %dma_start3A_193 = arith.constant 0 : i32
          %dma_start3A_194 = arith.constant 0 : i32
          %dma_start3A_195 = tpu.memref_slice %arg4[%dma_start3A_193, %dma_start3A_194] : memref<10240x128xf32, #tpu.memory_space<hbm>> -> memref<10240x128xf32, #tpu.memory_space<hbm>>
          tpu.enqueue_indirect_dma source(%dma_start3A_195 : memref<10240x128xf32, #tpu.memory_space<hbm>>) target(%dma_start3A_191 : memref<64x128xf32, #tpu.memory_space<vmem>>) offsets(%dma_start3A_192 : memref<64xi32, #tpu.memory_space<vmem>>) semaphore(%arg12 : memref<!tpu.dma_semaphore, #tpu.memory_space<semaphore_mem>>)
        } else {
        }
        %dma_wait3A_154 = arith.constant 3 : i32
        %dma_wait3A_155 = arith.constant 0 : i32
        %dma_wait3A_156 = arith.constant 0 : i32
        %dma_wait3A_157 = tpu.memref_slice %arg8[%dma_wait3A_154, %dma_wait3A_155, %dma_wait3A_156] : memref<4x64x128xf32, #tpu.memory_space<vmem>> -> memref<1x64x128xf32, #tpu.memory_space<vmem>>
        %dma_wait3A_158 = tpu.memref_squeeze %dma_wait3A_157 : memref<1x64x128xf32, #tpu.memory_space<vmem>> -> memref<64x128xf32, #tpu.memory_space<vmem>>
        %dma_wait3A_159 = arith.constant 0 : i32
        %dma_wait3A_160 = arith.constant 0 : i32
        %dma_wait3A_161 = tpu.memref_slice %arg4[%dma_wait3A_159, %dma_wait3A_160] : memref<10240x128xf32, #tpu.memory_space<hbm>> -> memref<64x128xf32, #tpu.memory_space<hbm>>
        %dma_wait3A_162 = arith.constant 0 : i32
        %dma_wait3A_163 = arith.constant 0 : i32
        %dma_wait3A_164 = tpu.memref_slice %arg8[%dma_wait3A_154, %dma_wait3A_162, %dma_wait3A_163] : memref<4x64x128xf32, #tpu.memory_space<vmem>> -> memref<1x64x128xf32, #tpu.memory_space<vmem>>
        %dma_wait3A_165 = tpu.memref_squeeze %dma_wait3A_164 : memref<1x64x128xf32, #tpu.memory_space<vmem>> -> memref<64x128xf32, #tpu.memory_space<vmem>>
        %dma_wait3A_166 = arith.constant 0 : i32
        %dma_wait3A_167 = arith.constant 0 : i32
        %dma_wait3A_168 = tpu.memref_slice %arg4[%dma_wait3A_166, %dma_wait3A_167] : memref<10240x128xf32, #tpu.memory_space<hbm>> -> memref<64x128xf32, #tpu.memory_space<hbm>>
        tpu.wait_dma2 semaphore(%arg13 : memref<!tpu.dma_semaphore, #tpu.memory_space<semaphore_mem>>) src(%dma_wait3A_168 : memref<64x128xf32, #tpu.memory_space<hbm>>) dst(%dma_wait3A_165 : memref<64x128xf32, #tpu.memory_space<vmem>>)
        %add3A_169 = arith.constant 3 : i32
        %add3A_170 = arith.addi %add3A_77, %add3A_169 : i32
        %run_scoped3A_171 = arith.constant 3 : i32
        "tpu.region"() ({
          %run_scoped3A_181 = tpu.sem_alloc : memref<!tpu.dma_semaphore, #tpu.memory_space<semaphore_mem>>
          %dma_start3A_182 = arith.constant 0 : i32
          %dma_start3A_183 = arith.constant 0 : i32
          %dma_start3A_184 = tpu.memref_slice %arg8[%run_scoped3A_171, %dma_start3A_182, %dma_start3A_183] : memref<4x64x128xf32, #tpu.memory_space<vmem>> -> memref<1x64x128xf32, #tpu.memory_space<vmem>>
          %dma_start3A_185 = tpu.memref_squeeze %dma_start3A_184 : memref<1x64x128xf32, #tpu.memory_space<vmem>> -> memref<64x128xf32, #tpu.memory_space<vmem>>
          %dma_start3A_186 = arith.constant 0 : i32
          %dma_start3A_187 = tpu.memref_slice %arg7[%add3A_170, %dma_start3A_186] : memref<80x64xi32, #tpu.memory_space<vmem>> -> memref<1x64xi32, #tpu.memory_space<vmem>>
          %dma_start3A_188 = tpu.memref_squeeze %dma_start3A_187 : memref<1x64xi32, #tpu.memory_space<vmem>> -> memref<64xi32, #tpu.memory_space<vmem>>
          %dma_start3A_189 = arith.constant 0 : i32
          %dma_start3A_190 = arith.constant 0 : i32
          %dma_start3A_191 = tpu.memref_slice %arg9[%dma_start3A_189, %dma_start3A_190] : memref<10240x128xf32, #tpu.memory_space<vmem_shared>> -> memref<10240x128xf32, #tpu.memory_space<vmem_shared>>
          tpu.enqueue_indirect_dma source(%dma_start3A_185 : memref<64x128xf32, #tpu.memory_space<vmem>>) target(%dma_start3A_191 : memref<10240x128xf32, #tpu.memory_space<vmem_shared>>) offsets(%dma_start3A_188 : memref<64xi32, #tpu.memory_space<vmem>>) semaphore(%run_scoped3A_181 : memref<!tpu.dma_semaphore, #tpu.memory_space<semaphore_mem>>) {add = true}
          %dma_wait3A_192 = arith.constant 0 : i32
          %dma_wait3A_193 = arith.constant 0 : i32
          %dma_wait3A_194 = tpu.memref_slice %arg8[%run_scoped3A_171, %dma_wait3A_192, %dma_wait3A_193] : memref<4x64x128xf32, #tpu.memory_space<vmem>> -> memref<1x64x128xf32, #tpu.memory_space<vmem>>
          %dma_wait3A_195 = tpu.memref_squeeze %dma_wait3A_194 : memref<1x64x128xf32, #tpu.memory_space<vmem>> -> memref<64x128xf32, #tpu.memory_space<vmem>>
          %dma_wait3A_196 = arith.constant 0 : i32
          %dma_wait3A_197 = tpu.memref_slice %arg7[%add3A_170, %dma_wait3A_196] : memref<80x64xi32, #tpu.memory_space<vmem>> -> memref<1x64xi32, #tpu.memory_space<vmem>>
          %dma_wait3A_198 = tpu.memref_squeeze %dma_wait3A_197 : memref<1x64xi32, #tpu.memory_space<vmem>> -> memref<64xi32, #tpu.memory_space<vmem>>
          %dma_wait3A_199 = arith.constant 0 : i32
          %dma_wait3A_200 = arith.constant 0 : i32
          %dma_wait3A_201 = tpu.memref_slice %arg9[%dma_wait3A_199, %dma_wait3A_200] : memref<10240x128xf32, #tpu.memory_space<vmem_shared>> -> memref<10240x128xf32, #tpu.memory_space<vmem_shared>>
          tpu.wait_indirect_dma semaphore(%run_scoped3A_181 : memref<!tpu.dma_semaphore, #tpu.memory_space<semaphore_mem>>) src(%dma_wait3A_195 : memref<64x128xf32, #tpu.memory_space<vmem>>) dst(%dma_wait3A_201 : memref<10240x128xf32, #tpu.memory_space<vmem_shared>>)
          tpu.yield
        }) : () -> ()
        %add3A_172 = arith.constant 3 : i32
        %add3A_173 = arith.addi %add3A_77, %add3A_172 : i32
        %add3A_174 = arith.constant 4 : i32
        %add3A_175 = arith.addi %add3A_173, %add3A_174 : i32
        %lt3A_176 = arith.constant 80 : i32
        %lt3A_177 = arith.cmpi slt, %add3A_175, %lt3A_176 : i32
        %convert_element_type3A_178 = arith.extui %lt3A_177 : i1 to i32
        %cond3A_179 = arith.constant 0 : i32
        %cond3A_180 = arith.cmpi ne, %convert_element_type3A_178, %cond3A_179 : i32
        scf.if %cond3A_180 {
          %add3A_181 = arith.constant 3 : i32
          %add3A_182 = arith.addi %add3A_77, %add3A_181 : i32
          %add3A_183 = arith.constant 4 : i32
          %add3A_184 = arith.addi %add3A_182, %add3A_183 : i32
          %mul3A_185 = arith.constant 64 : i32
          %mul3A_186 = arith.muli %add3A_184, %mul3A_185 : i32
          %dma_start3A_187 = arith.constant 3 : i32
          %dma_start3A_188 = arith.constant 0 : i32
          %dma_start3A_189 = arith.constant 0 : i32
          %dma_start3A_190 = tpu.memref_slice %arg8[%dma_start3A_187, %dma_start3A_188, %dma_start3A_189] : memref<4x64x128xf32, #tpu.memory_space<vmem>> -> memref<1x64x128xf32, #tpu.memory_space<vmem>>
          %dma_start3A_191 = tpu.memref_squeeze %dma_start3A_190 : memref<1x64x128xf32, #tpu.memory_space<vmem>> -> memref<64x128xf32, #tpu.memory_space<vmem>>
          %dma_start3A_192 = tpu.memref_slice %arg6[%mul3A_186] : memref<5120xi32, #tpu.memory_space<vmem>> -> memref<64xi32, #tpu.memory_space<vmem>>
          %dma_start3A_193 = arith.constant 0 : i32
          %dma_start3A_194 = arith.constant 0 : i32
          %dma_start3A_195 = tpu.memref_slice %arg4[%dma_start3A_193, %dma_start3A_194] : memref<10240x128xf32, #tpu.memory_space<hbm>> -> memref<10240x128xf32, #tpu.memory_space<hbm>>
          tpu.enqueue_indirect_dma source(%dma_start3A_195 : memref<10240x128xf32, #tpu.memory_space<hbm>>) target(%dma_start3A_191 : memref<64x128xf32, #tpu.memory_space<vmem>>) offsets(%dma_start3A_192 : memref<64xi32, #tpu.memory_space<vmem>>) semaphore(%arg13 : memref<!tpu.dma_semaphore, #tpu.memory_space<semaphore_mem>>)
        } else {
        }
      }
      %scan3A_72 = arith.constant 20 : i32
    }
    %scan3A_14 = arith.constant 2 : i32
    %barrier3A_15 = arith.constant 0 : index
    tpu.barrier barrier_id(%barrier3A_15)
    %mul3A_16 = arith.constant 640 : i32
    %mul3A_17 = arith.muli %arg1, %mul3A_16 : i32
    "tpu.region"() ({
      %run_scoped3A = tpu.sem_alloc : memref<!tpu.dma_semaphore, #tpu.memory_space<semaphore_mem>>
      %dma_start3A = arith.constant 0 : i32
      %dma_start3A_18 = tpu.memref_slice %arg5[%arg0, %mul3A_17, %dma_start3A] : memref<2x10240x128xf32, #tpu.memory_space<hbm>> -> memref<1x640x128xf32, #tpu.memory_space<hbm>>
      %dma_start3A_19 = tpu.memref_squeeze %dma_start3A_18 : memref<1x640x128xf32, #tpu.memory_space<hbm>> -> memref<640x128xf32, #tpu.memory_space<hbm>>
      %dma_start3A_20 = arith.constant 0 : i32
      %dma_start3A_21 = tpu.memref_slice %arg9[%mul3A_17, %dma_start3A_20] : memref<10240x128xf32, #tpu.memory_space<vmem_shared>> -> memref<640x128xf32, #tpu.memory_space<vmem_shared>>
      tpu.enqueue_dma source(%dma_start3A_21 : memref<640x128xf32, #tpu.memory_space<vmem_shared>>) target(%dma_start3A_19 : memref<640x128xf32, #tpu.memory_space<hbm>>) target_semaphore(%run_scoped3A : memref<!tpu.dma_semaphore, #tpu.memory_space<semaphore_mem>>)
      %dma_wait3A = arith.constant 0 : i32
      %dma_wait3A_22 = tpu.memref_slice %arg5[%arg0, %mul3A_17, %dma_wait3A] : memref<2x10240x128xf32, #tpu.memory_space<hbm>> -> memref<1x640x128xf32, #tpu.memory_space<hbm>>
      %dma_wait3A_23 = tpu.memref_squeeze %dma_wait3A_22 : memref<1x640x128xf32, #tpu.memory_space<hbm>> -> memref<640x128xf32, #tpu.memory_space<hbm>>
      %dma_wait3A_24 = arith.constant 0 : i32
      %dma_wait3A_25 = tpu.memref_slice %arg9[%mul3A_17, %dma_wait3A_24] : memref<10240x128xf32, #tpu.memory_space<vmem_shared>> -> memref<640x128xf32, #tpu.memory_space<vmem_shared>>
      tpu.wait_dma2 semaphore(%run_scoped3A : memref<!tpu.dma_semaphore, #tpu.memory_space<semaphore_mem>>) src(%dma_wait3A_25 : memref<640x128xf32, #tpu.memory_space<vmem_shared>>) dst(%dma_wait3A_23 : memref<640x128xf32, #tpu.memory_space<hbm>>)
      tpu.yield
    }) : () -> ()
    return
  }
}

#map = affine_map<(d0, d1) -> (0, 0)>
#map1 = affine_map<(d0, d1) -> (0, 0, 0)>
module attributes {stable_mosaic.version = 14 : i64} {
  func.func @k(%arg0: i32, %arg1: i32, %arg2: memref<32x10240xi32, #tpu.memory_space<hbm>>, %arg3: memref<32x160x64xi32, #tpu.memory_space<hbm>>, %arg4: memref<10240x128xf32, #tpu.memory_space<hbm>>, %arg5: memref<2x10240x128xf32, #tpu.memory_space<hbm>>, %arg6: memref<5120xi32, #tpu.memory_space<vmem>>, %arg7: memref<80x64xi32, #tpu.memory_space<vmem>>, %arg8: memref<4x64x128xf32, #tpu.memory_space<vmem>>, %arg9: memref<10240x128xf32, #tpu.memory_space<vmem_shared>>, %arg10: memref<!tpu.dma_semaphore, #tpu.memory_space<semaphore_mem>>, %arg11: memref<!tpu.dma_semaphore, #tpu.memory_space<semaphore_mem>>, %arg12: memref<!tpu.dma_semaphore, #tpu.memory_space<semaphore_mem>>, %arg13: memref<!tpu.dma_semaphore, #tpu.memory_space<semaphore_mem>>) attributes {dimension_semantics = [#tpu.dimension_semantics<core_parallel>, #tpu.dimension_semantics<subcore_parallel>], iteration_bounds = array<i64: 2, 16>, scalar_prefetch = 0 : i64, scratch_operands = 8 : i64, tpu.core_type = #tpu.core_type<sc_vector_subcore>, window_params = [{transform_indices = #map}, {transform_indices = #map1}, {transform_indices = #map}, {transform_indices = #map1}]} {
    %mul3A = arith.constant 2 : i32
    %mul3A_0 = arith.muli %arg1, %mul3A : i32
    %add3A = arith.addi %mul3A_0, %arg0 : i32
    %scan3A = arith.constant 0 : i32
    %scan3A_1 = arith.constant 64 : i32
    %scan3A_2 = arith.addi %scan3A, %scan3A_1 : i32
    %scan3A_3 = arith.constant 1 : i32
    scf.for %scan3A_18 = %scan3A to %scan3A_2 step %scan3A_3  : i32 {
      %mul3A_19 = arith.constant 1 : i32
      %mul3A_20 = arith.muli %scan3A_18, %mul3A_19 : i32
      %add3A_21 = arith.constant 0 : i32
      %add3A_22 = arith.addi %add3A_21, %mul3A_20 : i32
      %scan3A_23 = arith.constant 0 : i32
      %scan3A_24 = arith.constant 8 : i32
      %scan3A_25 = arith.addi %scan3A_23, %scan3A_24 : i32
      %scan3A_26 = arith.constant 1 : i32
      scf.for %scan3A_28 = %scan3A_23 to %scan3A_25 step %scan3A_26  : i32 {
        %mul3A_29 = arith.constant 16 : i32
        %mul3A_30 = arith.muli %scan3A_28, %mul3A_29 : i32
        %add3A_31 = arith.constant 0 : i32
        %add3A_32 = arith.addi %add3A_31, %mul3A_30 : i32
        %broadcast_in_dim3A = arith.constant 0.000000e+00 : f32
        %broadcast_in_dim3A_33 = vector.broadcast %broadcast_in_dim3A : f32 to vector<16xf32>
        %swap3A = arith.constant 0 : i32
        %swap3A_34 = arith.index_cast %swap3A : i32 to index
        %swap3A_35 = arith.index_cast %add3A_22 : i32 to index
        %swap3A_36 = arith.index_cast %add3A_32 : i32 to index
        %swap3A_37 = tpu.vector_load %arg8[%swap3A_34, %swap3A_35, %swap3A_36] {strides = array<i32>} : memref<4x64x128xf32, #tpu.memory_space<vmem>>, vector<1x1x16xf32>,
        %swap3A_38 = vector.shape_cast %swap3A_37 : vector<1x1x16xf32> to vector<16xf32>
        %swap3A_39 = vector.shape_cast %broadcast_in_dim3A_33 : vector<16xf32> to vector<1x1x16xf32>
        tpu.vector_store %arg8[%swap3A_34, %swap3A_35, %swap3A_36], %swap3A_39 {strides = array<i32>} : memref<4x64x128xf32, #tpu.memory_space<vmem>>, vector<1x1x16xf32>,
      }
      %scan3A_27 = arith.constant 8 : i32
    }
    %scan3A_4 = arith.constant 64 : i32
    %scan3A_5 = arith.constant 0 : i32
    %scan3A_6 = arith.constant 10 : i32
    %scan3A_7 = arith.addi %scan3A_5, %scan3A_6 : i32
    %scan3A_8 = arith.constant 1 : i32
    scf.for %scan3A_18 = %scan3A_5 to %scan3A_7 step %scan3A_8  : i32 {
      %mul3A_19 = arith.constant 64 : i32
      %mul3A_20 = arith.muli %scan3A_18, %mul3A_19 : i32
      %add3A_21 = arith.constant 0 : i32
      %add3A_22 = arith.addi %add3A_21, %mul3A_20 : i32
      %mul3A_23 = arith.constant 640 : i32
      %mul3A_24 = arith.muli %arg1, %mul3A_23 : i32
      %add3A_25 = arith.addi %mul3A_24, %add3A_22 : i32
      %run_scoped3A = arith.constant 0 : i32
      "tpu.region"() ({
        %run_scoped3A_26 = tpu.sem_alloc : memref<!tpu.dma_semaphore, #tpu.memory_space<semaphore_mem>>
        %dma_start3A = arith.constant 0 : i32
        %dma_start3A_27 = arith.constant 0 : i32
        %dma_start3A_28 = tpu.memref_slice %arg8[%run_scoped3A, %dma_start3A, %dma_start3A_27] : memref<4x64x128xf32, #tpu.memory_space<vmem>> -> memref<1x64x128xf32, #tpu.memory_space<vmem>>
        %dma_start3A_29 = tpu.memref_squeeze %dma_start3A_28 : memref<1x64x128xf32, #tpu.memory_space<vmem>> -> memref<64x128xf32, #tpu.memory_space<vmem>>
        %dma_start3A_30 = arith.constant 0 : i32
        %dma_start3A_31 = tpu.memref_slice %arg9[%add3A_25, %dma_start3A_30] : memref<10240x128xf32, #tpu.memory_space<vmem_shared>> -> memref<64x128xf32, #tpu.memory_space<vmem_shared>>
        %dma_start3A_32 = arith.constant 0 : i32
        %dma_start3A_33 = tpu.memref_slice %arg9[%add3A_25, %dma_start3A_32] : memref<10240x128xf32, #tpu.memory_space<vmem_shared>> -> memref<64x128xf32, #tpu.memory_space<vmem_shared>>
        %dma_start3A_34 = arith.constant 0 : i32
        %dma_start3A_35 = arith.constant 0 : i32
        %dma_start3A_36 = tpu.memref_slice %arg8[%run_scoped3A, %dma_start3A_34, %dma_start3A_35] : memref<4x64x128xf32, #tpu.memory_space<vmem>> -> memref<1x64x128xf32, #tpu.memory_space<vmem>>
        %dma_start3A_37 = tpu.memref_squeeze %dma_start3A_36 : memref<1x64x128xf32, #tpu.memory_space<vmem>> -> memref<64x128xf32, #tpu.memory_space<vmem>>
        tpu.enqueue_dma source(%dma_start3A_37 : memref<64x128xf32, #tpu.memory_space<vmem>>) target(%dma_start3A_33 : memref<64x128xf32, #tpu.memory_space<vmem_shared>>) target_semaphore(%run_scoped3A_26 : memref<!tpu.dma_semaphore, #tpu.memory_space<semaphore_mem>>)
        %dma_wait3A = arith.constant 0 : i32
        %dma_wait3A_38 = arith.constant 0 : i32
        %dma_wait3A_39 = tpu.memref_slice %arg8[%run_scoped3A, %dma_wait3A, %dma_wait3A_38] : memref<4x64x128xf32, #tpu.memory_space<vmem>> -> memref<1x64x128xf32, #tpu.memory_space<vmem>>
        %dma_wait3A_40 = tpu.memref_squeeze %dma_wait3A_39 : memref<1x64x128xf32, #tpu.memory_space<vmem>> -> memref<64x128xf32, #tpu.memory_space<vmem>>
        %dma_wait3A_41 = arith.constant 0 : i32
        %dma_wait3A_42 = tpu.memref_slice %arg9[%add3A_25, %dma_wait3A_41] : memref<10240x128xf32, #tpu.memory_space<vmem_shared>> -> memref<64x128xf32, #tpu.memory_space<vmem_shared>>
        %dma_wait3A_43 = arith.constant 0 : i32
        %dma_wait3A_44 = tpu.memref_slice %arg9[%add3A_25, %dma_wait3A_43] : memref<10240x128xf32, #tpu.memory_space<vmem_shared>> -> memref<64x128xf32, #tpu.memory_space<vmem_shared>>
        %dma_wait3A_45 = arith.constant 0 : i32
        %dma_wait3A_46 = arith.constant 0 : i32
        %dma_wait3A_47 = tpu.memref_slice %arg8[%run_scoped3A, %dma_wait3A_45, %dma_wait3A_46] : memref<4x64x128xf32, #tpu.memory_space<vmem>> -> memref<1x64x128xf32, #tpu.memory_space<vmem>>
        %dma_wait3A_48 = tpu.memref_squeeze %dma_wait3A_47 : memref<1x64x128xf32, #tpu.memory_space<vmem>> -> memref<64x128xf32, #tpu.memory_space<vmem>>
        tpu.wait_dma2 semaphore(%run_scoped3A_26 : memref<!tpu.dma_semaphore, #tpu.memory_space<semaphore_mem>>) src(%dma_wait3A_48 : memref<64x128xf32, #tpu.memory_space<vmem>>) dst(%dma_wait3A_44 : memref<64x128xf32, #tpu.memory_space<vmem_shared>>)
        tpu.yield
      }) : () -> ()
    }
    %scan3A_9 = arith.constant 10 : i32
    %barrier3A = arith.constant 0 : index
    tpu.barrier barrier_id(%barrier3A)
    %scan3A_10 = arith.constant 0 : i32
    %scan3A_11 = arith.constant 2 : i32
    %scan3A_12 = arith.addi %scan3A_10, %scan3A_11 : i32
    %scan3A_13 = arith.constant 1 : i32
    scf.for %scan3A_18 = %scan3A_10 to %scan3A_12 step %scan3A_13  : i32 {
      %mul3A_19 = arith.constant 1 : i32
      %mul3A_20 = arith.muli %scan3A_18, %mul3A_19 : i32
      %add3A_21 = arith.constant 0 : i32
      %add3A_22 = arith.addi %add3A_21, %mul3A_20 : i32
      %mul3A_23 = arith.constant 80 : i32
      %mul3A_24 = arith.muli %add3A_22, %mul3A_23 : i32
      %mul3A_25 = arith.constant 64 : i32
      %mul3A_26 = arith.muli %mul3A_24, %mul3A_25 : i32
      "tpu.region"() ({
        %run_scoped3A = tpu.sem_alloc : memref<!tpu.dma_semaphore, #tpu.memory_space<semaphore_mem>>
        %dma_start3A_73 = tpu.memref_slice %arg2[%add3A, %mul3A_26] : memref<32x10240xi32, #tpu.memory_space<hbm>> -> memref<1x5120xi32, #tpu.memory_space<hbm>>
        %dma_start3A_74 = tpu.memref_squeeze %dma_start3A_73 : memref<1x5120xi32, #tpu.memory_space<hbm>> -> memref<5120xi32, #tpu.memory_space<hbm>>
        %dma_start3A_75 = tpu.memref_slice %arg2[%add3A, %mul3A_26] : memref<32x10240xi32, #tpu.memory_space<hbm>> -> memref<1x5120xi32, #tpu.memory_space<hbm>>
        %dma_start3A_76 = tpu.memref_squeeze %dma_start3A_75 : memref<1x5120xi32, #tpu.memory_space<hbm>> -> memref<5120xi32, #tpu.memory_space<hbm>>
        tpu.enqueue_dma source(%dma_start3A_76 : memref<5120xi32, #tpu.memory_space<hbm>>) target(%arg6 : memref<5120xi32, #tpu.memory_space<vmem>>) target_semaphore(%run_scoped3A : memref<!tpu.dma_semaphore, #tpu.memory_space<semaphore_mem>>)
        %dma_wait3A = tpu.memref_slice %arg2[%add3A, %mul3A_26] : memref<32x10240xi32, #tpu.memory_space<hbm>> -> memref<1x5120xi32, #tpu.memory_space<hbm>>
        %dma_wait3A_77 = tpu.memref_squeeze %dma_wait3A : memref<1x5120xi32, #tpu.memory_space<hbm>> -> memref<5120xi32, #tpu.memory_space<hbm>>
        %dma_wait3A_78 = tpu.memref_slice %arg2[%add3A, %mul3A_26] : memref<32x10240xi32, #tpu.memory_space<hbm>> -> memref<1x5120xi32, #tpu.memory_space<hbm>>
        %dma_wait3A_79 = tpu.memref_squeeze %dma_wait3A_78 : memref<1x5120xi32, #tpu.memory_space<hbm>> -> memref<5120xi32, #tpu.memory_space<hbm>>
        tpu.wait_dma2 semaphore(%run_scoped3A : memref<!tpu.dma_semaphore, #tpu.memory_space<semaphore_mem>>) src(%dma_wait3A_79 : memref<5120xi32, #tpu.memory_space<hbm>>) dst(%arg6 : memref<5120xi32, #tpu.memory_space<vmem>>)
        tpu.yield
      }) : () -> ()
      %mul3A_27 = arith.constant 80 : i32
      %mul3A_28 = arith.muli %add3A_22, %mul3A_27 : i32
      "tpu.region"() ({
        %run_scoped3A = tpu.sem_alloc : memref<!tpu.dma_semaphore, #tpu.memory_space<semaphore_mem>>
        %dma_start3A_73 = arith.constant 0 : i32
        %dma_start3A_74 = tpu.memref_slice %arg3[%add3A, %mul3A_28, %dma_start3A_73] : memref<32x160x64xi32, #tpu.memory_space<hbm>> -> memref<1x80x64xi32, #tpu.memory_space<hbm>>
        %dma_start3A_75 = tpu.memref_squeeze %dma_start3A_74 : memref<1x80x64xi32, #tpu.memory_space<hbm>> -> memref<80x64xi32, #tpu.memory_space<hbm>>
        %dma_start3A_76 = arith.constant 0 : i32
        %dma_start3A_77 = tpu.memref_slice %arg3[%add3A, %mul3A_28, %dma_start3A_76] : memref<32x160x64xi32, #tpu.memory_space<hbm>> -> memref<1x80x64xi32, #tpu.memory_space<hbm>>
        %dma_start3A_78 = tpu.memref_squeeze %dma_start3A_77 : memref<1x80x64xi32, #tpu.memory_space<hbm>> -> memref<80x64xi32, #tpu.memory_space<hbm>>
        tpu.enqueue_dma source(%dma_start3A_78 : memref<80x64xi32, #tpu.memory_space<hbm>>) target(%arg7 : memref<80x64xi32, #tpu.memory_space<vmem>>) target_semaphore(%run_scoped3A : memref<!tpu.dma_semaphore, #tpu.memory_space<semaphore_mem>>)
        %dma_wait3A = arith.constant 0 : i32
        %dma_wait3A_79 = tpu.memref_slice %arg3[%add3A, %mul3A_28, %dma_wait3A] : memref<32x160x64xi32, #tpu.memory_space<hbm>> -> memref<1x80x64xi32, #tpu.memory_space<hbm>>
        %dma_wait3A_80 = tpu.memref_squeeze %dma_wait3A_79 : memref<1x80x64xi32, #tpu.memory_space<hbm>> -> memref<80x64xi32, #tpu.memory_space<hbm>>
        %dma_wait3A_81 = arith.constant 0 : i32
        %dma_wait3A_82 = tpu.memref_slice %arg3[%add3A, %mul3A_28, %dma_wait3A_81] : memref<32x160x64xi32, #tpu.memory_space<hbm>> -> memref<1x80x64xi32, #tpu.memory_space<hbm>>
        %dma_wait3A_83 = tpu.memref_squeeze %dma_wait3A_82 : memref<1x80x64xi32, #tpu.memory_space<hbm>> -> memref<80x64xi32, #tpu.memory_space<hbm>>
        tpu.wait_dma2 semaphore(%run_scoped3A : memref<!tpu.dma_semaphore, #tpu.memory_space<semaphore_mem>>) src(%dma_wait3A_83 : memref<80x64xi32, #tpu.memory_space<hbm>>) dst(%arg7 : memref<80x64xi32, #tpu.memory_space<vmem>>)
        tpu.yield
      }) : () -> ()
      %dma_start3A = arith.constant 0 : i32
      %dma_start3A_29 = arith.constant 0 : i32
      %dma_start3A_30 = arith.constant 0 : i32
      %dma_start3A_31 = tpu.memref_slice %arg8[%dma_start3A, %dma_start3A_29, %dma_start3A_30] : memref<4x64x128xf32, #tpu.memory_space<vmem>> -> memref<1x64x128xf32, #tpu.memory_space<vmem>>
      %dma_start3A_32 = tpu.memref_squeeze %dma_start3A_31 : memref<1x64x128xf32, #tpu.memory_space<vmem>> -> memref<64x128xf32, #tpu.memory_space<vmem>>
      %dma_start3A_33 = arith.constant 0 : i32
      %dma_start3A_34 = tpu.memref_slice %arg6[%dma_start3A_33] : memref<5120xi32, #tpu.memory_space<vmem>> -> memref<64xi32, #tpu.memory_space<vmem>>
      %dma_start3A_35 = arith.constant 0 : i32
      %dma_start3A_36 = arith.constant 0 : i32
      %dma_start3A_37 = tpu.memref_slice %arg4[%dma_start3A_35, %dma_start3A_36] : memref<10240x128xf32, #tpu.memory_space<hbm>> -> memref<10240x128xf32, #tpu.memory_space<hbm>>
      tpu.enqueue_indirect_dma source(%dma_start3A_37 : memref<10240x128xf32, #tpu.memory_space<hbm>>) target(%dma_start3A_32 : memref<64x128xf32, #tpu.memory_space<vmem>>) offsets(%dma_start3A_34 : memref<64xi32, #tpu.memory_space<vmem>>) semaphore(%arg10 : memref<!tpu.dma_semaphore, #tpu.memory_space<semaphore_mem>>)
      %dma_start3A_38 = arith.constant 1 : i32
      %dma_start3A_39 = arith.constant 0 : i32
      %dma_start3A_40 = arith.constant 0 : i32
      %dma_start3A_41 = tpu.memref_slice %arg8[%dma_start3A_38, %dma_start3A_39, %dma_start3A_40] : memref<4x64x128xf32, #tpu.memory_space<vmem>> -> memref<1x64x128xf32, #tpu.memory_space<vmem>>
      %dma_start3A_42 = tpu.memref_squeeze %dma_start3A_41 : memref<1x64x128xf32, #tpu.memory_space<vmem>> -> memref<64x128xf32, #tpu.memory_space<vmem>>
      %dma_start3A_43 = arith.constant 64 : i32
      %dma_start3A_44 = tpu.memref_slice %arg6[%dma_start3A_43] : memref<5120xi32, #tpu.memory_space<vmem>> -> memref<64xi32, #tpu.memory_space<vmem>>
      %dma_start3A_45 = arith.constant 0 : i32
      %dma_start3A_46 = arith.constant 0 : i32
      %dma_start3A_47 = tpu.memref_slice %arg4[%dma_start3A_45, %dma_start3A_46] : memref<10240x128xf32, #tpu.memory_space<hbm>> -> memref<10240x128xf32, #tpu.memory_space<hbm>>
      tpu.enqueue_indirect_dma source(%dma_start3A_47 : memref<10240x128xf32, #tpu.memory_space<hbm>>) target(%dma_start3A_42 : memref<64x128xf32, #tpu.memory_space<vmem>>) offsets(%dma_start3A_44 : memref<64xi32, #tpu.memory_space<vmem>>) semaphore(%arg11 : memref<!tpu.dma_semaphore, #tpu.memory_space<semaphore_mem>>)
      %dma_start3A_48 = arith.constant 2 : i32
      %dma_start3A_49 = arith.constant 0 : i32
      %dma_start3A_50 = arith.constant 0 : i32
      %dma_start3A_51 = tpu.memref_slice %arg8[%dma_start3A_48, %dma_start3A_49, %dma_start3A_50] : memref<4x64x128xf32, #tpu.memory_space<vmem>> -> memref<1x64x128xf32, #tpu.memory_space<vmem>>
      %dma_start3A_52 = tpu.memref_squeeze %dma_start3A_51 : memref<1x64x128xf32, #tpu.memory_space<vmem>> -> memref<64x128xf32, #tpu.memory_space<vmem>>
      %dma_start3A_53 = arith.constant 128 : i32
      %dma_start3A_54 = tpu.memref_slice %arg6[%dma_start3A_53] : memref<5120xi32, #tpu.memory_space<vmem>> -> memref<64xi32, #tpu.memory_space<vmem>>
      %dma_start3A_55 = arith.constant 0 : i32
      %dma_start3A_56 = arith.constant 0 : i32
      %dma_start3A_57 = tpu.memref_slice %arg4[%dma_start3A_55, %dma_start3A_56] : memref<10240x128xf32, #tpu.memory_space<hbm>> -> memref<10240x128xf32, #tpu.memory_space<hbm>>
      tpu.enqueue_indirect_dma source(%dma_start3A_57 : memref<10240x128xf32, #tpu.memory_space<hbm>>) target(%dma_start3A_52 : memref<64x128xf32, #tpu.memory_space<vmem>>) offsets(%dma_start3A_54 : memref<64xi32, #tpu.memory_space<vmem>>) semaphore(%arg12 : memref<!tpu.dma_semaphore, #tpu.memory_space<semaphore_mem>>)
      %dma_start3A_58 = arith.constant 3 : i32
      %dma_start3A_59 = arith.constant 0 : i32
      %dma_start3A_60 = arith.constant 0 : i32
      %dma_start3A_61 = tpu.memref_slice %arg8[%dma_start3A_58, %dma_start3A_59, %dma_start3A_60] : memref<4x64x128xf32, #tpu.memory_space<vmem>> -> memref<1x64x128xf32, #tpu.memory_space<vmem>>
      %dma_start3A_62 = tpu.memref_squeeze %dma_start3A_61 : memref<1x64x128xf32, #tpu.memory_space<vmem>> -> memref<64x128xf32, #tpu.memory_space<vmem>>
      %dma_start3A_63 = arith.constant 192 : i32
      %dma_start3A_64 = tpu.memref_slice %arg6[%dma_start3A_63] : memref<5120xi32, #tpu.memory_space<vmem>> -> memref<64xi32, #tpu.memory_space<vmem>>
      %dma_start3A_65 = arith.constant 0 : i32
      %dma_start3A_66 = arith.constant 0 : i32
      %dma_start3A_67 = tpu.memref_slice %arg4[%dma_start3A_65, %dma_start3A_66] : memref<10240x128xf32, #tpu.memory_space<hbm>> -> memref<10240x128xf32, #tpu.memory_space<hbm>>
      tpu.enqueue_indirect_dma source(%dma_start3A_67 : memref<10240x128xf32, #tpu.memory_space<hbm>>) target(%dma_start3A_62 : memref<64x128xf32, #tpu.memory_space<vmem>>) offsets(%dma_start3A_64 : memref<64xi32, #tpu.memory_space<vmem>>) semaphore(%arg13 : memref<!tpu.dma_semaphore, #tpu.memory_space<semaphore_mem>>)
      %scan3A_68 = arith.constant 0 : i32
      %scan3A_69 = arith.constant 20 : i32
      %scan3A_70 = arith.addi %scan3A_68, %scan3A_69 : i32
      %scan3A_71 = arith.constant 1 : i32
      scf.for %scan3A_73 = %scan3A_68 to %scan3A_70 step %scan3A_71  : i32 {
        %mul3A_74 = arith.constant 4 : i32
        %mul3A_75 = arith.muli %scan3A_73, %mul3A_74 : i32
        %add3A_76 = arith.constant 0 : i32
        %add3A_77 = arith.addi %add3A_76, %mul3A_75 : i32
        %dma_wait3A = arith.constant 0 : i32
        %dma_wait3A_78 = arith.constant 0 : i32
        %dma_wait3A_79 = arith.constant 0 : i32
        %dma_wait3A_80 = tpu.memref_slice %arg8[%dma_wait3A, %dma_wait3A_78, %dma_wait3A_79] : memref<4x64x128xf32, #tpu.memory_space<vmem>> -> memref<1x64x128xf32, #tpu.memory_space<vmem>>
        %dma_wait3A_81 = tpu.memref_squeeze %dma_wait3A_80 : memref<1x64x128xf32, #tpu.memory_space<vmem>> -> memref<64x128xf32, #tpu.memory_space<vmem>>
        %dma_wait3A_82 = arith.constant 0 : i32
        %dma_wait3A_83 = arith.constant 0 : i32
        %dma_wait3A_84 = tpu.memref_slice %arg4[%dma_wait3A_82, %dma_wait3A_83] : memref<10240x128xf32, #tpu.memory_space<hbm>> -> memref<64x128xf32, #tpu.memory_space<hbm>>
        %dma_wait3A_85 = arith.constant 0 : i32
        %dma_wait3A_86 = arith.constant 0 : i32
        %dma_wait3A_87 = tpu.memref_slice %arg8[%dma_wait3A, %dma_wait3A_85, %dma_wait3A_86] : memref<4x64x128xf32, #tpu.memory_space<vmem>> -> memref<1x64x128xf32, #tpu.memory_space<vmem>>
        %dma_wait3A_88 = tpu.memref_squeeze %dma_wait3A_87 : memref<1x64x128xf32, #tpu.memory_space<vmem>> -> memref<64x128xf32, #tpu.memory_space<vmem>>
        %dma_wait3A_89 = arith.constant 0 : i32
        %dma_wait3A_90 = arith.constant 0 : i32
        %dma_wait3A_91 = tpu.memref_slice %arg4[%dma_wait3A_89, %dma_wait3A_90] : memref<10240x128xf32, #tpu.memory_space<hbm>> -> memref<64x128xf32, #tpu.memory_space<hbm>>
        tpu.wait_dma2 semaphore(%arg10 : memref<!tpu.dma_semaphore, #tpu.memory_space<semaphore_mem>>) src(%dma_wait3A_91 : memref<64x128xf32, #tpu.memory_space<hbm>>) dst(%dma_wait3A_88 : memref<64x128xf32, #tpu.memory_space<vmem>>)
        %add3A_92 = arith.constant 0 : i32
        %add3A_93 = arith.addi %add3A_77, %add3A_92 : i32
        %run_scoped3A = arith.constant 0 : i32
        "tpu.region"() ({
          %run_scoped3A_181 = tpu.sem_alloc : memref<!tpu.dma_semaphore, #tpu.memory_space<semaphore_mem>>
          %dma_start3A_182 = arith.constant 0 : i32
          %dma_start3A_183 = arith.constant 0 : i32
          %dma_start3A_184 = tpu.memref_slice %arg8[%run_scoped3A, %dma_start3A_182, %dma_start3A_183] : memref<4x64x128xf32, #tpu.memory_space<vmem>> -> memref<1x64x128xf32, #tpu.memory_space<vmem>>
          %dma_start3A_185 = tpu.memref_squeeze %dma_start3A_184 : memref<1x64x128xf32, #tpu.memory_space<vmem>> -> memref<64x128xf32, #tpu.memory_space<vmem>>
          %dma_start3A_186 = arith.constant 0 : i32
          %dma_start3A_187 = tpu.memref_slice %arg7[%add3A_93, %dma_start3A_186] : memref<80x64xi32, #tpu.memory_space<vmem>> -> memref<1x64xi32, #tpu.memory_space<vmem>>
          %dma_start3A_188 = tpu.memref_squeeze %dma_start3A_187 : memref<1x64xi32, #tpu.memory_space<vmem>> -> memref<64xi32, #tpu.memory_space<vmem>>
          %dma_start3A_189 = arith.constant 0 : i32
          %dma_start3A_190 = arith.constant 0 : i32
          %dma_start3A_191 = tpu.memref_slice %arg9[%dma_start3A_189, %dma_start3A_190] : memref<10240x128xf32, #tpu.memory_space<vmem_shared>> -> memref<10240x128xf32, #tpu.memory_space<vmem_shared>>
          tpu.enqueue_indirect_dma source(%dma_start3A_185 : memref<64x128xf32, #tpu.memory_space<vmem>>) target(%dma_start3A_191 : memref<10240x128xf32, #tpu.memory_space<vmem_shared>>) offsets(%dma_start3A_188 : memref<64xi32, #tpu.memory_space<vmem>>) semaphore(%run_scoped3A_181 : memref<!tpu.dma_semaphore, #tpu.memory_space<semaphore_mem>>) {add = true}
          %dma_wait3A_192 = arith.constant 0 : i32
          %dma_wait3A_193 = arith.constant 0 : i32
          %dma_wait3A_194 = tpu.memref_slice %arg8[%run_scoped3A, %dma_wait3A_192, %dma_wait3A_193] : memref<4x64x128xf32, #tpu.memory_space<vmem>> -> memref<1x64x128xf32, #tpu.memory_space<vmem>>
          %dma_wait3A_195 = tpu.memref_squeeze %dma_wait3A_194 : memref<1x64x128xf32, #tpu.memory_space<vmem>> -> memref<64x128xf32, #tpu.memory_space<vmem>>
          %dma_wait3A_196 = arith.constant 0 : i32
          %dma_wait3A_197 = tpu.memref_slice %arg7[%add3A_93, %dma_wait3A_196] : memref<80x64xi32, #tpu.memory_space<vmem>> -> memref<1x64xi32, #tpu.memory_space<vmem>>
          %dma_wait3A_198 = tpu.memref_squeeze %dma_wait3A_197 : memref<1x64xi32, #tpu.memory_space<vmem>> -> memref<64xi32, #tpu.memory_space<vmem>>
          %dma_wait3A_199 = arith.constant 0 : i32
          %dma_wait3A_200 = arith.constant 0 : i32
          %dma_wait3A_201 = tpu.memref_slice %arg9[%dma_wait3A_199, %dma_wait3A_200] : memref<10240x128xf32, #tpu.memory_space<vmem_shared>> -> memref<10240x128xf32, #tpu.memory_space<vmem_shared>>
          tpu.wait_indirect_dma semaphore(%run_scoped3A_181 : memref<!tpu.dma_semaphore, #tpu.memory_space<semaphore_mem>>) src(%dma_wait3A_195 : memref<64x128xf32, #tpu.memory_space<vmem>>) dst(%dma_wait3A_201 : memref<10240x128xf32, #tpu.memory_space<vmem_shared>>)
          tpu.yield
        }) : () -> ()
        %add3A_94 = arith.constant 0 : i32
        %add3A_95 = arith.addi %add3A_77, %add3A_94 : i32
        %add3A_96 = arith.constant 4 : i32
        %add3A_97 = arith.addi %add3A_95, %add3A_96 : i32
        %lt3A = arith.constant 80 : i32
        %lt3A_98 = arith.cmpi slt, %add3A_97, %lt3A : i32
        %convert_element_type3A = arith.extui %lt3A_98 : i1 to i32
        %cond3A = arith.constant 0 : i32
        %cond3A_99 = arith.cmpi ne, %convert_element_type3A, %cond3A : i32
        scf.if %cond3A_99 {
          %add3A_181 = arith.constant 0 : i32
          %add3A_182 = arith.addi %add3A_77, %add3A_181 : i32
          %add3A_183 = arith.constant 4 : i32
          %add3A_184 = arith.addi %add3A_182, %add3A_183 : i32
          %mul3A_185 = arith.constant 64 : i32
          %mul3A_186 = arith.muli %add3A_184, %mul3A_185 : i32
          %dma_start3A_187 = arith.constant 0 : i32
          %dma_start3A_188 = arith.constant 0 : i32
          %dma_start3A_189 = arith.constant 0 : i32
          %dma_start3A_190 = tpu.memref_slice %arg8[%dma_start3A_187, %dma_start3A_188, %dma_start3A_189] : memref<4x64x128xf32, #tpu.memory_space<vmem>> -> memref<1x64x128xf32, #tpu.memory_space<vmem>>
          %dma_start3A_191 = tpu.memref_squeeze %dma_start3A_190 : memref<1x64x128xf32, #tpu.memory_space<vmem>> -> memref<64x128xf32, #tpu.memory_space<vmem>>
          %dma_start3A_192 = tpu.memref_slice %arg6[%mul3A_186] : memref<5120xi32, #tpu.memory_space<vmem>> -> memref<64xi32, #tpu.memory_space<vmem>>
          %dma_start3A_193 = arith.constant 0 : i32
          %dma_start3A_194 = arith.constant 0 : i32
          %dma_start3A_195 = tpu.memref_slice %arg4[%dma_start3A_193, %dma_start3A_194] : memref<10240x128xf32, #tpu.memory_space<hbm>> -> memref<10240x128xf32, #tpu.memory_space<hbm>>
          tpu.enqueue_indirect_dma source(%dma_start3A_195 : memref<10240x128xf32, #tpu.memory_space<hbm>>) target(%dma_start3A_191 : memref<64x128xf32, #tpu.memory_space<vmem>>) offsets(%dma_start3A_192 : memref<64xi32, #tpu.memory_space<vmem>>) semaphore(%arg10 : memref<!tpu.dma_semaphore, #tpu.memory_space<semaphore_mem>>)
        } else {
        }
        %dma_wait3A_100 = arith.constant 1 : i32
        %dma_wait3A_101 = arith.constant 0 : i32
        %dma_wait3A_102 = arith.constant 0 : i32
        %dma_wait3A_103 = tpu.memref_slice %arg8[%dma_wait3A_100, %dma_wait3A_101, %dma_wait3A_102] : memref<4x64x128xf32, #tpu.memory_space<vmem>> -> memref<1x64x128xf32, #tpu.memory_space<vmem>>
        %dma_wait3A_104 = tpu.memref_squeeze %dma_wait3A_103 : memref<1x64x128xf32, #tpu.memory_space<vmem>> -> memref<64x128xf32, #tpu.memory_space<vmem>>
        %dma_wait3A_105 = arith.constant 0 : i32
        %dma_wait3A_106 = arith.constant 0 : i32
        %dma_wait3A_107 = tpu.memref_slice %arg4[%dma_wait3A_105, %dma_wait3A_106] : memref<10240x128xf32, #tpu.memory_space<hbm>> -> memref<64x128xf32, #tpu.memory_space<hbm>>
        %dma_wait3A_108 = arith.constant 0 : i32
        %dma_wait3A_109 = arith.constant 0 : i32
        %dma_wait3A_110 = tpu.memref_slice %arg8[%dma_wait3A_100, %dma_wait3A_108, %dma_wait3A_109] : memref<4x64x128xf32, #tpu.memory_space<vmem>> -> memref<1x64x128xf32, #tpu.memory_space<vmem>>
        %dma_wait3A_111 = tpu.memref_squeeze %dma_wait3A_110 : memref<1x64x128xf32, #tpu.memory_space<vmem>> -> memref<64x128xf32, #tpu.memory_space<vmem>>
        %dma_wait3A_112 = arith.constant 0 : i32
        %dma_wait3A_113 = arith.constant 0 : i32
        %dma_wait3A_114 = tpu.memref_slice %arg4[%dma_wait3A_112, %dma_wait3A_113] : memref<10240x128xf32, #tpu.memory_space<hbm>> -> memref<64x128xf32, #tpu.memory_space<hbm>>
        tpu.wait_dma2 semaphore(%arg11 : memref<!tpu.dma_semaphore, #tpu.memory_space<semaphore_mem>>) src(%dma_wait3A_114 : memref<64x128xf32, #tpu.memory_space<hbm>>) dst(%dma_wait3A_111 : memref<64x128xf32, #tpu.memory_space<vmem>>)
        %add3A_115 = arith.constant 1 : i32
        %add3A_116 = arith.addi %add3A_77, %add3A_115 : i32
        %run_scoped3A_117 = arith.constant 1 : i32
        "tpu.region"() ({
          %run_scoped3A_181 = tpu.sem_alloc : memref<!tpu.dma_semaphore, #tpu.memory_space<semaphore_mem>>
          %dma_start3A_182 = arith.constant 0 : i32
          %dma_start3A_183 = arith.constant 0 : i32
          %dma_start3A_184 = tpu.memref_slice %arg8[%run_scoped3A_117, %dma_start3A_182, %dma_start3A_183] : memref<4x64x128xf32, #tpu.memory_space<vmem>> -> memref<1x64x128xf32, #tpu.memory_space<vmem>>
          %dma_start3A_185 = tpu.memref_squeeze %dma_start3A_184 : memref<1x64x128xf32, #tpu.memory_space<vmem>> -> memref<64x128xf32, #tpu.memory_space<vmem>>
          %dma_start3A_186 = arith.constant 0 : i32
          %dma_start3A_187 = tpu.memref_slice %arg7[%add3A_116, %dma_start3A_186] : memref<80x64xi32, #tpu.memory_space<vmem>> -> memref<1x64xi32, #tpu.memory_space<vmem>>
          %dma_start3A_188 = tpu.memref_squeeze %dma_start3A_187 : memref<1x64xi32, #tpu.memory_space<vmem>> -> memref<64xi32, #tpu.memory_space<vmem>>
          %dma_start3A_189 = arith.constant 0 : i32
          %dma_start3A_190 = arith.constant 0 : i32
          %dma_start3A_191 = tpu.memref_slice %arg9[%dma_start3A_189, %dma_start3A_190] : memref<10240x128xf32, #tpu.memory_space<vmem_shared>> -> memref<10240x128xf32, #tpu.memory_space<vmem_shared>>
          tpu.enqueue_indirect_dma source(%dma_start3A_185 : memref<64x128xf32, #tpu.memory_space<vmem>>) target(%dma_start3A_191 : memref<10240x128xf32, #tpu.memory_space<vmem_shared>>) offsets(%dma_start3A_188 : memref<64xi32, #tpu.memory_space<vmem>>) semaphore(%run_scoped3A_181 : memref<!tpu.dma_semaphore, #tpu.memory_space<semaphore_mem>>) {add = true}
          %dma_wait3A_192 = arith.constant 0 : i32
          %dma_wait3A_193 = arith.constant 0 : i32
          %dma_wait3A_194 = tpu.memref_slice %arg8[%run_scoped3A_117, %dma_wait3A_192, %dma_wait3A_193] : memref<4x64x128xf32, #tpu.memory_space<vmem>> -> memref<1x64x128xf32, #tpu.memory_space<vmem>>
          %dma_wait3A_195 = tpu.memref_squeeze %dma_wait3A_194 : memref<1x64x128xf32, #tpu.memory_space<vmem>> -> memref<64x128xf32, #tpu.memory_space<vmem>>
          %dma_wait3A_196 = arith.constant 0 : i32
          %dma_wait3A_197 = tpu.memref_slice %arg7[%add3A_116, %dma_wait3A_196] : memref<80x64xi32, #tpu.memory_space<vmem>> -> memref<1x64xi32, #tpu.memory_space<vmem>>
          %dma_wait3A_198 = tpu.memref_squeeze %dma_wait3A_197 : memref<1x64xi32, #tpu.memory_space<vmem>> -> memref<64xi32, #tpu.memory_space<vmem>>
          %dma_wait3A_199 = arith.constant 0 : i32
          %dma_wait3A_200 = arith.constant 0 : i32
          %dma_wait3A_201 = tpu.memref_slice %arg9[%dma_wait3A_199, %dma_wait3A_200] : memref<10240x128xf32, #tpu.memory_space<vmem_shared>> -> memref<10240x128xf32, #tpu.memory_space<vmem_shared>>
          tpu.wait_indirect_dma semaphore(%run_scoped3A_181 : memref<!tpu.dma_semaphore, #tpu.memory_space<semaphore_mem>>) src(%dma_wait3A_195 : memref<64x128xf32, #tpu.memory_space<vmem>>) dst(%dma_wait3A_201 : memref<10240x128xf32, #tpu.memory_space<vmem_shared>>)
          tpu.yield
        }) : () -> ()
        %add3A_118 = arith.constant 1 : i32
        %add3A_119 = arith.addi %add3A_77, %add3A_118 : i32
        %add3A_120 = arith.constant 4 : i32
        %add3A_121 = arith.addi %add3A_119, %add3A_120 : i32
        %lt3A_122 = arith.constant 80 : i32
        %lt3A_123 = arith.cmpi slt, %add3A_121, %lt3A_122 : i32
        %convert_element_type3A_124 = arith.extui %lt3A_123 : i1 to i32
        %cond3A_125 = arith.constant 0 : i32
        %cond3A_126 = arith.cmpi ne, %convert_element_type3A_124, %cond3A_125 : i32
        scf.if %cond3A_126 {
          %add3A_181 = arith.constant 1 : i32
          %add3A_182 = arith.addi %add3A_77, %add3A_181 : i32
          %add3A_183 = arith.constant 4 : i32
          %add3A_184 = arith.addi %add3A_182, %add3A_183 : i32
          %mul3A_185 = arith.constant 64 : i32
          %mul3A_186 = arith.muli %add3A_184, %mul3A_185 : i32
          %dma_start3A_187 = arith.constant 1 : i32
          %dma_start3A_188 = arith.constant 0 : i32
          %dma_start3A_189 = arith.constant 0 : i32
          %dma_start3A_190 = tpu.memref_slice %arg8[%dma_start3A_187, %dma_start3A_188, %dma_start3A_189] : memref<4x64x128xf32, #tpu.memory_space<vmem>> -> memref<1x64x128xf32, #tpu.memory_space<vmem>>
          %dma_start3A_191 = tpu.memref_squeeze %dma_start3A_190 : memref<1x64x128xf32, #tpu.memory_space<vmem>> -> memref<64x128xf32, #tpu.memory_space<vmem>>
          %dma_start3A_192 = tpu.memref_slice %arg6[%mul3A_186] : memref<5120xi32, #tpu.memory_space<vmem>> -> memref<64xi32, #tpu.memory_space<vmem>>
          %dma_start3A_193 = arith.constant 0 : i32
          %dma_start3A_194 = arith.constant 0 : i32
          %dma_start3A_195 = tpu.memref_slice %arg4[%dma_start3A_193, %dma_start3A_194] : memref<10240x128xf32, #tpu.memory_space<hbm>> -> memref<10240x128xf32, #tpu.memory_space<hbm>>
          tpu.enqueue_indirect_dma source(%dma_start3A_195 : memref<10240x128xf32, #tpu.memory_space<hbm>>) target(%dma_start3A_191 : memref<64x128xf32, #tpu.memory_space<vmem>>) offsets(%dma_start3A_192 : memref<64xi32, #tpu.memory_space<vmem>>) semaphore(%arg11 : memref<!tpu.dma_semaphore, #tpu.memory_space<semaphore_mem>>)
        } else {
        }
        %dma_wait3A_127 = arith.constant 2 : i32
        %dma_wait3A_128 = arith.constant 0 : i32
        %dma_wait3A_129 = arith.constant 0 : i32
        %dma_wait3A_130 = tpu.memref_slice %arg8[%dma_wait3A_127, %dma_wait3A_128, %dma_wait3A_129] : memref<4x64x128xf32, #tpu.memory_space<vmem>> -> memref<1x64x128xf32, #tpu.memory_space<vmem>>
        %dma_wait3A_131 = tpu.memref_squeeze %dma_wait3A_130 : memref<1x64x128xf32, #tpu.memory_space<vmem>> -> memref<64x128xf32, #tpu.memory_space<vmem>>
        %dma_wait3A_132 = arith.constant 0 : i32
        %dma_wait3A_133 = arith.constant 0 : i32
        %dma_wait3A_134 = tpu.memref_slice %arg4[%dma_wait3A_132, %dma_wait3A_133] : memref<10240x128xf32, #tpu.memory_space<hbm>> -> memref<64x128xf32, #tpu.memory_space<hbm>>
        %dma_wait3A_135 = arith.constant 0 : i32
        %dma_wait3A_136 = arith.constant 0 : i32
        %dma_wait3A_137 = tpu.memref_slice %arg8[%dma_wait3A_127, %dma_wait3A_135, %dma_wait3A_136] : memref<4x64x128xf32, #tpu.memory_space<vmem>> -> memref<1x64x128xf32, #tpu.memory_space<vmem>>
        %dma_wait3A_138 = tpu.memref_squeeze %dma_wait3A_137 : memref<1x64x128xf32, #tpu.memory_space<vmem>> -> memref<64x128xf32, #tpu.memory_space<vmem>>
        %dma_wait3A_139 = arith.constant 0 : i32
        %dma_wait3A_140 = arith.constant 0 : i32
        %dma_wait3A_141 = tpu.memref_slice %arg4[%dma_wait3A_139, %dma_wait3A_140] : memref<10240x128xf32, #tpu.memory_space<hbm>> -> memref<64x128xf32, #tpu.memory_space<hbm>>
        tpu.wait_dma2 semaphore(%arg12 : memref<!tpu.dma_semaphore, #tpu.memory_space<semaphore_mem>>) src(%dma_wait3A_141 : memref<64x128xf32, #tpu.memory_space<hbm>>) dst(%dma_wait3A_138 : memref<64x128xf32, #tpu.memory_space<vmem>>)
        %add3A_142 = arith.constant 2 : i32
        %add3A_143 = arith.addi %add3A_77, %add3A_142 : i32
        %run_scoped3A_144 = arith.constant 2 : i32
        "tpu.region"() ({
          %run_scoped3A_181 = tpu.sem_alloc : memref<!tpu.dma_semaphore, #tpu.memory_space<semaphore_mem>>
          %dma_start3A_182 = arith.constant 0 : i32
          %dma_start3A_183 = arith.constant 0 : i32
          %dma_start3A_184 = tpu.memref_slice %arg8[%run_scoped3A_144, %dma_start3A_182, %dma_start3A_183] : memref<4x64x128xf32, #tpu.memory_space<vmem>> -> memref<1x64x128xf32, #tpu.memory_space<vmem>>
          %dma_start3A_185 = tpu.memref_squeeze %dma_start3A_184 : memref<1x64x128xf32, #tpu.memory_space<vmem>> -> memref<64x128xf32, #tpu.memory_space<vmem>>
          %dma_start3A_186 = arith.constant 0 : i32
          %dma_start3A_187 = tpu.memref_slice %arg7[%add3A_143, %dma_start3A_186] : memref<80x64xi32, #tpu.memory_space<vmem>> -> memref<1x64xi32, #tpu.memory_space<vmem>>
          %dma_start3A_188 = tpu.memref_squeeze %dma_start3A_187 : memref<1x64xi32, #tpu.memory_space<vmem>> -> memref<64xi32, #tpu.memory_space<vmem>>
          %dma_start3A_189 = arith.constant 0 : i32
          %dma_start3A_190 = arith.constant 0 : i32
          %dma_start3A_191 = tpu.memref_slice %arg9[%dma_start3A_189, %dma_start3A_190] : memref<10240x128xf32, #tpu.memory_space<vmem_shared>> -> memref<10240x128xf32, #tpu.memory_space<vmem_shared>>
          tpu.enqueue_indirect_dma source(%dma_start3A_185 : memref<64x128xf32, #tpu.memory_space<vmem>>) target(%dma_start3A_191 : memref<10240x128xf32, #tpu.memory_space<vmem_shared>>) offsets(%dma_start3A_188 : memref<64xi32, #tpu.memory_space<vmem>>) semaphore(%run_scoped3A_181 : memref<!tpu.dma_semaphore, #tpu.memory_space<semaphore_mem>>) {add = true}
          %dma_wait3A_192 = arith.constant 0 : i32
          %dma_wait3A_193 = arith.constant 0 : i32
          %dma_wait3A_194 = tpu.memref_slice %arg8[%run_scoped3A_144, %dma_wait3A_192, %dma_wait3A_193] : memref<4x64x128xf32, #tpu.memory_space<vmem>> -> memref<1x64x128xf32, #tpu.memory_space<vmem>>
          %dma_wait3A_195 = tpu.memref_squeeze %dma_wait3A_194 : memref<1x64x128xf32, #tpu.memory_space<vmem>> -> memref<64x128xf32, #tpu.memory_space<vmem>>
          %dma_wait3A_196 = arith.constant 0 : i32
          %dma_wait3A_197 = tpu.memref_slice %arg7[%add3A_143, %dma_wait3A_196] : memref<80x64xi32, #tpu.memory_space<vmem>> -> memref<1x64xi32, #tpu.memory_space<vmem>>
          %dma_wait3A_198 = tpu.memref_squeeze %dma_wait3A_197 : memref<1x64xi32, #tpu.memory_space<vmem>> -> memref<64xi32, #tpu.memory_space<vmem>>
          %dma_wait3A_199 = arith.constant 0 : i32
          %dma_wait3A_200 = arith.constant 0 : i32
          %dma_wait3A_201 = tpu.memref_slice %arg9[%dma_wait3A_199, %dma_wait3A_200] : memref<10240x128xf32, #tpu.memory_space<vmem_shared>> -> memref<10240x128xf32, #tpu.memory_space<vmem_shared>>
          tpu.wait_indirect_dma semaphore(%run_scoped3A_181 : memref<!tpu.dma_semaphore, #tpu.memory_space<semaphore_mem>>) src(%dma_wait3A_195 : memref<64x128xf32, #tpu.memory_space<vmem>>) dst(%dma_wait3A_201 : memref<10240x128xf32, #tpu.memory_space<vmem_shared>>)
          tpu.yield
        }) : () -> ()
        %add3A_145 = arith.constant 2 : i32
        %add3A_146 = arith.addi %add3A_77, %add3A_145 : i32
        %add3A_147 = arith.constant 4 : i32
        %add3A_148 = arith.addi %add3A_146, %add3A_147 : i32
        %lt3A_149 = arith.constant 80 : i32
        %lt3A_150 = arith.cmpi slt, %add3A_148, %lt3A_149 : i32
        %convert_element_type3A_151 = arith.extui %lt3A_150 : i1 to i32
        %cond3A_152 = arith.constant 0 : i32
        %cond3A_153 = arith.cmpi ne, %convert_element_type3A_151, %cond3A_152 : i32
        scf.if %cond3A_153 {
          %add3A_181 = arith.constant 2 : i32
          %add3A_182 = arith.addi %add3A_77, %add3A_181 : i32
          %add3A_183 = arith.constant 4 : i32
          %add3A_184 = arith.addi %add3A_182, %add3A_183 : i32
          %mul3A_185 = arith.constant 64 : i32
          %mul3A_186 = arith.muli %add3A_184, %mul3A_185 : i32
          %dma_start3A_187 = arith.constant 2 : i32
          %dma_start3A_188 = arith.constant 0 : i32
          %dma_start3A_189 = arith.constant 0 : i32
          %dma_start3A_190 = tpu.memref_slice %arg8[%dma_start3A_187, %dma_start3A_188, %dma_start3A_189] : memref<4x64x128xf32, #tpu.memory_space<vmem>> -> memref<1x64x128xf32, #tpu.memory_space<vmem>>
          %dma_start3A_191 = tpu.memref_squeeze %dma_start3A_190 : memref<1x64x128xf32, #tpu.memory_space<vmem>> -> memref<64x128xf32, #tpu.memory_space<vmem>>
          %dma_start3A_192 = tpu.memref_slice %arg6[%mul3A_186] : memref<5120xi32, #tpu.memory_space<vmem>> -> memref<64xi32, #tpu.memory_space<vmem>>
          %dma_start3A_193 = arith.constant 0 : i32
          %dma_start3A_194 = arith.constant 0 : i32
          %dma_start3A_195 = tpu.memref_slice %arg4[%dma_start3A_193, %dma_start3A_194] : memref<10240x128xf32, #tpu.memory_space<hbm>> -> memref<10240x128xf32, #tpu.memory_space<hbm>>
          tpu.enqueue_indirect_dma source(%dma_start3A_195 : memref<10240x128xf32, #tpu.memory_space<hbm>>) target(%dma_start3A_191 : memref<64x128xf32, #tpu.memory_space<vmem>>) offsets(%dma_start3A_192 : memref<64xi32, #tpu.memory_space<vmem>>) semaphore(%arg12 : memref<!tpu.dma_semaphore, #tpu.memory_space<semaphore_mem>>)
        } else {
        }
        %dma_wait3A_154 = arith.constant 3 : i32
        %dma_wait3A_155 = arith.constant 0 : i32
        %dma_wait3A_156 = arith.constant 0 : i32
        %dma_wait3A_157 = tpu.memref_slice %arg8[%dma_wait3A_154, %dma_wait3A_155, %dma_wait3A_156] : memref<4x64x128xf32, #tpu.memory_space<vmem>> -> memref<1x64x128xf32, #tpu.memory_space<vmem>>
        %dma_wait3A_158 = tpu.memref_squeeze %dma_wait3A_157 : memref<1x64x128xf32, #tpu.memory_space<vmem>> -> memref<64x128xf32, #tpu.memory_space<vmem>>
        %dma_wait3A_159 = arith.constant 0 : i32
        %dma_wait3A_160 = arith.constant 0 : i32
        %dma_wait3A_161 = tpu.memref_slice %arg4[%dma_wait3A_159, %dma_wait3A_160] : memref<10240x128xf32, #tpu.memory_space<hbm>> -> memref<64x128xf32, #tpu.memory_space<hbm>>
        %dma_wait3A_162 = arith.constant 0 : i32
        %dma_wait3A_163 = arith.constant 0 : i32
        %dma_wait3A_164 = tpu.memref_slice %arg8[%dma_wait3A_154, %dma_wait3A_162, %dma_wait3A_163] : memref<4x64x128xf32, #tpu.memory_space<vmem>> -> memref<1x64x128xf32, #tpu.memory_space<vmem>>
        %dma_wait3A_165 = tpu.memref_squeeze %dma_wait3A_164 : memref<1x64x128xf32, #tpu.memory_space<vmem>> -> memref<64x128xf32, #tpu.memory_space<vmem>>
        %dma_wait3A_166 = arith.constant 0 : i32
        %dma_wait3A_167 = arith.constant 0 : i32
        %dma_wait3A_168 = tpu.memref_slice %arg4[%dma_wait3A_166, %dma_wait3A_167] : memref<10240x128xf32, #tpu.memory_space<hbm>> -> memref<64x128xf32, #tpu.memory_space<hbm>>
        tpu.wait_dma2 semaphore(%arg13 : memref<!tpu.dma_semaphore, #tpu.memory_space<semaphore_mem>>) src(%dma_wait3A_168 : memref<64x128xf32, #tpu.memory_space<hbm>>) dst(%dma_wait3A_165 : memref<64x128xf32, #tpu.memory_space<vmem>>)
        %add3A_169 = arith.constant 3 : i32
        %add3A_170 = arith.addi %add3A_77, %add3A_169 : i32
        %run_scoped3A_171 = arith.constant 3 : i32
        "tpu.region"() ({
          %run_scoped3A_181 = tpu.sem_alloc : memref<!tpu.dma_semaphore, #tpu.memory_space<semaphore_mem>>
          %dma_start3A_182 = arith.constant 0 : i32
          %dma_start3A_183 = arith.constant 0 : i32
          %dma_start3A_184 = tpu.memref_slice %arg8[%run_scoped3A_171, %dma_start3A_182, %dma_start3A_183] : memref<4x64x128xf32, #tpu.memory_space<vmem>> -> memref<1x64x128xf32, #tpu.memory_space<vmem>>
          %dma_start3A_185 = tpu.memref_squeeze %dma_start3A_184 : memref<1x64x128xf32, #tpu.memory_space<vmem>> -> memref<64x128xf32, #tpu.memory_space<vmem>>
          %dma_start3A_186 = arith.constant 0 : i32
          %dma_start3A_187 = tpu.memref_slice %arg7[%add3A_170, %dma_start3A_186] : memref<80x64xi32, #tpu.memory_space<vmem>> -> memref<1x64xi32, #tpu.memory_space<vmem>>
          %dma_start3A_188 = tpu.memref_squeeze %dma_start3A_187 : memref<1x64xi32, #tpu.memory_space<vmem>> -> memref<64xi32, #tpu.memory_space<vmem>>
          %dma_start3A_189 = arith.constant 0 : i32
          %dma_start3A_190 = arith.constant 0 : i32
          %dma_start3A_191 = tpu.memref_slice %arg9[%dma_start3A_189, %dma_start3A_190] : memref<10240x128xf32, #tpu.memory_space<vmem_shared>> -> memref<10240x128xf32, #tpu.memory_space<vmem_shared>>
          tpu.enqueue_indirect_dma source(%dma_start3A_185 : memref<64x128xf32, #tpu.memory_space<vmem>>) target(%dma_start3A_191 : memref<10240x128xf32, #tpu.memory_space<vmem_shared>>) offsets(%dma_start3A_188 : memref<64xi32, #tpu.memory_space<vmem>>) semaphore(%run_scoped3A_181 : memref<!tpu.dma_semaphore, #tpu.memory_space<semaphore_mem>>) {add = true}
          %dma_wait3A_192 = arith.constant 0 : i32
          %dma_wait3A_193 = arith.constant 0 : i32
          %dma_wait3A_194 = tpu.memref_slice %arg8[%run_scoped3A_171, %dma_wait3A_192, %dma_wait3A_193] : memref<4x64x128xf32, #tpu.memory_space<vmem>> -> memref<1x64x128xf32, #tpu.memory_space<vmem>>
          %dma_wait3A_195 = tpu.memref_squeeze %dma_wait3A_194 : memref<1x64x128xf32, #tpu.memory_space<vmem>> -> memref<64x128xf32, #tpu.memory_space<vmem>>
          %dma_wait3A_196 = arith.constant 0 : i32
          %dma_wait3A_197 = tpu.memref_slice %arg7[%add3A_170, %dma_wait3A_196] : memref<80x64xi32, #tpu.memory_space<vmem>> -> memref<1x64xi32, #tpu.memory_space<vmem>>
          %dma_wait3A_198 = tpu.memref_squeeze %dma_wait3A_197 : memref<1x64xi32, #tpu.memory_space<vmem>> -> memref<64xi32, #tpu.memory_space<vmem>>
          %dma_wait3A_199 = arith.constant 0 : i32
          %dma_wait3A_200 = arith.constant 0 : i32
          %dma_wait3A_201 = tpu.memref_slice %arg9[%dma_wait3A_199, %dma_wait3A_200] : memref<10240x128xf32, #tpu.memory_space<vmem_shared>> -> memref<10240x128xf32, #tpu.memory_space<vmem_shared>>
          tpu.wait_indirect_dma semaphore(%run_scoped3A_181 : memref<!tpu.dma_semaphore, #tpu.memory_space<semaphore_mem>>) src(%dma_wait3A_195 : memref<64x128xf32, #tpu.memory_space<vmem>>) dst(%dma_wait3A_201 : memref<10240x128xf32, #tpu.memory_space<vmem_shared>>)
          tpu.yield
        }) : () -> ()
        %add3A_172 = arith.constant 3 : i32
        %add3A_173 = arith.addi %add3A_77, %add3A_172 : i32
        %add3A_174 = arith.constant 4 : i32
        %add3A_175 = arith.addi %add3A_173, %add3A_174 : i32
        %lt3A_176 = arith.constant 80 : i32
        %lt3A_177 = arith.cmpi slt, %add3A_175, %lt3A_176 : i32
        %convert_element_type3A_178 = arith.extui %lt3A_177 : i1 to i32
        %cond3A_179 = arith.constant 0 : i32
        %cond3A_180 = arith.cmpi ne, %convert_element_type3A_178, %cond3A_179 : i32
        scf.if %cond3A_180 {
          %add3A_181 = arith.constant 3 : i32
          %add3A_182 = arith.addi %add3A_77, %add3A_181 : i32
          %add3A_183 = arith.constant 4 : i32
          %add3A_184 = arith.addi %add3A_182, %add3A_183 : i32
          %mul3A_185 = arith.constant 64 : i32
          %mul3A_186 = arith.muli %add3A_184, %mul3A_185 : i32
          %dma_start3A_187 = arith.constant 3 : i32
          %dma_start3A_188 = arith.constant 0 : i32
          %dma_start3A_189 = arith.constant 0 : i32
          %dma_start3A_190 = tpu.memref_slice %arg8[%dma_start3A_187, %dma_start3A_188, %dma_start3A_189] : memref<4x64x128xf32, #tpu.memory_space<vmem>> -> memref<1x64x128xf32, #tpu.memory_space<vmem>>
          %dma_start3A_191 = tpu.memref_squeeze %dma_start3A_190 : memref<1x64x128xf32, #tpu.memory_space<vmem>> -> memref<64x128xf32, #tpu.memory_space<vmem>>
          %dma_start3A_192 = tpu.memref_slice %arg6[%mul3A_186] : memref<5120xi32, #tpu.memory_space<vmem>> -> memref<64xi32, #tpu.memory_space<vmem>>
          %dma_start3A_193 = arith.constant 0 : i32
          %dma_start3A_194 = arith.constant 0 : i32
          %dma_start3A_195 = tpu.memref_slice %arg4[%dma_start3A_193, %dma_start3A_194] : memref<10240x128xf32, #tpu.memory_space<hbm>> -> memref<10240x128xf32, #tpu.memory_space<hbm>>
          tpu.enqueue_indirect_dma source(%dma_start3A_195 : memref<10240x128xf32, #tpu.memory_space<hbm>>) target(%dma_start3A_191 : memref<64x128xf32, #tpu.memory_space<vmem>>) offsets(%dma_start3A_192 : memref<64xi32, #tpu.memory_space<vmem>>) semaphore(%arg13 : memref<!tpu.dma_semaphore, #tpu.memory_space<semaphore_mem>>)
        } else {
        }
      }
      %scan3A_72 = arith.constant 20 : i32
    }
    %scan3A_14 = arith.constant 2 : i32
    %barrier3A_15 = arith.constant 0 : index
    tpu.barrier barrier_id(%barrier3A_15)
    %mul3A_16 = arith.constant 640 : i32
    %mul3A_17 = arith.muli %arg1, %mul3A_16 : i32
    "tpu.region"() ({
      %run_scoped3A = tpu.sem_alloc : memref<!tpu.dma_semaphore, #tpu.memory_space<semaphore_mem>>
      %dma_start3A = arith.constant 0 : i32
      %dma_start3A_18 = tpu.memref_slice %arg5[%arg0, %mul3A_17, %dma_start3A] : memref<2x10240x128xf32, #tpu.memory_space<hbm>> -> memref<1x640x128xf32, #tpu.memory_space<hbm>>
      %dma_start3A_19 = tpu.memref_squeeze %dma_start3A_18 : memref<1x640x128xf32, #tpu.memory_space<hbm>> -> memref<640x128xf32, #tpu.memory_space<hbm>>
      %dma_start3A_20 = arith.constant 0 : i32
      %dma_start3A_21 = tpu.memref_slice %arg9[%mul3A_17, %dma_start3A_20] : memref<10240x128xf32, #tpu.memory_space<vmem_shared>> -> memref<640x128xf32, #tpu.memory_space<vmem_shared>>
      tpu.enqueue_dma source(%dma_start3A_21 : memref<640x128xf32, #tpu.memory_space<vmem_shared>>) target(%dma_start3A_19 : memref<640x128xf32, #tpu.memory_space<hbm>>) target_semaphore(%run_scoped3A : memref<!tpu.dma_semaphore, #tpu.memory_space<semaphore_mem>>)
      %dma_wait3A = arith.constant 0 : i32
      %dma_wait3A_22 = tpu.memref_slice %arg5[%arg0, %mul3A_17, %dma_wait3A] : memref<2x10240x128xf32, #tpu.memory_space<hbm>> -> memref<1x640x128xf32, #tpu.memory_space<hbm>>
      %dma_wait3A_23 = tpu.memref_squeeze %dma_wait3A_22 : memref<1x640x128xf32, #tpu.memory_space<hbm>> -> memref<640x128xf32, #tpu.memory_space<hbm>>
      %dma_wait3A_24 = arith.constant 0 : i32
      %dma_wait3A_25 = tpu.memref_slice %arg9[%mul3A_17, %dma_wait3A_24] : memref<10240x128xf32, #tpu.memory_space<vmem_shared>> -> memref<640x128xf32, #tpu.memory_space<vmem_shared>>
      tpu.wait_dma2 semaphore(%run_scoped3A : memref<!tpu.dma_semaphore, #tpu.memory_space<semaphore_mem>>) src(%dma_wait3A_25 : memref<640x128xf32, #tpu.memory_space<vmem_shared>>) dst(%dma_wait3A_23 : memref<640x128xf32, #tpu.memory_space<hbm>>)
      tpu.yield
    }) : () -> ()
    return
  }
}

#map = affine_map<(d0, d1) -> (0, 0)>
#map1 = affine_map<(d0, d1) -> (0, 0, 0)>
module attributes {stable_mosaic.version = 14 : i64} {
  func.func @k(%arg0: i32, %arg1: i32, %arg2: memref<32x10240xi32, #tpu.memory_space<hbm>>, %arg3: memref<32x160x64xi32, #tpu.memory_space<hbm>>, %arg4: memref<10240x128xf32, #tpu.memory_space<hbm>>, %arg5: memref<2x10240x128xf32, #tpu.memory_space<hbm>>, %arg6: memref<5120xi32, #tpu.memory_space<vmem>>, %arg7: memref<80x64xi32, #tpu.memory_space<vmem>>, %arg8: memref<4x64x128xf32, #tpu.memory_space<vmem>>, %arg9: memref<10240x128xf32, #tpu.memory_space<vmem_shared>>, %arg10: memref<!tpu.dma_semaphore, #tpu.memory_space<semaphore_mem>>, %arg11: memref<!tpu.dma_semaphore, #tpu.memory_space<semaphore_mem>>, %arg12: memref<!tpu.dma_semaphore, #tpu.memory_space<semaphore_mem>>, %arg13: memref<!tpu.dma_semaphore, #tpu.memory_space<semaphore_mem>>) attributes {dimension_semantics = [#tpu.dimension_semantics<core_parallel>, #tpu.dimension_semantics<subcore_parallel>], iteration_bounds = array<i64: 2, 16>, scalar_prefetch = 0 : i64, scratch_operands = 8 : i64, tpu.core_type = #tpu.core_type<sc_vector_subcore>, window_params = [{transform_indices = #map}, {transform_indices = #map1}, {transform_indices = #map}, {transform_indices = #map1}]} {
    %mul3A = arith.constant 2 : i32
    %mul3A_0 = arith.muli %arg1, %mul3A : i32
    %add3A = arith.addi %mul3A_0, %arg0 : i32
    %scan3A = arith.constant 0 : i32
    %scan3A_1 = arith.constant 64 : i32
    %scan3A_2 = arith.addi %scan3A, %scan3A_1 : i32
    %scan3A_3 = arith.constant 1 : i32
    scf.for %scan3A_18 = %scan3A to %scan3A_2 step %scan3A_3  : i32 {
      %mul3A_19 = arith.constant 1 : i32
      %mul3A_20 = arith.muli %scan3A_18, %mul3A_19 : i32
      %add3A_21 = arith.constant 0 : i32
      %add3A_22 = arith.addi %add3A_21, %mul3A_20 : i32
      %scan3A_23 = arith.constant 0 : i32
      %scan3A_24 = arith.constant 8 : i32
      %scan3A_25 = arith.addi %scan3A_23, %scan3A_24 : i32
      %scan3A_26 = arith.constant 1 : i32
      scf.for %scan3A_28 = %scan3A_23 to %scan3A_25 step %scan3A_26  : i32 {
        %mul3A_29 = arith.constant 16 : i32
        %mul3A_30 = arith.muli %scan3A_28, %mul3A_29 : i32
        %add3A_31 = arith.constant 0 : i32
        %add3A_32 = arith.addi %add3A_31, %mul3A_30 : i32
        %broadcast_in_dim3A = arith.constant 0.000000e+00 : f32
        %broadcast_in_dim3A_33 = vector.broadcast %broadcast_in_dim3A : f32 to vector<16xf32>
        %swap3A = arith.constant 0 : i32
        %swap3A_34 = arith.index_cast %swap3A : i32 to index
        %swap3A_35 = arith.index_cast %add3A_22 : i32 to index
        %swap3A_36 = arith.index_cast %add3A_32 : i32 to index
        %swap3A_37 = tpu.vector_load %arg8[%swap3A_34, %swap3A_35, %swap3A_36] {strides = array<i32>} : memref<4x64x128xf32, #tpu.memory_space<vmem>>, vector<1x1x16xf32>,
        %swap3A_38 = vector.shape_cast %swap3A_37 : vector<1x1x16xf32> to vector<16xf32>
        %swap3A_39 = vector.shape_cast %broadcast_in_dim3A_33 : vector<16xf32> to vector<1x1x16xf32>
        tpu.vector_store %arg8[%swap3A_34, %swap3A_35, %swap3A_36], %swap3A_39 {strides = array<i32>} : memref<4x64x128xf32, #tpu.memory_space<vmem>>, vector<1x1x16xf32>,
      }
      %scan3A_27 = arith.constant 8 : i32
    }
    %scan3A_4 = arith.constant 64 : i32
    %scan3A_5 = arith.constant 0 : i32
    %scan3A_6 = arith.constant 10 : i32
    %scan3A_7 = arith.addi %scan3A_5, %scan3A_6 : i32
    %scan3A_8 = arith.constant 1 : i32
    scf.for %scan3A_18 = %scan3A_5 to %scan3A_7 step %scan3A_8  : i32 {
      %mul3A_19 = arith.constant 64 : i32
      %mul3A_20 = arith.muli %scan3A_18, %mul3A_19 : i32
      %add3A_21 = arith.constant 0 : i32
      %add3A_22 = arith.addi %add3A_21, %mul3A_20 : i32
      %mul3A_23 = arith.constant 640 : i32
      %mul3A_24 = arith.muli %arg1, %mul3A_23 : i32
      %add3A_25 = arith.addi %mul3A_24, %add3A_22 : i32
      %run_scoped3A = arith.constant 0 : i32
      "tpu.region"() ({
        %run_scoped3A_26 = tpu.sem_alloc : memref<!tpu.dma_semaphore, #tpu.memory_space<semaphore_mem>>
        %dma_start3A = arith.constant 0 : i32
        %dma_start3A_27 = arith.constant 0 : i32
        %dma_start3A_28 = tpu.memref_slice %arg8[%run_scoped3A, %dma_start3A, %dma_start3A_27] : memref<4x64x128xf32, #tpu.memory_space<vmem>> -> memref<1x64x128xf32, #tpu.memory_space<vmem>>
        %dma_start3A_29 = tpu.memref_squeeze %dma_start3A_28 : memref<1x64x128xf32, #tpu.memory_space<vmem>> -> memref<64x128xf32, #tpu.memory_space<vmem>>
        %dma_start3A_30 = arith.constant 0 : i32
        %dma_start3A_31 = tpu.memref_slice %arg9[%add3A_25, %dma_start3A_30] : memref<10240x128xf32, #tpu.memory_space<vmem_shared>> -> memref<64x128xf32, #tpu.memory_space<vmem_shared>>
        %dma_start3A_32 = arith.constant 0 : i32
        %dma_start3A_33 = tpu.memref_slice %arg9[%add3A_25, %dma_start3A_32] : memref<10240x128xf32, #tpu.memory_space<vmem_shared>> -> memref<64x128xf32, #tpu.memory_space<vmem_shared>>
        %dma_start3A_34 = arith.constant 0 : i32
        %dma_start3A_35 = arith.constant 0 : i32
        %dma_start3A_36 = tpu.memref_slice %arg8[%run_scoped3A, %dma_start3A_34, %dma_start3A_35] : memref<4x64x128xf32, #tpu.memory_space<vmem>> -> memref<1x64x128xf32, #tpu.memory_space<vmem>>
        %dma_start3A_37 = tpu.memref_squeeze %dma_start3A_36 : memref<1x64x128xf32, #tpu.memory_space<vmem>> -> memref<64x128xf32, #tpu.memory_space<vmem>>
        tpu.enqueue_dma source(%dma_start3A_37 : memref<64x128xf32, #tpu.memory_space<vmem>>) target(%dma_start3A_33 : memref<64x128xf32, #tpu.memory_space<vmem_shared>>) target_semaphore(%run_scoped3A_26 : memref<!tpu.dma_semaphore, #tpu.memory_space<semaphore_mem>>)
        %dma_wait3A = arith.constant 0 : i32
        %dma_wait3A_38 = arith.constant 0 : i32
        %dma_wait3A_39 = tpu.memref_slice %arg8[%run_scoped3A, %dma_wait3A, %dma_wait3A_38] : memref<4x64x128xf32, #tpu.memory_space<vmem>> -> memref<1x64x128xf32, #tpu.memory_space<vmem>>
        %dma_wait3A_40 = tpu.memref_squeeze %dma_wait3A_39 : memref<1x64x128xf32, #tpu.memory_space<vmem>> -> memref<64x128xf32, #tpu.memory_space<vmem>>
        %dma_wait3A_41 = arith.constant 0 : i32
        %dma_wait3A_42 = tpu.memref_slice %arg9[%add3A_25, %dma_wait3A_41] : memref<10240x128xf32, #tpu.memory_space<vmem_shared>> -> memref<64x128xf32, #tpu.memory_space<vmem_shared>>
        %dma_wait3A_43 = arith.constant 0 : i32
        %dma_wait3A_44 = tpu.memref_slice %arg9[%add3A_25, %dma_wait3A_43] : memref<10240x128xf32, #tpu.memory_space<vmem_shared>> -> memref<64x128xf32, #tpu.memory_space<vmem_shared>>
        %dma_wait3A_45 = arith.constant 0 : i32
        %dma_wait3A_46 = arith.constant 0 : i32
        %dma_wait3A_47 = tpu.memref_slice %arg8[%run_scoped3A, %dma_wait3A_45, %dma_wait3A_46] : memref<4x64x128xf32, #tpu.memory_space<vmem>> -> memref<1x64x128xf32, #tpu.memory_space<vmem>>
        %dma_wait3A_48 = tpu.memref_squeeze %dma_wait3A_47 : memref<1x64x128xf32, #tpu.memory_space<vmem>> -> memref<64x128xf32, #tpu.memory_space<vmem>>
        tpu.wait_dma2 semaphore(%run_scoped3A_26 : memref<!tpu.dma_semaphore, #tpu.memory_space<semaphore_mem>>) src(%dma_wait3A_48 : memref<64x128xf32, #tpu.memory_space<vmem>>) dst(%dma_wait3A_44 : memref<64x128xf32, #tpu.memory_space<vmem_shared>>)
        tpu.yield
      }) : () -> ()
    }
    %scan3A_9 = arith.constant 10 : i32
    %barrier3A = arith.constant 0 : index
    tpu.barrier barrier_id(%barrier3A)
    %scan3A_10 = arith.constant 0 : i32
    %scan3A_11 = arith.constant 2 : i32
    %scan3A_12 = arith.addi %scan3A_10, %scan3A_11 : i32
    %scan3A_13 = arith.constant 1 : i32
    scf.for %scan3A_18 = %scan3A_10 to %scan3A_12 step %scan3A_13  : i32 {
      %mul3A_19 = arith.constant 1 : i32
      %mul3A_20 = arith.muli %scan3A_18, %mul3A_19 : i32
      %add3A_21 = arith.constant 0 : i32
      %add3A_22 = arith.addi %add3A_21, %mul3A_20 : i32
      %mul3A_23 = arith.constant 80 : i32
      %mul3A_24 = arith.muli %add3A_22, %mul3A_23 : i32
      %mul3A_25 = arith.constant 64 : i32
      %mul3A_26 = arith.muli %mul3A_24, %mul3A_25 : i32
      "tpu.region"() ({
        %run_scoped3A = tpu.sem_alloc : memref<!tpu.dma_semaphore, #tpu.memory_space<semaphore_mem>>
        %dma_start3A_73 = tpu.memref_slice %arg2[%add3A, %mul3A_26] : memref<32x10240xi32, #tpu.memory_space<hbm>> -> memref<1x5120xi32, #tpu.memory_space<hbm>>
        %dma_start3A_74 = tpu.memref_squeeze %dma_start3A_73 : memref<1x5120xi32, #tpu.memory_space<hbm>> -> memref<5120xi32, #tpu.memory_space<hbm>>
        %dma_start3A_75 = tpu.memref_slice %arg2[%add3A, %mul3A_26] : memref<32x10240xi32, #tpu.memory_space<hbm>> -> memref<1x5120xi32, #tpu.memory_space<hbm>>
        %dma_start3A_76 = tpu.memref_squeeze %dma_start3A_75 : memref<1x5120xi32, #tpu.memory_space<hbm>> -> memref<5120xi32, #tpu.memory_space<hbm>>
        tpu.enqueue_dma source(%dma_start3A_76 : memref<5120xi32, #tpu.memory_space<hbm>>) target(%arg6 : memref<5120xi32, #tpu.memory_space<vmem>>) target_semaphore(%run_scoped3A : memref<!tpu.dma_semaphore, #tpu.memory_space<semaphore_mem>>)
        %dma_wait3A = tpu.memref_slice %arg2[%add3A, %mul3A_26] : memref<32x10240xi32, #tpu.memory_space<hbm>> -> memref<1x5120xi32, #tpu.memory_space<hbm>>
        %dma_wait3A_77 = tpu.memref_squeeze %dma_wait3A : memref<1x5120xi32, #tpu.memory_space<hbm>> -> memref<5120xi32, #tpu.memory_space<hbm>>
        %dma_wait3A_78 = tpu.memref_slice %arg2[%add3A, %mul3A_26] : memref<32x10240xi32, #tpu.memory_space<hbm>> -> memref<1x5120xi32, #tpu.memory_space<hbm>>
        %dma_wait3A_79 = tpu.memref_squeeze %dma_wait3A_78 : memref<1x5120xi32, #tpu.memory_space<hbm>> -> memref<5120xi32, #tpu.memory_space<hbm>>
        tpu.wait_dma2 semaphore(%run_scoped3A : memref<!tpu.dma_semaphore, #tpu.memory_space<semaphore_mem>>) src(%dma_wait3A_79 : memref<5120xi32, #tpu.memory_space<hbm>>) dst(%arg6 : memref<5120xi32, #tpu.memory_space<vmem>>)
        tpu.yield
      }) : () -> ()
      %mul3A_27 = arith.constant 80 : i32
      %mul3A_28 = arith.muli %add3A_22, %mul3A_27 : i32
      "tpu.region"() ({
        %run_scoped3A = tpu.sem_alloc : memref<!tpu.dma_semaphore, #tpu.memory_space<semaphore_mem>>
        %dma_start3A_73 = arith.constant 0 : i32
        %dma_start3A_74 = tpu.memref_slice %arg3[%add3A, %mul3A_28, %dma_start3A_73] : memref<32x160x64xi32, #tpu.memory_space<hbm>> -> memref<1x80x64xi32, #tpu.memory_space<hbm>>
        %dma_start3A_75 = tpu.memref_squeeze %dma_start3A_74 : memref<1x80x64xi32, #tpu.memory_space<hbm>> -> memref<80x64xi32, #tpu.memory_space<hbm>>
        %dma_start3A_76 = arith.constant 0 : i32
        %dma_start3A_77 = tpu.memref_slice %arg3[%add3A, %mul3A_28, %dma_start3A_76] : memref<32x160x64xi32, #tpu.memory_space<hbm>> -> memref<1x80x64xi32, #tpu.memory_space<hbm>>
        %dma_start3A_78 = tpu.memref_squeeze %dma_start3A_77 : memref<1x80x64xi32, #tpu.memory_space<hbm>> -> memref<80x64xi32, #tpu.memory_space<hbm>>
        tpu.enqueue_dma source(%dma_start3A_78 : memref<80x64xi32, #tpu.memory_space<hbm>>) target(%arg7 : memref<80x64xi32, #tpu.memory_space<vmem>>) target_semaphore(%run_scoped3A : memref<!tpu.dma_semaphore, #tpu.memory_space<semaphore_mem>>)
        %dma_wait3A = arith.constant 0 : i32
        %dma_wait3A_79 = tpu.memref_slice %arg3[%add3A, %mul3A_28, %dma_wait3A] : memref<32x160x64xi32, #tpu.memory_space<hbm>> -> memref<1x80x64xi32, #tpu.memory_space<hbm>>
        %dma_wait3A_80 = tpu.memref_squeeze %dma_wait3A_79 : memref<1x80x64xi32, #tpu.memory_space<hbm>> -> memref<80x64xi32, #tpu.memory_space<hbm>>
        %dma_wait3A_81 = arith.constant 0 : i32
        %dma_wait3A_82 = tpu.memref_slice %arg3[%add3A, %mul3A_28, %dma_wait3A_81] : memref<32x160x64xi32, #tpu.memory_space<hbm>> -> memref<1x80x64xi32, #tpu.memory_space<hbm>>
        %dma_wait3A_83 = tpu.memref_squeeze %dma_wait3A_82 : memref<1x80x64xi32, #tpu.memory_space<hbm>> -> memref<80x64xi32, #tpu.memory_space<hbm>>
        tpu.wait_dma2 semaphore(%run_scoped3A : memref<!tpu.dma_semaphore, #tpu.memory_space<semaphore_mem>>) src(%dma_wait3A_83 : memref<80x64xi32, #tpu.memory_space<hbm>>) dst(%arg7 : memref<80x64xi32, #tpu.memory_space<vmem>>)
        tpu.yield
      }) : () -> ()
      %dma_start3A = arith.constant 0 : i32
      %dma_start3A_29 = arith.constant 0 : i32
      %dma_start3A_30 = arith.constant 0 : i32
      %dma_start3A_31 = tpu.memref_slice %arg8[%dma_start3A, %dma_start3A_29, %dma_start3A_30] : memref<4x64x128xf32, #tpu.memory_space<vmem>> -> memref<1x64x128xf32, #tpu.memory_space<vmem>>
      %dma_start3A_32 = tpu.memref_squeeze %dma_start3A_31 : memref<1x64x128xf32, #tpu.memory_space<vmem>> -> memref<64x128xf32, #tpu.memory_space<vmem>>
      %dma_start3A_33 = arith.constant 0 : i32
      %dma_start3A_34 = tpu.memref_slice %arg6[%dma_start3A_33] : memref<5120xi32, #tpu.memory_space<vmem>> -> memref<64xi32, #tpu.memory_space<vmem>>
      %dma_start3A_35 = arith.constant 0 : i32
      %dma_start3A_36 = arith.constant 0 : i32
      %dma_start3A_37 = tpu.memref_slice %arg4[%dma_start3A_35, %dma_start3A_36] : memref<10240x128xf32, #tpu.memory_space<hbm>> -> memref<10240x128xf32, #tpu.memory_space<hbm>>
      tpu.enqueue_indirect_dma source(%dma_start3A_37 : memref<10240x128xf32, #tpu.memory_space<hbm>>) target(%dma_start3A_32 : memref<64x128xf32, #tpu.memory_space<vmem>>) offsets(%dma_start3A_34 : memref<64xi32, #tpu.memory_space<vmem>>) semaphore(%arg10 : memref<!tpu.dma_semaphore, #tpu.memory_space<semaphore_mem>>)
      %dma_start3A_38 = arith.constant 1 : i32
      %dma_start3A_39 = arith.constant 0 : i32
      %dma_start3A_40 = arith.constant 0 : i32
      %dma_start3A_41 = tpu.memref_slice %arg8[%dma_start3A_38, %dma_start3A_39, %dma_start3A_40] : memref<4x64x128xf32, #tpu.memory_space<vmem>> -> memref<1x64x128xf32, #tpu.memory_space<vmem>>
      %dma_start3A_42 = tpu.memref_squeeze %dma_start3A_41 : memref<1x64x128xf32, #tpu.memory_space<vmem>> -> memref<64x128xf32, #tpu.memory_space<vmem>>
      %dma_start3A_43 = arith.constant 64 : i32
      %dma_start3A_44 = tpu.memref_slice %arg6[%dma_start3A_43] : memref<5120xi32, #tpu.memory_space<vmem>> -> memref<64xi32, #tpu.memory_space<vmem>>
      %dma_start3A_45 = arith.constant 0 : i32
      %dma_start3A_46 = arith.constant 0 : i32
      %dma_start3A_47 = tpu.memref_slice %arg4[%dma_start3A_45, %dma_start3A_46] : memref<10240x128xf32, #tpu.memory_space<hbm>> -> memref<10240x128xf32, #tpu.memory_space<hbm>>
      tpu.enqueue_indirect_dma source(%dma_start3A_47 : memref<10240x128xf32, #tpu.memory_space<hbm>>) target(%dma_start3A_42 : memref<64x128xf32, #tpu.memory_space<vmem>>) offsets(%dma_start3A_44 : memref<64xi32, #tpu.memory_space<vmem>>) semaphore(%arg11 : memref<!tpu.dma_semaphore, #tpu.memory_space<semaphore_mem>>)
      %dma_start3A_48 = arith.constant 2 : i32
      %dma_start3A_49 = arith.constant 0 : i32
      %dma_start3A_50 = arith.constant 0 : i32
      %dma_start3A_51 = tpu.memref_slice %arg8[%dma_start3A_48, %dma_start3A_49, %dma_start3A_50] : memref<4x64x128xf32, #tpu.memory_space<vmem>> -> memref<1x64x128xf32, #tpu.memory_space<vmem>>
      %dma_start3A_52 = tpu.memref_squeeze %dma_start3A_51 : memref<1x64x128xf32, #tpu.memory_space<vmem>> -> memref<64x128xf32, #tpu.memory_space<vmem>>
      %dma_start3A_53 = arith.constant 128 : i32
      %dma_start3A_54 = tpu.memref_slice %arg6[%dma_start3A_53] : memref<5120xi32, #tpu.memory_space<vmem>> -> memref<64xi32, #tpu.memory_space<vmem>>
      %dma_start3A_55 = arith.constant 0 : i32
      %dma_start3A_56 = arith.constant 0 : i32
      %dma_start3A_57 = tpu.memref_slice %arg4[%dma_start3A_55, %dma_start3A_56] : memref<10240x128xf32, #tpu.memory_space<hbm>> -> memref<10240x128xf32, #tpu.memory_space<hbm>>
      tpu.enqueue_indirect_dma source(%dma_start3A_57 : memref<10240x128xf32, #tpu.memory_space<hbm>>) target(%dma_start3A_52 : memref<64x128xf32, #tpu.memory_space<vmem>>) offsets(%dma_start3A_54 : memref<64xi32, #tpu.memory_space<vmem>>) semaphore(%arg12 : memref<!tpu.dma_semaphore, #tpu.memory_space<semaphore_mem>>)
      %dma_start3A_58 = arith.constant 3 : i32
      %dma_start3A_59 = arith.constant 0 : i32
      %dma_start3A_60 = arith.constant 0 : i32
      %dma_start3A_61 = tpu.memref_slice %arg8[%dma_start3A_58, %dma_start3A_59, %dma_start3A_60] : memref<4x64x128xf32, #tpu.memory_space<vmem>> -> memref<1x64x128xf32, #tpu.memory_space<vmem>>
      %dma_start3A_62 = tpu.memref_squeeze %dma_start3A_61 : memref<1x64x128xf32, #tpu.memory_space<vmem>> -> memref<64x128xf32, #tpu.memory_space<vmem>>
      %dma_start3A_63 = arith.constant 192 : i32
      %dma_start3A_64 = tpu.memref_slice %arg6[%dma_start3A_63] : memref<5120xi32, #tpu.memory_space<vmem>> -> memref<64xi32, #tpu.memory_space<vmem>>
      %dma_start3A_65 = arith.constant 0 : i32
      %dma_start3A_66 = arith.constant 0 : i32
      %dma_start3A_67 = tpu.memref_slice %arg4[%dma_start3A_65, %dma_start3A_66] : memref<10240x128xf32, #tpu.memory_space<hbm>> -> memref<10240x128xf32, #tpu.memory_space<hbm>>
      tpu.enqueue_indirect_dma source(%dma_start3A_67 : memref<10240x128xf32, #tpu.memory_space<hbm>>) target(%dma_start3A_62 : memref<64x128xf32, #tpu.memory_space<vmem>>) offsets(%dma_start3A_64 : memref<64xi32, #tpu.memory_space<vmem>>) semaphore(%arg13 : memref<!tpu.dma_semaphore, #tpu.memory_space<semaphore_mem>>)
      %scan3A_68 = arith.constant 0 : i32
      %scan3A_69 = arith.constant 20 : i32
      %scan3A_70 = arith.addi %scan3A_68, %scan3A_69 : i32
      %scan3A_71 = arith.constant 1 : i32
      scf.for %scan3A_73 = %scan3A_68 to %scan3A_70 step %scan3A_71  : i32 {
        %mul3A_74 = arith.constant 4 : i32
        %mul3A_75 = arith.muli %scan3A_73, %mul3A_74 : i32
        %add3A_76 = arith.constant 0 : i32
        %add3A_77 = arith.addi %add3A_76, %mul3A_75 : i32
        %dma_wait3A = arith.constant 0 : i32
        %dma_wait3A_78 = arith.constant 0 : i32
        %dma_wait3A_79 = arith.constant 0 : i32
        %dma_wait3A_80 = tpu.memref_slice %arg8[%dma_wait3A, %dma_wait3A_78, %dma_wait3A_79] : memref<4x64x128xf32, #tpu.memory_space<vmem>> -> memref<1x64x128xf32, #tpu.memory_space<vmem>>
        %dma_wait3A_81 = tpu.memref_squeeze %dma_wait3A_80 : memref<1x64x128xf32, #tpu.memory_space<vmem>> -> memref<64x128xf32, #tpu.memory_space<vmem>>
        %dma_wait3A_82 = arith.constant 0 : i32
        %dma_wait3A_83 = arith.constant 0 : i32
        %dma_wait3A_84 = tpu.memref_slice %arg4[%dma_wait3A_82, %dma_wait3A_83] : memref<10240x128xf32, #tpu.memory_space<hbm>> -> memref<64x128xf32, #tpu.memory_space<hbm>>
        %dma_wait3A_85 = arith.constant 0 : i32
        %dma_wait3A_86 = arith.constant 0 : i32
        %dma_wait3A_87 = tpu.memref_slice %arg8[%dma_wait3A, %dma_wait3A_85, %dma_wait3A_86] : memref<4x64x128xf32, #tpu.memory_space<vmem>> -> memref<1x64x128xf32, #tpu.memory_space<vmem>>
        %dma_wait3A_88 = tpu.memref_squeeze %dma_wait3A_87 : memref<1x64x128xf32, #tpu.memory_space<vmem>> -> memref<64x128xf32, #tpu.memory_space<vmem>>
        %dma_wait3A_89 = arith.constant 0 : i32
        %dma_wait3A_90 = arith.constant 0 : i32
        %dma_wait3A_91 = tpu.memref_slice %arg4[%dma_wait3A_89, %dma_wait3A_90] : memref<10240x128xf32, #tpu.memory_space<hbm>> -> memref<64x128xf32, #tpu.memory_space<hbm>>
        tpu.wait_dma2 semaphore(%arg10 : memref<!tpu.dma_semaphore, #tpu.memory_space<semaphore_mem>>) src(%dma_wait3A_91 : memref<64x128xf32, #tpu.memory_space<hbm>>) dst(%dma_wait3A_88 : memref<64x128xf32, #tpu.memory_space<vmem>>)
        %add3A_92 = arith.constant 0 : i32
        %add3A_93 = arith.addi %add3A_77, %add3A_92 : i32
        %run_scoped3A = arith.constant 0 : i32
        "tpu.region"() ({
          %run_scoped3A_181 = tpu.sem_alloc : memref<!tpu.dma_semaphore, #tpu.memory_space<semaphore_mem>>
          %dma_start3A_182 = arith.constant 0 : i32
          %dma_start3A_183 = arith.constant 0 : i32
          %dma_start3A_184 = tpu.memref_slice %arg8[%run_scoped3A, %dma_start3A_182, %dma_start3A_183] : memref<4x64x128xf32, #tpu.memory_space<vmem>> -> memref<1x64x128xf32, #tpu.memory_space<vmem>>
          %dma_start3A_185 = tpu.memref_squeeze %dma_start3A_184 : memref<1x64x128xf32, #tpu.memory_space<vmem>> -> memref<64x128xf32, #tpu.memory_space<vmem>>
          %dma_start3A_186 = arith.constant 0 : i32
          %dma_start3A_187 = tpu.memref_slice %arg7[%add3A_93, %dma_start3A_186] : memref<80x64xi32, #tpu.memory_space<vmem>> -> memref<1x64xi32, #tpu.memory_space<vmem>>
          %dma_start3A_188 = tpu.memref_squeeze %dma_start3A_187 : memref<1x64xi32, #tpu.memory_space<vmem>> -> memref<64xi32, #tpu.memory_space<vmem>>
          %dma_start3A_189 = arith.constant 0 : i32
          %dma_start3A_190 = arith.constant 0 : i32
          %dma_start3A_191 = tpu.memref_slice %arg9[%dma_start3A_189, %dma_start3A_190] : memref<10240x128xf32, #tpu.memory_space<vmem_shared>> -> memref<10240x128xf32, #tpu.memory_space<vmem_shared>>
          tpu.enqueue_indirect_dma source(%dma_start3A_185 : memref<64x128xf32, #tpu.memory_space<vmem>>) target(%dma_start3A_191 : memref<10240x128xf32, #tpu.memory_space<vmem_shared>>) offsets(%dma_start3A_188 : memref<64xi32, #tpu.memory_space<vmem>>) semaphore(%run_scoped3A_181 : memref<!tpu.dma_semaphore, #tpu.memory_space<semaphore_mem>>) {add = true}
          %dma_wait3A_192 = arith.constant 0 : i32
          %dma_wait3A_193 = arith.constant 0 : i32
          %dma_wait3A_194 = tpu.memref_slice %arg8[%run_scoped3A, %dma_wait3A_192, %dma_wait3A_193] : memref<4x64x128xf32, #tpu.memory_space<vmem>> -> memref<1x64x128xf32, #tpu.memory_space<vmem>>
          %dma_wait3A_195 = tpu.memref_squeeze %dma_wait3A_194 : memref<1x64x128xf32, #tpu.memory_space<vmem>> -> memref<64x128xf32, #tpu.memory_space<vmem>>
          %dma_wait3A_196 = arith.constant 0 : i32
          %dma_wait3A_197 = tpu.memref_slice %arg7[%add3A_93, %dma_wait3A_196] : memref<80x64xi32, #tpu.memory_space<vmem>> -> memref<1x64xi32, #tpu.memory_space<vmem>>
          %dma_wait3A_198 = tpu.memref_squeeze %dma_wait3A_197 : memref<1x64xi32, #tpu.memory_space<vmem>> -> memref<64xi32, #tpu.memory_space<vmem>>
          %dma_wait3A_199 = arith.constant 0 : i32
          %dma_wait3A_200 = arith.constant 0 : i32
          %dma_wait3A_201 = tpu.memref_slice %arg9[%dma_wait3A_199, %dma_wait3A_200] : memref<10240x128xf32, #tpu.memory_space<vmem_shared>> -> memref<10240x128xf32, #tpu.memory_space<vmem_shared>>
          tpu.wait_indirect_dma semaphore(%run_scoped3A_181 : memref<!tpu.dma_semaphore, #tpu.memory_space<semaphore_mem>>) src(%dma_wait3A_195 : memref<64x128xf32, #tpu.memory_space<vmem>>) dst(%dma_wait3A_201 : memref<10240x128xf32, #tpu.memory_space<vmem_shared>>)
          tpu.yield
        }) : () -> ()
        %add3A_94 = arith.constant 0 : i32
        %add3A_95 = arith.addi %add3A_77, %add3A_94 : i32
        %add3A_96 = arith.constant 4 : i32
        %add3A_97 = arith.addi %add3A_95, %add3A_96 : i32
        %lt3A = arith.constant 80 : i32
        %lt3A_98 = arith.cmpi slt, %add3A_97, %lt3A : i32
        %convert_element_type3A = arith.extui %lt3A_98 : i1 to i32
        %cond3A = arith.constant 0 : i32
        %cond3A_99 = arith.cmpi ne, %convert_element_type3A, %cond3A : i32
        scf.if %cond3A_99 {
          %add3A_181 = arith.constant 0 : i32
          %add3A_182 = arith.addi %add3A_77, %add3A_181 : i32
          %add3A_183 = arith.constant 4 : i32
          %add3A_184 = arith.addi %add3A_182, %add3A_183 : i32
          %mul3A_185 = arith.constant 64 : i32
          %mul3A_186 = arith.muli %add3A_184, %mul3A_185 : i32
          %dma_start3A_187 = arith.constant 0 : i32
          %dma_start3A_188 = arith.constant 0 : i32
          %dma_start3A_189 = arith.constant 0 : i32
          %dma_start3A_190 = tpu.memref_slice %arg8[%dma_start3A_187, %dma_start3A_188, %dma_start3A_189] : memref<4x64x128xf32, #tpu.memory_space<vmem>> -> memref<1x64x128xf32, #tpu.memory_space<vmem>>
          %dma_start3A_191 = tpu.memref_squeeze %dma_start3A_190 : memref<1x64x128xf32, #tpu.memory_space<vmem>> -> memref<64x128xf32, #tpu.memory_space<vmem>>
          %dma_start3A_192 = tpu.memref_slice %arg6[%mul3A_186] : memref<5120xi32, #tpu.memory_space<vmem>> -> memref<64xi32, #tpu.memory_space<vmem>>
          %dma_start3A_193 = arith.constant 0 : i32
          %dma_start3A_194 = arith.constant 0 : i32
          %dma_start3A_195 = tpu.memref_slice %arg4[%dma_start3A_193, %dma_start3A_194] : memref<10240x128xf32, #tpu.memory_space<hbm>> -> memref<10240x128xf32, #tpu.memory_space<hbm>>
          tpu.enqueue_indirect_dma source(%dma_start3A_195 : memref<10240x128xf32, #tpu.memory_space<hbm>>) target(%dma_start3A_191 : memref<64x128xf32, #tpu.memory_space<vmem>>) offsets(%dma_start3A_192 : memref<64xi32, #tpu.memory_space<vmem>>) semaphore(%arg10 : memref<!tpu.dma_semaphore, #tpu.memory_space<semaphore_mem>>)
        } else {
        }
        %dma_wait3A_100 = arith.constant 1 : i32
        %dma_wait3A_101 = arith.constant 0 : i32
        %dma_wait3A_102 = arith.constant 0 : i32
        %dma_wait3A_103 = tpu.memref_slice %arg8[%dma_wait3A_100, %dma_wait3A_101, %dma_wait3A_102] : memref<4x64x128xf32, #tpu.memory_space<vmem>> -> memref<1x64x128xf32, #tpu.memory_space<vmem>>
        %dma_wait3A_104 = tpu.memref_squeeze %dma_wait3A_103 : memref<1x64x128xf32, #tpu.memory_space<vmem>> -> memref<64x128xf32, #tpu.memory_space<vmem>>
        %dma_wait3A_105 = arith.constant 0 : i32
        %dma_wait3A_106 = arith.constant 0 : i32
        %dma_wait3A_107 = tpu.memref_slice %arg4[%dma_wait3A_105, %dma_wait3A_106] : memref<10240x128xf32, #tpu.memory_space<hbm>> -> memref<64x128xf32, #tpu.memory_space<hbm>>
        %dma_wait3A_108 = arith.constant 0 : i32
        %dma_wait3A_109 = arith.constant 0 : i32
        %dma_wait3A_110 = tpu.memref_slice %arg8[%dma_wait3A_100, %dma_wait3A_108, %dma_wait3A_109] : memref<4x64x128xf32, #tpu.memory_space<vmem>> -> memref<1x64x128xf32, #tpu.memory_space<vmem>>
        %dma_wait3A_111 = tpu.memref_squeeze %dma_wait3A_110 : memref<1x64x128xf32, #tpu.memory_space<vmem>> -> memref<64x128xf32, #tpu.memory_space<vmem>>
        %dma_wait3A_112 = arith.constant 0 : i32
        %dma_wait3A_113 = arith.constant 0 : i32
        %dma_wait3A_114 = tpu.memref_slice %arg4[%dma_wait3A_112, %dma_wait3A_113] : memref<10240x128xf32, #tpu.memory_space<hbm>> -> memref<64x128xf32, #tpu.memory_space<hbm>>
        tpu.wait_dma2 semaphore(%arg11 : memref<!tpu.dma_semaphore, #tpu.memory_space<semaphore_mem>>) src(%dma_wait3A_114 : memref<64x128xf32, #tpu.memory_space<hbm>>) dst(%dma_wait3A_111 : memref<64x128xf32, #tpu.memory_space<vmem>>)
        %add3A_115 = arith.constant 1 : i32
        %add3A_116 = arith.addi %add3A_77, %add3A_115 : i32
        %run_scoped3A_117 = arith.constant 1 : i32
        "tpu.region"() ({
          %run_scoped3A_181 = tpu.sem_alloc : memref<!tpu.dma_semaphore, #tpu.memory_space<semaphore_mem>>
          %dma_start3A_182 = arith.constant 0 : i32
          %dma_start3A_183 = arith.constant 0 : i32
          %dma_start3A_184 = tpu.memref_slice %arg8[%run_scoped3A_117, %dma_start3A_182, %dma_start3A_183] : memref<4x64x128xf32, #tpu.memory_space<vmem>> -> memref<1x64x128xf32, #tpu.memory_space<vmem>>
          %dma_start3A_185 = tpu.memref_squeeze %dma_start3A_184 : memref<1x64x128xf32, #tpu.memory_space<vmem>> -> memref<64x128xf32, #tpu.memory_space<vmem>>
          %dma_start3A_186 = arith.constant 0 : i32
          %dma_start3A_187 = tpu.memref_slice %arg7[%add3A_116, %dma_start3A_186] : memref<80x64xi32, #tpu.memory_space<vmem>> -> memref<1x64xi32, #tpu.memory_space<vmem>>
          %dma_start3A_188 = tpu.memref_squeeze %dma_start3A_187 : memref<1x64xi32, #tpu.memory_space<vmem>> -> memref<64xi32, #tpu.memory_space<vmem>>
          %dma_start3A_189 = arith.constant 0 : i32
          %dma_start3A_190 = arith.constant 0 : i32
          %dma_start3A_191 = tpu.memref_slice %arg9[%dma_start3A_189, %dma_start3A_190] : memref<10240x128xf32, #tpu.memory_space<vmem_shared>> -> memref<10240x128xf32, #tpu.memory_space<vmem_shared>>
          tpu.enqueue_indirect_dma source(%dma_start3A_185 : memref<64x128xf32, #tpu.memory_space<vmem>>) target(%dma_start3A_191 : memref<10240x128xf32, #tpu.memory_space<vmem_shared>>) offsets(%dma_start3A_188 : memref<64xi32, #tpu.memory_space<vmem>>) semaphore(%run_scoped3A_181 : memref<!tpu.dma_semaphore, #tpu.memory_space<semaphore_mem>>) {add = true}
          %dma_wait3A_192 = arith.constant 0 : i32
          %dma_wait3A_193 = arith.constant 0 : i32
          %dma_wait3A_194 = tpu.memref_slice %arg8[%run_scoped3A_117, %dma_wait3A_192, %dma_wait3A_193] : memref<4x64x128xf32, #tpu.memory_space<vmem>> -> memref<1x64x128xf32, #tpu.memory_space<vmem>>
          %dma_wait3A_195 = tpu.memref_squeeze %dma_wait3A_194 : memref<1x64x128xf32, #tpu.memory_space<vmem>> -> memref<64x128xf32, #tpu.memory_space<vmem>>
          %dma_wait3A_196 = arith.constant 0 : i32
          %dma_wait3A_197 = tpu.memref_slice %arg7[%add3A_116, %dma_wait3A_196] : memref<80x64xi32, #tpu.memory_space<vmem>> -> memref<1x64xi32, #tpu.memory_space<vmem>>
          %dma_wait3A_198 = tpu.memref_squeeze %dma_wait3A_197 : memref<1x64xi32, #tpu.memory_space<vmem>> -> memref<64xi32, #tpu.memory_space<vmem>>
          %dma_wait3A_199 = arith.constant 0 : i32
          %dma_wait3A_200 = arith.constant 0 : i32
          %dma_wait3A_201 = tpu.memref_slice %arg9[%dma_wait3A_199, %dma_wait3A_200] : memref<10240x128xf32, #tpu.memory_space<vmem_shared>> -> memref<10240x128xf32, #tpu.memory_space<vmem_shared>>
          tpu.wait_indirect_dma semaphore(%run_scoped3A_181 : memref<!tpu.dma_semaphore, #tpu.memory_space<semaphore_mem>>) src(%dma_wait3A_195 : memref<64x128xf32, #tpu.memory_space<vmem>>) dst(%dma_wait3A_201 : memref<10240x128xf32, #tpu.memory_space<vmem_shared>>)
          tpu.yield
        }) : () -> ()
        %add3A_118 = arith.constant 1 : i32
        %add3A_119 = arith.addi %add3A_77, %add3A_118 : i32
        %add3A_120 = arith.constant 4 : i32
        %add3A_121 = arith.addi %add3A_119, %add3A_120 : i32
        %lt3A_122 = arith.constant 80 : i32
        %lt3A_123 = arith.cmpi slt, %add3A_121, %lt3A_122 : i32
        %convert_element_type3A_124 = arith.extui %lt3A_123 : i1 to i32
        %cond3A_125 = arith.constant 0 : i32
        %cond3A_126 = arith.cmpi ne, %convert_element_type3A_124, %cond3A_125 : i32
        scf.if %cond3A_126 {
          %add3A_181 = arith.constant 1 : i32
          %add3A_182 = arith.addi %add3A_77, %add3A_181 : i32
          %add3A_183 = arith.constant 4 : i32
          %add3A_184 = arith.addi %add3A_182, %add3A_183 : i32
          %mul3A_185 = arith.constant 64 : i32
          %mul3A_186 = arith.muli %add3A_184, %mul3A_185 : i32
          %dma_start3A_187 = arith.constant 1 : i32
          %dma_start3A_188 = arith.constant 0 : i32
          %dma_start3A_189 = arith.constant 0 : i32
          %dma_start3A_190 = tpu.memref_slice %arg8[%dma_start3A_187, %dma_start3A_188, %dma_start3A_189] : memref<4x64x128xf32, #tpu.memory_space<vmem>> -> memref<1x64x128xf32, #tpu.memory_space<vmem>>
          %dma_start3A_191 = tpu.memref_squeeze %dma_start3A_190 : memref<1x64x128xf32, #tpu.memory_space<vmem>> -> memref<64x128xf32, #tpu.memory_space<vmem>>
          %dma_start3A_192 = tpu.memref_slice %arg6[%mul3A_186] : memref<5120xi32, #tpu.memory_space<vmem>> -> memref<64xi32, #tpu.memory_space<vmem>>
          %dma_start3A_193 = arith.constant 0 : i32
          %dma_start3A_194 = arith.constant 0 : i32
          %dma_start3A_195 = tpu.memref_slice %arg4[%dma_start3A_193, %dma_start3A_194] : memref<10240x128xf32, #tpu.memory_space<hbm>> -> memref<10240x128xf32, #tpu.memory_space<hbm>>
          tpu.enqueue_indirect_dma source(%dma_start3A_195 : memref<10240x128xf32, #tpu.memory_space<hbm>>) target(%dma_start3A_191 : memref<64x128xf32, #tpu.memory_space<vmem>>) offsets(%dma_start3A_192 : memref<64xi32, #tpu.memory_space<vmem>>) semaphore(%arg11 : memref<!tpu.dma_semaphore, #tpu.memory_space<semaphore_mem>>)
        } else {
        }
        %dma_wait3A_127 = arith.constant 2 : i32
        %dma_wait3A_128 = arith.constant 0 : i32
        %dma_wait3A_129 = arith.constant 0 : i32
        %dma_wait3A_130 = tpu.memref_slice %arg8[%dma_wait3A_127, %dma_wait3A_128, %dma_wait3A_129] : memref<4x64x128xf32, #tpu.memory_space<vmem>> -> memref<1x64x128xf32, #tpu.memory_space<vmem>>
        %dma_wait3A_131 = tpu.memref_squeeze %dma_wait3A_130 : memref<1x64x128xf32, #tpu.memory_space<vmem>> -> memref<64x128xf32, #tpu.memory_space<vmem>>
        %dma_wait3A_132 = arith.constant 0 : i32
        %dma_wait3A_133 = arith.constant 0 : i32
        %dma_wait3A_134 = tpu.memref_slice %arg4[%dma_wait3A_132, %dma_wait3A_133] : memref<10240x128xf32, #tpu.memory_space<hbm>> -> memref<64x128xf32, #tpu.memory_space<hbm>>
        %dma_wait3A_135 = arith.constant 0 : i32
        %dma_wait3A_136 = arith.constant 0 : i32
        %dma_wait3A_137 = tpu.memref_slice %arg8[%dma_wait3A_127, %dma_wait3A_135, %dma_wait3A_136] : memref<4x64x128xf32, #tpu.memory_space<vmem>> -> memref<1x64x128xf32, #tpu.memory_space<vmem>>
        %dma_wait3A_138 = tpu.memref_squeeze %dma_wait3A_137 : memref<1x64x128xf32, #tpu.memory_space<vmem>> -> memref<64x128xf32, #tpu.memory_space<vmem>>
        %dma_wait3A_139 = arith.constant 0 : i32
        %dma_wait3A_140 = arith.constant 0 : i32
        %dma_wait3A_141 = tpu.memref_slice %arg4[%dma_wait3A_139, %dma_wait3A_140] : memref<10240x128xf32, #tpu.memory_space<hbm>> -> memref<64x128xf32, #tpu.memory_space<hbm>>
        tpu.wait_dma2 semaphore(%arg12 : memref<!tpu.dma_semaphore, #tpu.memory_space<semaphore_mem>>) src(%dma_wait3A_141 : memref<64x128xf32, #tpu.memory_space<hbm>>) dst(%dma_wait3A_138 : memref<64x128xf32, #tpu.memory_space<vmem>>)
        %add3A_142 = arith.constant 2 : i32
        %add3A_143 = arith.addi %add3A_77, %add3A_142 : i32
        %run_scoped3A_144 = arith.constant 2 : i32
        "tpu.region"() ({
          %run_scoped3A_181 = tpu.sem_alloc : memref<!tpu.dma_semaphore, #tpu.memory_space<semaphore_mem>>
          %dma_start3A_182 = arith.constant 0 : i32
          %dma_start3A_183 = arith.constant 0 : i32
          %dma_start3A_184 = tpu.memref_slice %arg8[%run_scoped3A_144, %dma_start3A_182, %dma_start3A_183] : memref<4x64x128xf32, #tpu.memory_space<vmem>> -> memref<1x64x128xf32, #tpu.memory_space<vmem>>
          %dma_start3A_185 = tpu.memref_squeeze %dma_start3A_184 : memref<1x64x128xf32, #tpu.memory_space<vmem>> -> memref<64x128xf32, #tpu.memory_space<vmem>>
          %dma_start3A_186 = arith.constant 0 : i32
          %dma_start3A_187 = tpu.memref_slice %arg7[%add3A_143, %dma_start3A_186] : memref<80x64xi32, #tpu.memory_space<vmem>> -> memref<1x64xi32, #tpu.memory_space<vmem>>
          %dma_start3A_188 = tpu.memref_squeeze %dma_start3A_187 : memref<1x64xi32, #tpu.memory_space<vmem>> -> memref<64xi32, #tpu.memory_space<vmem>>
          %dma_start3A_189 = arith.constant 0 : i32
          %dma_start3A_190 = arith.constant 0 : i32
          %dma_start3A_191 = tpu.memref_slice %arg9[%dma_start3A_189, %dma_start3A_190] : memref<10240x128xf32, #tpu.memory_space<vmem_shared>> -> memref<10240x128xf32, #tpu.memory_space<vmem_shared>>
          tpu.enqueue_indirect_dma source(%dma_start3A_185 : memref<64x128xf32, #tpu.memory_space<vmem>>) target(%dma_start3A_191 : memref<10240x128xf32, #tpu.memory_space<vmem_shared>>) offsets(%dma_start3A_188 : memref<64xi32, #tpu.memory_space<vmem>>) semaphore(%run_scoped3A_181 : memref<!tpu.dma_semaphore, #tpu.memory_space<semaphore_mem>>) {add = true}
          %dma_wait3A_192 = arith.constant 0 : i32
          %dma_wait3A_193 = arith.constant 0 : i32
          %dma_wait3A_194 = tpu.memref_slice %arg8[%run_scoped3A_144, %dma_wait3A_192, %dma_wait3A_193] : memref<4x64x128xf32, #tpu.memory_space<vmem>> -> memref<1x64x128xf32, #tpu.memory_space<vmem>>
          %dma_wait3A_195 = tpu.memref_squeeze %dma_wait3A_194 : memref<1x64x128xf32, #tpu.memory_space<vmem>> -> memref<64x128xf32, #tpu.memory_space<vmem>>
          %dma_wait3A_196 = arith.constant 0 : i32
          %dma_wait3A_197 = tpu.memref_slice %arg7[%add3A_143, %dma_wait3A_196] : memref<80x64xi32, #tpu.memory_space<vmem>> -> memref<1x64xi32, #tpu.memory_space<vmem>>
          %dma_wait3A_198 = tpu.memref_squeeze %dma_wait3A_197 : memref<1x64xi32, #tpu.memory_space<vmem>> -> memref<64xi32, #tpu.memory_space<vmem>>
          %dma_wait3A_199 = arith.constant 0 : i32
          %dma_wait3A_200 = arith.constant 0 : i32
          %dma_wait3A_201 = tpu.memref_slice %arg9[%dma_wait3A_199, %dma_wait3A_200] : memref<10240x128xf32, #tpu.memory_space<vmem_shared>> -> memref<10240x128xf32, #tpu.memory_space<vmem_shared>>
          tpu.wait_indirect_dma semaphore(%run_scoped3A_181 : memref<!tpu.dma_semaphore, #tpu.memory_space<semaphore_mem>>) src(%dma_wait3A_195 : memref<64x128xf32, #tpu.memory_space<vmem>>) dst(%dma_wait3A_201 : memref<10240x128xf32, #tpu.memory_space<vmem_shared>>)
          tpu.yield
        }) : () -> ()
        %add3A_145 = arith.constant 2 : i32
        %add3A_146 = arith.addi %add3A_77, %add3A_145 : i32
        %add3A_147 = arith.constant 4 : i32
        %add3A_148 = arith.addi %add3A_146, %add3A_147 : i32
        %lt3A_149 = arith.constant 80 : i32
        %lt3A_150 = arith.cmpi slt, %add3A_148, %lt3A_149 : i32
        %convert_element_type3A_151 = arith.extui %lt3A_150 : i1 to i32
        %cond3A_152 = arith.constant 0 : i32
        %cond3A_153 = arith.cmpi ne, %convert_element_type3A_151, %cond3A_152 : i32
        scf.if %cond3A_153 {
          %add3A_181 = arith.constant 2 : i32
          %add3A_182 = arith.addi %add3A_77, %add3A_181 : i32
          %add3A_183 = arith.constant 4 : i32
          %add3A_184 = arith.addi %add3A_182, %add3A_183 : i32
          %mul3A_185 = arith.constant 64 : i32
          %mul3A_186 = arith.muli %add3A_184, %mul3A_185 : i32
          %dma_start3A_187 = arith.constant 2 : i32
          %dma_start3A_188 = arith.constant 0 : i32
          %dma_start3A_189 = arith.constant 0 : i32
          %dma_start3A_190 = tpu.memref_slice %arg8[%dma_start3A_187, %dma_start3A_188, %dma_start3A_189] : memref<4x64x128xf32, #tpu.memory_space<vmem>> -> memref<1x64x128xf32, #tpu.memory_space<vmem>>
          %dma_start3A_191 = tpu.memref_squeeze %dma_start3A_190 : memref<1x64x128xf32, #tpu.memory_space<vmem>> -> memref<64x128xf32, #tpu.memory_space<vmem>>
          %dma_start3A_192 = tpu.memref_slice %arg6[%mul3A_186] : memref<5120xi32, #tpu.memory_space<vmem>> -> memref<64xi32, #tpu.memory_space<vmem>>
          %dma_start3A_193 = arith.constant 0 : i32
          %dma_start3A_194 = arith.constant 0 : i32
          %dma_start3A_195 = tpu.memref_slice %arg4[%dma_start3A_193, %dma_start3A_194] : memref<10240x128xf32, #tpu.memory_space<hbm>> -> memref<10240x128xf32, #tpu.memory_space<hbm>>
          tpu.enqueue_indirect_dma source(%dma_start3A_195 : memref<10240x128xf32, #tpu.memory_space<hbm>>) target(%dma_start3A_191 : memref<64x128xf32, #tpu.memory_space<vmem>>) offsets(%dma_start3A_192 : memref<64xi32, #tpu.memory_space<vmem>>) semaphore(%arg12 : memref<!tpu.dma_semaphore, #tpu.memory_space<semaphore_mem>>)
        } else {
        }
        %dma_wait3A_154 = arith.constant 3 : i32
        %dma_wait3A_155 = arith.constant 0 : i32
        %dma_wait3A_156 = arith.constant 0 : i32
        %dma_wait3A_157 = tpu.memref_slice %arg8[%dma_wait3A_154, %dma_wait3A_155, %dma_wait3A_156] : memref<4x64x128xf32, #tpu.memory_space<vmem>> -> memref<1x64x128xf32, #tpu.memory_space<vmem>>
        %dma_wait3A_158 = tpu.memref_squeeze %dma_wait3A_157 : memref<1x64x128xf32, #tpu.memory_space<vmem>> -> memref<64x128xf32, #tpu.memory_space<vmem>>
        %dma_wait3A_159 = arith.constant 0 : i32
        %dma_wait3A_160 = arith.constant 0 : i32
        %dma_wait3A_161 = tpu.memref_slice %arg4[%dma_wait3A_159, %dma_wait3A_160] : memref<10240x128xf32, #tpu.memory_space<hbm>> -> memref<64x128xf32, #tpu.memory_space<hbm>>
        %dma_wait3A_162 = arith.constant 0 : i32
        %dma_wait3A_163 = arith.constant 0 : i32
        %dma_wait3A_164 = tpu.memref_slice %arg8[%dma_wait3A_154, %dma_wait3A_162, %dma_wait3A_163] : memref<4x64x128xf32, #tpu.memory_space<vmem>> -> memref<1x64x128xf32, #tpu.memory_space<vmem>>
        %dma_wait3A_165 = tpu.memref_squeeze %dma_wait3A_164 : memref<1x64x128xf32, #tpu.memory_space<vmem>> -> memref<64x128xf32, #tpu.memory_space<vmem>>
        %dma_wait3A_166 = arith.constant 0 : i32
        %dma_wait3A_167 = arith.constant 0 : i32
        %dma_wait3A_168 = tpu.memref_slice %arg4[%dma_wait3A_166, %dma_wait3A_167] : memref<10240x128xf32, #tpu.memory_space<hbm>> -> memref<64x128xf32, #tpu.memory_space<hbm>>
        tpu.wait_dma2 semaphore(%arg13 : memref<!tpu.dma_semaphore, #tpu.memory_space<semaphore_mem>>) src(%dma_wait3A_168 : memref<64x128xf32, #tpu.memory_space<hbm>>) dst(%dma_wait3A_165 : memref<64x128xf32, #tpu.memory_space<vmem>>)
        %add3A_169 = arith.constant 3 : i32
        %add3A_170 = arith.addi %add3A_77, %add3A_169 : i32
        %run_scoped3A_171 = arith.constant 3 : i32
        "tpu.region"() ({
          %run_scoped3A_181 = tpu.sem_alloc : memref<!tpu.dma_semaphore, #tpu.memory_space<semaphore_mem>>
          %dma_start3A_182 = arith.constant 0 : i32
          %dma_start3A_183 = arith.constant 0 : i32
          %dma_start3A_184 = tpu.memref_slice %arg8[%run_scoped3A_171, %dma_start3A_182, %dma_start3A_183] : memref<4x64x128xf32, #tpu.memory_space<vmem>> -> memref<1x64x128xf32, #tpu.memory_space<vmem>>
          %dma_start3A_185 = tpu.memref_squeeze %dma_start3A_184 : memref<1x64x128xf32, #tpu.memory_space<vmem>> -> memref<64x128xf32, #tpu.memory_space<vmem>>
          %dma_start3A_186 = arith.constant 0 : i32
          %dma_start3A_187 = tpu.memref_slice %arg7[%add3A_170, %dma_start3A_186] : memref<80x64xi32, #tpu.memory_space<vmem>> -> memref<1x64xi32, #tpu.memory_space<vmem>>
          %dma_start3A_188 = tpu.memref_squeeze %dma_start3A_187 : memref<1x64xi32, #tpu.memory_space<vmem>> -> memref<64xi32, #tpu.memory_space<vmem>>
          %dma_start3A_189 = arith.constant 0 : i32
          %dma_start3A_190 = arith.constant 0 : i32
          %dma_start3A_191 = tpu.memref_slice %arg9[%dma_start3A_189, %dma_start3A_190] : memref<10240x128xf32, #tpu.memory_space<vmem_shared>> -> memref<10240x128xf32, #tpu.memory_space<vmem_shared>>
          tpu.enqueue_indirect_dma source(%dma_start3A_185 : memref<64x128xf32, #tpu.memory_space<vmem>>) target(%dma_start3A_191 : memref<10240x128xf32, #tpu.memory_space<vmem_shared>>) offsets(%dma_start3A_188 : memref<64xi32, #tpu.memory_space<vmem>>) semaphore(%run_scoped3A_181 : memref<!tpu.dma_semaphore, #tpu.memory_space<semaphore_mem>>) {add = true}
          %dma_wait3A_192 = arith.constant 0 : i32
          %dma_wait3A_193 = arith.constant 0 : i32
          %dma_wait3A_194 = tpu.memref_slice %arg8[%run_scoped3A_171, %dma_wait3A_192, %dma_wait3A_193] : memref<4x64x128xf32, #tpu.memory_space<vmem>> -> memref<1x64x128xf32, #tpu.memory_space<vmem>>
          %dma_wait3A_195 = tpu.memref_squeeze %dma_wait3A_194 : memref<1x64x128xf32, #tpu.memory_space<vmem>> -> memref<64x128xf32, #tpu.memory_space<vmem>>
          %dma_wait3A_196 = arith.constant 0 : i32
          %dma_wait3A_197 = tpu.memref_slice %arg7[%add3A_170, %dma_wait3A_196] : memref<80x64xi32, #tpu.memory_space<vmem>> -> memref<1x64xi32, #tpu.memory_space<vmem>>
          %dma_wait3A_198 = tpu.memref_squeeze %dma_wait3A_197 : memref<1x64xi32, #tpu.memory_space<vmem>> -> memref<64xi32, #tpu.memory_space<vmem>>
          %dma_wait3A_199 = arith.constant 0 : i32
          %dma_wait3A_200 = arith.constant 0 : i32
          %dma_wait3A_201 = tpu.memref_slice %arg9[%dma_wait3A_199, %dma_wait3A_200] : memref<10240x128xf32, #tpu.memory_space<vmem_shared>> -> memref<10240x128xf32, #tpu.memory_space<vmem_shared>>
          tpu.wait_indirect_dma semaphore(%run_scoped3A_181 : memref<!tpu.dma_semaphore, #tpu.memory_space<semaphore_mem>>) src(%dma_wait3A_195 : memref<64x128xf32, #tpu.memory_space<vmem>>) dst(%dma_wait3A_201 : memref<10240x128xf32, #tpu.memory_space<vmem_shared>>)
          tpu.yield
        }) : () -> ()
        %add3A_172 = arith.constant 3 : i32
        %add3A_173 = arith.addi %add3A_77, %add3A_172 : i32
        %add3A_174 = arith.constant 4 : i32
        %add3A_175 = arith.addi %add3A_173, %add3A_174 : i32
        %lt3A_176 = arith.constant 80 : i32
        %lt3A_177 = arith.cmpi slt, %add3A_175, %lt3A_176 : i32
        %convert_element_type3A_178 = arith.extui %lt3A_177 : i1 to i32
        %cond3A_179 = arith.constant 0 : i32
        %cond3A_180 = arith.cmpi ne, %convert_element_type3A_178, %cond3A_179 : i32
        scf.if %cond3A_180 {
          %add3A_181 = arith.constant 3 : i32
          %add3A_182 = arith.addi %add3A_77, %add3A_181 : i32
          %add3A_183 = arith.constant 4 : i32
          %add3A_184 = arith.addi %add3A_182, %add3A_183 : i32
          %mul3A_185 = arith.constant 64 : i32
          %mul3A_186 = arith.muli %add3A_184, %mul3A_185 : i32
          %dma_start3A_187 = arith.constant 3 : i32
          %dma_start3A_188 = arith.constant 0 : i32
          %dma_start3A_189 = arith.constant 0 : i32
          %dma_start3A_190 = tpu.memref_slice %arg8[%dma_start3A_187, %dma_start3A_188, %dma_start3A_189] : memref<4x64x128xf32, #tpu.memory_space<vmem>> -> memref<1x64x128xf32, #tpu.memory_space<vmem>>
          %dma_start3A_191 = tpu.memref_squeeze %dma_start3A_190 : memref<1x64x128xf32, #tpu.memory_space<vmem>> -> memref<64x128xf32, #tpu.memory_space<vmem>>
          %dma_start3A_192 = tpu.memref_slice %arg6[%mul3A_186] : memref<5120xi32, #tpu.memory_space<vmem>> -> memref<64xi32, #tpu.memory_space<vmem>>
          %dma_start3A_193 = arith.constant 0 : i32
          %dma_start3A_194 = arith.constant 0 : i32
          %dma_start3A_195 = tpu.memref_slice %arg4[%dma_start3A_193, %dma_start3A_194] : memref<10240x128xf32, #tpu.memory_space<hbm>> -> memref<10240x128xf32, #tpu.memory_space<hbm>>
          tpu.enqueue_indirect_dma source(%dma_start3A_195 : memref<10240x128xf32, #tpu.memory_space<hbm>>) target(%dma_start3A_191 : memref<64x128xf32, #tpu.memory_space<vmem>>) offsets(%dma_start3A_192 : memref<64xi32, #tpu.memory_space<vmem>>) semaphore(%arg13 : memref<!tpu.dma_semaphore, #tpu.memory_space<semaphore_mem>>)
        } else {
        }
      }
      %scan3A_72 = arith.constant 20 : i32
    }
    %scan3A_14 = arith.constant 2 : i32
    %barrier3A_15 = arith.constant 0 : index
    tpu.barrier barrier_id(%barrier3A_15)
    %mul3A_16 = arith.constant 640 : i32
    %mul3A_17 = arith.muli %arg1, %mul3A_16 : i32
    "tpu.region"() ({
      %run_scoped3A = tpu.sem_alloc : memref<!tpu.dma_semaphore, #tpu.memory_space<semaphore_mem>>
      %dma_start3A = arith.constant 0 : i32
      %dma_start3A_18 = tpu.memref_slice %arg5[%arg0, %mul3A_17, %dma_start3A] : memref<2x10240x128xf32, #tpu.memory_space<hbm>> -> memref<1x640x128xf32, #tpu.memory_space<hbm>>
      %dma_start3A_19 = tpu.memref_squeeze %dma_start3A_18 : memref<1x640x128xf32, #tpu.memory_space<hbm>> -> memref<640x128xf32, #tpu.memory_space<hbm>>
      %dma_start3A_20 = arith.constant 0 : i32
      %dma_start3A_21 = tpu.memref_slice %arg9[%mul3A_17, %dma_start3A_20] : memref<10240x128xf32, #tpu.memory_space<vmem_shared>> -> memref<640x128xf32, #tpu.memory_space<vmem_shared>>
      tpu.enqueue_dma source(%dma_start3A_21 : memref<640x128xf32, #tpu.memory_space<vmem_shared>>) target(%dma_start3A_19 : memref<640x128xf32, #tpu.memory_space<hbm>>) target_semaphore(%run_scoped3A : memref<!tpu.dma_semaphore, #tpu.memory_space<semaphore_mem>>)
      %dma_wait3A = arith.constant 0 : i32
      %dma_wait3A_22 = tpu.memref_slice %arg5[%arg0, %mul3A_17, %dma_wait3A] : memref<2x10240x128xf32, #tpu.memory_space<hbm>> -> memref<1x640x128xf32, #tpu.memory_space<hbm>>
      %dma_wait3A_23 = tpu.memref_squeeze %dma_wait3A_22 : memref<1x640x128xf32, #tpu.memory_space<hbm>> -> memref<640x128xf32, #tpu.memory_space<hbm>>
      %dma_wait3A_24 = arith.constant 0 : i32
      %dma_wait3A_25 = tpu.memref_slice %arg9[%mul3A_17, %dma_wait3A_24] : memref<10240x128xf32, #tpu.memory_space<vmem_shared>> -> memref<640x128xf32, #tpu.memory_space<vmem_shared>>
      tpu.wait_dma2 semaphore(%run_scoped3A : memref<!tpu.dma_semaphore, #tpu.memory_space<semaphore_mem>>) src(%dma_wait3A_25 : memref<640x128xf32, #tpu.memory_space<vmem_shared>>) dst(%dma_wait3A_23 : memref<640x128xf32, #tpu.memory_space<hbm>>)
      tpu.yield
    }) : () -> ()
    return
  }
}

module attributes {stable_mosaic.version = 14 : i64} {
  func.func @_mm1ns_body(%arg0: i32, %arg1: memref<2x2048x1xf32, #tpu.memory_space<vmem>>, %arg2: memref<2x2048x1xf32, #tpu.memory_space<vmem>>, %arg3: memref<2048x128xf32, #tpu.memory_space<vmem>>, %arg4: memref<128x128xf32, #tpu.memory_space<vmem>>, %arg5: memref<2048x128xf32, #tpu.memory_space<vmem>>, %arg6: memref<2048x1xf32, #tpu.memory_space<vmem>>, %arg7: memref<2048x1xf32, #tpu.memory_space<vmem>>) attributes {dimension_semantics = [#tpu.dimension_semantics<arbitrary>], iteration_bounds = array<i64: 5>, scalar_prefetch = 0 : i64, scratch_operands = 0 : i64, tpu.core_type = #tpu.core_type<tc>, window_params = [{transform_indices = @transform_0, window_bounds = array<i64: 2, 2048, 1>}, {transform_indices = @transform_1, window_bounds = array<i64: 2, 2048, 1>}, {transform_indices = @transform_2, window_bounds = array<i64: 2048, 128>}, {pipeline_mode = #tpu.pipeline_mode<synchronous>, transform_indices = @transform_3, window_bounds = array<i64: 128, 128>}, {transform_indices = @transform_4, window_bounds = array<i64: 2048, 128>}, {transform_indices = @transform_5, window_bounds = array<i64: 2048, 1>}, {transform_indices = @transform_6, window_bounds = array<i64: 2048, 1>}]} {
    %get3A = arith.constant 0 : index
    %get3A_0 = arith.constant 0 : index
    %get3A_1 = arith.constant 0 : index
    %get3A_2 = vector.load %arg1[%get3A, %get3A_0, %get3A_1] : memref<2x2048x1xf32, #tpu.memory_space<vmem>>, vector<2x2048x1xf32>
    %get3A_3 = arith.constant 0 : index
    %get3A_4 = arith.constant 0 : index
    %get3A_5 = arith.constant 0 : index
    %get3A_6 = vector.load %arg2[%get3A_3, %get3A_4, %get3A_5] : memref<2x2048x1xf32, #tpu.memory_space<vmem>>, vector<2x2048x1xf32>
    %slice3A = vector.extract_strided_slice %get3A_2 {offsets = [0, 0, 0], sizes = [1, 2048, 1], strides = [1, 1, 1]} : vector<2x2048x1xf32> to vector<1x2048x1xf32>
    %squeeze3A = vector.shape_cast %slice3A : vector<1x2048x1xf32> to vector<2048x1xf32>
    %slice3A_7 = vector.extract_strided_slice %get3A_2 {offsets = [1, 0, 0], sizes = [1, 2048, 1], strides = [1, 1, 1]} : vector<2x2048x1xf32> to vector<1x2048x1xf32>
    %squeeze3A_8 = vector.shape_cast %slice3A_7 : vector<1x2048x1xf32> to vector<2048x1xf32>
    %add3A = arith.addf %squeeze3A, %squeeze3A_8 : vector<2048x1xf32>
    %max3A = arith.constant 1.000000e+00 : f32
    %max3A_9 = vector.broadcast %max3A : f32 to vector<2048x1xf32>
    %max3A_10 = arith.maximumf %add3A, %max3A_9 : vector<2048x1xf32>
    %sqrt3A = math.sqrt %max3A_10 : vector<2048x1xf32>
    %div3A = arith.constant 1.000000e+00 : f32
    %div3A_11 = vector.broadcast %div3A : f32 to vector<2048x1xf32>
    %div3A_12 = arith.divf %div3A_11, %sqrt3A : vector<2048x1xf32>
    %slice3A_13 = vector.extract_strided_slice %get3A_6 {offsets = [0, 0, 0], sizes = [1, 2048, 1], strides = [1, 1, 1]} : vector<2x2048x1xf32> to vector<1x2048x1xf32>
    %squeeze3A_14 = vector.shape_cast %slice3A_13 : vector<1x2048x1xf32> to vector<2048x1xf32>
    %slice3A_15 = vector.extract_strided_slice %get3A_6 {offsets = [1, 0, 0], sizes = [1, 2048, 1], strides = [1, 1, 1]} : vector<2x2048x1xf32> to vector<1x2048x1xf32>
    %squeeze3A_16 = vector.shape_cast %slice3A_15 : vector<1x2048x1xf32> to vector<2048x1xf32>
    %add3A_17 = arith.addf %squeeze3A_14, %squeeze3A_16 : vector<2048x1xf32>
    %max3A_18 = arith.constant 1.000000e+00 : f32
    %max3A_19 = vector.broadcast %max3A_18 : f32 to vector<2048x1xf32>
    %max3A_20 = arith.maximumf %add3A_17, %max3A_19 : vector<2048x1xf32>
    %sqrt3A_21 = math.sqrt %max3A_20 : vector<2048x1xf32>
    %div3A_22 = arith.constant 1.000000e+00 : f32
    %div3A_23 = vector.broadcast %div3A_22 : f32 to vector<2048x1xf32>
    %div3A_24 = arith.divf %div3A_23, %sqrt3A_21 : vector<2048x1xf32>
    %swap3A = arith.constant 0 : index
    %swap3A_25 = arith.constant 0 : index
    %swap3A_26 = vector.load %arg6[%swap3A, %swap3A_25] : memref<2048x1xf32, #tpu.memory_space<vmem>>, vector<2048x1xf32>
    tpu.vector_store %arg6[%swap3A, %swap3A_25], %div3A_12 {strides = array<i32>} : memref<2048x1xf32, #tpu.memory_space<vmem>>, vector<2048x1xf32>,
    %swap3A_27 = arith.constant 0 : index
    %swap3A_28 = arith.constant 0 : index
    %swap3A_29 = vector.load %arg7[%swap3A_27, %swap3A_28] : memref<2048x1xf32, #tpu.memory_space<vmem>>, vector<2048x1xf32>
    tpu.vector_store %arg7[%swap3A_27, %swap3A_28], %div3A_24 {strides = array<i32>} : memref<2048x1xf32, #tpu.memory_space<vmem>>, vector<2048x1xf32>,
    %get3A_30 = arith.constant 0 : index
    %get3A_31 = arith.constant 0 : index
    %get3A_32 = vector.load %arg3[%get3A_30, %get3A_31] : memref<2048x128xf32, #tpu.memory_space<vmem>>, vector<2048x128xf32>
    %get3A_33 = arith.constant 0 : index
    %get3A_34 = arith.constant 0 : index
    %get3A_35 = vector.load %arg4[%get3A_33, %get3A_34] : memref<128x128xf32, #tpu.memory_space<vmem>>, vector<128x128xf32>
    %dot_general3A = arith.constant dense<0.000000e+00> : vector<2048x128xf32>
    %dot_general3A_36 = tpu.matmul %get3A_32, %get3A_35, %dot_general3A {dimension_numbers = #tpu.dot_dimension_numbers<[1], [0], [0], [1], [0, 0, 1, 1], [], []>, transpose_lhs_hint = false} : vector<2048x128xf32>, vector<128x128xf32>, vector<2048x128xf32> -> vector<2048x128xf32>
    %mul3A = vector.broadcast %div3A_12 : vector<2048x1xf32> to vector<2048x128xf32>
    %mul3A_37 = arith.mulf %dot_general3A_36, %mul3A : vector<2048x128xf32>
    %swap3A_38 = arith.constant 0 : index
    %swap3A_39 = arith.constant 0 : index
    %swap3A_40 = vector.load %arg5[%swap3A_38, %swap3A_39] : memref<2048x128xf32, #tpu.memory_space<vmem>>, vector<2048x128xf32>
    tpu.vector_store %arg5[%swap3A_38, %swap3A_39], %mul3A_37 {strides = array<i32>} : memref<2048x128xf32, #tpu.memory_space<vmem>>, vector<2048x128xf32>,
    return
  }
  func.func @transform_0(%arg0: i32) -> (i32, i32, i32) {
    %c0_i32 = arith.constant 0 : i32
    %c0_i32_0 = arith.constant 0 : i32
    %c0_i32_1 = arith.constant 0 : i32
    return %c0_i32, %arg0, %c0_i32_0 : i32, i32, i32
  }
  func.func @transform_1(%arg0: i32) -> (i32, i32, i32) {
    %c0_i32 = arith.constant 0 : i32
    %c0_i32_0 = arith.constant 0 : i32
    %c0_i32_1 = arith.constant 0 : i32
    return %c0_i32, %arg0, %c0_i32_0 : i32, i32, i32
  }
  func.func @transform_2(%arg0: i32) -> (i32, i32) {
    %c0_i32 = arith.constant 0 : i32
    %c0_i32_0 = arith.constant 0 : i32
    return %arg0, %c0_i32 : i32, i32
  }
  func.func @transform_3(%arg0: i32) -> (i32, i32) {
    %c0_i32 = arith.constant 0 : i32
    %c0_i32_0 = arith.constant 0 : i32
    %c0_i32_1 = arith.constant 0 : i32
    return %c0_i32, %c0_i32_0 : i32, i32
  }
  func.func @transform_4(%arg0: i32) -> (i32, i32) {
    %c0_i32 = arith.constant 0 : i32
    %c0_i32_0 = arith.constant 0 : i32
    return %arg0, %c0_i32 : i32, i32
  }
  func.func @transform_5(%arg0: i32) -> (i32, i32) {
    %c0_i32 = arith.constant 0 : i32
    %c0_i32_0 = arith.constant 0 : i32
    return %arg0, %c0_i32 : i32, i32
  }
  func.func @transform_6(%arg0: i32) -> (i32, i32) {
    %c0_i32 = arith.constant 0 : i32
    %c0_i32_0 = arith.constant 0 : i32
    return %arg0, %c0_i32 : i32, i32
  }
}

module attributes {stable_mosaic.version = 14 : i64} {
  func.func @_layer_body(%arg0: i32, %arg1: memref<2x2048x128xf32, #tpu.memory_space<vmem>>, %arg2: memref<2048x1xf32, #tpu.memory_space<vmem>>, %arg3: memref<1x128xf32, #tpu.memory_space<vmem>>, %arg4: memref<128x128xf32, #tpu.memory_space<vmem>>, %arg5: memref<2048x1xf32, #tpu.memory_space<vmem>>, %arg6: memref<2048x128xf32, #tpu.memory_space<vmem>>) attributes {dimension_semantics = [#tpu.dimension_semantics<arbitrary>], iteration_bounds = array<i64: 5>, scalar_prefetch = 0 : i64, scratch_operands = 0 : i64, tpu.core_type = #tpu.core_type<tc>, window_params = [{transform_indices = @transform_0, window_bounds = array<i64: 2, 2048, 128>}, {transform_indices = @transform_1, window_bounds = array<i64: 2048, 1>}, {pipeline_mode = #tpu.pipeline_mode<synchronous>, transform_indices = @transform_2, window_bounds = array<i64: 1, 128>}, {pipeline_mode = #tpu.pipeline_mode<synchronous>, transform_indices = @transform_3, window_bounds = array<i64: 128, 128>}, {transform_indices = @transform_4, window_bounds = array<i64: 2048, 1>}, {transform_indices = @transform_5, window_bounds = array<i64: 2048, 128>}]} {
    %get3A = arith.constant 0 : index
    %get3A_0 = arith.constant 0 : index
    %get3A_1 = arith.constant 0 : index
    %get3A_2 = vector.load %arg1[%get3A, %get3A_0, %get3A_1] : memref<2x2048x128xf32, #tpu.memory_space<vmem>>, vector<2x2048x128xf32>
    %slice3A = vector.extract_strided_slice %get3A_2 {offsets = [0, 0, 0], sizes = [1, 2048, 128], strides = [1, 1, 1]} : vector<2x2048x128xf32> to vector<1x2048x128xf32>
    %squeeze3A = vector.shape_cast %slice3A : vector<1x2048x128xf32> to vector<2048x128xf32>
    %slice3A_3 = vector.extract_strided_slice %get3A_2 {offsets = [1, 0, 0], sizes = [1, 2048, 128], strides = [1, 1, 1]} : vector<2x2048x128xf32> to vector<1x2048x128xf32>
    %squeeze3A_4 = vector.shape_cast %slice3A_3 : vector<1x2048x128xf32> to vector<2048x128xf32>
    %add3A = arith.addf %squeeze3A, %squeeze3A_4 : vector<2048x128xf32>
    %get3A_5 = arith.constant 0 : index
    %get3A_6 = arith.constant 0 : index
    %get3A_7 = vector.load %arg2[%get3A_5, %get3A_6] : memref<2048x1xf32, #tpu.memory_space<vmem>>, vector<2048x1xf32>
    %mul3A = vector.broadcast %get3A_7 : vector<2048x1xf32> to vector<2048x128xf32>
    %mul3A_8 = arith.mulf %add3A, %mul3A : vector<2048x128xf32>
    %get3A_9 = arith.constant 0 : index
    %get3A_10 = arith.constant 0 : index
    %get3A_11 = vector.load %arg3[%get3A_9, %get3A_10] : memref<1x128xf32, #tpu.memory_space<vmem>>, vector<1x128xf32>
    %add3A_12 = vector.broadcast %get3A_11 : vector<1x128xf32> to vector<2048x128xf32>
    %add3A_13 = arith.addf %mul3A_8, %add3A_12 : vector<2048x128xf32>
    %max3A = arith.constant 0.000000e+00 : f32
    %max3A_14 = vector.broadcast %max3A : f32 to vector<2048x128xf32>
    %max3A_15 = arith.maximumf %add3A_13, %max3A_14 : vector<2048x128xf32>
    %get3A_16 = arith.constant 0 : index
    %get3A_17 = arith.constant 0 : index
    %get3A_18 = vector.load %arg4[%get3A_16, %get3A_17] : memref<128x128xf32, #tpu.memory_space<vmem>>, vector<128x128xf32>
    %dot_general3A = arith.constant dense<0.000000e+00> : vector<2048x128xf32>
    %dot_general3A_19 = tpu.matmul %max3A_15, %get3A_18, %dot_general3A {dimension_numbers = #tpu.dot_dimension_numbers<[1], [0], [0], [1], [0, 0, 1, 1], [], []>, transpose_lhs_hint = false} : vector<2048x128xf32>, vector<128x128xf32>, vector<2048x128xf32> -> vector<2048x128xf32>
    %get3A_20 = arith.constant 0 : index
    %get3A_21 = arith.constant 0 : index
    %get3A_22 = vector.load %arg5[%get3A_20, %get3A_21] : memref<2048x1xf32, #tpu.memory_space<vmem>>, vector<2048x1xf32>
    %mul3A_23 = vector.broadcast %get3A_22 : vector<2048x1xf32> to vector<2048x128xf32>
    %mul3A_24 = arith.mulf %dot_general3A_19, %mul3A_23 : vector<2048x128xf32>
    %swap3A = arith.constant 0 : index
    %swap3A_25 = arith.constant 0 : index
    %swap3A_26 = vector.load %arg6[%swap3A, %swap3A_25] : memref<2048x128xf32, #tpu.memory_space<vmem>>, vector<2048x128xf32>
    tpu.vector_store %arg6[%swap3A, %swap3A_25], %mul3A_24 {strides = array<i32>} : memref<2048x128xf32, #tpu.memory_space<vmem>>, vector<2048x128xf32>,
    return
  }
  func.func @transform_0(%arg0: i32) -> (i32, i32, i32) {
    %c0_i32 = arith.constant 0 : i32
    %c0_i32_0 = arith.constant 0 : i32
    %c0_i32_1 = arith.constant 0 : i32
    return %c0_i32, %arg0, %c0_i32_0 : i32, i32, i32
  }
  func.func @transform_1(%arg0: i32) -> (i32, i32) {
    %c0_i32 = arith.constant 0 : i32
    %c0_i32_0 = arith.constant 0 : i32
    return %arg0, %c0_i32 : i32, i32
  }
  func.func @transform_2(%arg0: i32) -> (i32, i32) {
    %c0_i32 = arith.constant 0 : i32
    %c0_i32_0 = arith.constant 0 : i32
    %c0_i32_1 = arith.constant 0 : i32
    return %c0_i32, %c0_i32_0 : i32, i32
  }
  func.func @transform_3(%arg0: i32) -> (i32, i32) {
    %c0_i32 = arith.constant 0 : i32
    %c0_i32_0 = arith.constant 0 : i32
    %c0_i32_1 = arith.constant 0 : i32
    return %c0_i32, %c0_i32_0 : i32, i32
  }
  func.func @transform_4(%arg0: i32) -> (i32, i32) {
    %c0_i32 = arith.constant 0 : i32
    %c0_i32_0 = arith.constant 0 : i32
    return %arg0, %c0_i32 : i32, i32
  }
  func.func @transform_5(%arg0: i32) -> (i32, i32) {
    %c0_i32 = arith.constant 0 : i32
    %c0_i32_0 = arith.constant 0 : i32
    return %arg0, %c0_i32 : i32, i32
  }
}

module attributes {stable_mosaic.version = 14 : i64} {
  func.func @_scale_relu_body(%arg0: i32, %arg1: memref<2x2048x128xf32, #tpu.memory_space<vmem>>, %arg2: memref<2048x1xf32, #tpu.memory_space<vmem>>, %arg3: memref<1x128xf32, #tpu.memory_space<vmem>>, %arg4: memref<2048x1xf32, #tpu.memory_space<vmem>>, %arg5: memref<2048x128xf32, #tpu.memory_space<vmem>>) attributes {dimension_semantics = [#tpu.dimension_semantics<arbitrary>], iteration_bounds = array<i64: 5>, scalar_prefetch = 0 : i64, scratch_operands = 0 : i64, tpu.core_type = #tpu.core_type<tc>, window_params = [{transform_indices = @transform_0, window_bounds = array<i64: 2, 2048, 128>}, {transform_indices = @transform_1, window_bounds = array<i64: 2048, 1>}, {pipeline_mode = #tpu.pipeline_mode<synchronous>, transform_indices = @transform_2, window_bounds = array<i64: 1, 128>}, {transform_indices = @transform_3, window_bounds = array<i64: 2048, 1>}, {transform_indices = @transform_4, window_bounds = array<i64: 2048, 128>}]} {
    %get3A = arith.constant 0 : index
    %get3A_0 = arith.constant 0 : index
    %get3A_1 = arith.constant 0 : index
    %get3A_2 = vector.load %arg1[%get3A, %get3A_0, %get3A_1] : memref<2x2048x128xf32, #tpu.memory_space<vmem>>, vector<2x2048x128xf32>
    %slice3A = vector.extract_strided_slice %get3A_2 {offsets = [0, 0, 0], sizes = [1, 2048, 128], strides = [1, 1, 1]} : vector<2x2048x128xf32> to vector<1x2048x128xf32>
    %squeeze3A = vector.shape_cast %slice3A : vector<1x2048x128xf32> to vector<2048x128xf32>
    %slice3A_3 = vector.extract_strided_slice %get3A_2 {offsets = [1, 0, 0], sizes = [1, 2048, 128], strides = [1, 1, 1]} : vector<2x2048x128xf32> to vector<1x2048x128xf32>
    %squeeze3A_4 = vector.shape_cast %slice3A_3 : vector<1x2048x128xf32> to vector<2048x128xf32>
    %add3A = arith.addf %squeeze3A, %squeeze3A_4 : vector<2048x128xf32>
    %get3A_5 = arith.constant 0 : index
    %get3A_6 = arith.constant 0 : index
    %get3A_7 = vector.load %arg2[%get3A_5, %get3A_6] : memref<2048x1xf32, #tpu.memory_space<vmem>>, vector<2048x1xf32>
    %mul3A = vector.broadcast %get3A_7 : vector<2048x1xf32> to vector<2048x128xf32>
    %mul3A_8 = arith.mulf %add3A, %mul3A : vector<2048x128xf32>
    %get3A_9 = arith.constant 0 : index
    %get3A_10 = arith.constant 0 : index
    %get3A_11 = vector.load %arg3[%get3A_9, %get3A_10] : memref<1x128xf32, #tpu.memory_space<vmem>>, vector<1x128xf32>
    %add3A_12 = vector.broadcast %get3A_11 : vector<1x128xf32> to vector<2048x128xf32>
    %add3A_13 = arith.addf %mul3A_8, %add3A_12 : vector<2048x128xf32>
    %max3A = arith.constant 0.000000e+00 : f32
    %max3A_14 = vector.broadcast %max3A : f32 to vector<2048x128xf32>
    %max3A_15 = arith.maximumf %add3A_13, %max3A_14 : vector<2048x128xf32>
    %get3A_16 = arith.constant 0 : index
    %get3A_17 = arith.constant 0 : index
    %get3A_18 = vector.load %arg4[%get3A_16, %get3A_17] : memref<2048x1xf32, #tpu.memory_space<vmem>>, vector<2048x1xf32>
    %mul3A_19 = vector.broadcast %get3A_18 : vector<2048x1xf32> to vector<2048x128xf32>
    %mul3A_20 = arith.mulf %max3A_15, %mul3A_19 : vector<2048x128xf32>
    %swap3A = arith.constant 0 : index
    %swap3A_21 = arith.constant 0 : index
    %swap3A_22 = vector.load %arg5[%swap3A, %swap3A_21] : memref<2048x128xf32, #tpu.memory_space<vmem>>, vector<2048x128xf32>
    tpu.vector_store %arg5[%swap3A, %swap3A_21], %mul3A_20 {strides = array<i32>} : memref<2048x128xf32, #tpu.memory_space<vmem>>, vector<2048x128xf32>,
    return
  }
  func.func @transform_0(%arg0: i32) -> (i32, i32, i32) {
    %c0_i32 = arith.constant 0 : i32
    %c0_i32_0 = arith.constant 0 : i32
    %c0_i32_1 = arith.constant 0 : i32
    return %c0_i32, %arg0, %c0_i32_0 : i32, i32, i32
  }
  func.func @transform_1(%arg0: i32) -> (i32, i32) {
    %c0_i32 = arith.constant 0 : i32
    %c0_i32_0 = arith.constant 0 : i32
    return %arg0, %c0_i32 : i32, i32
  }
  func.func @transform_2(%arg0: i32) -> (i32, i32) {
    %c0_i32 = arith.constant 0 : i32
    %c0_i32_0 = arith.constant 0 : i32
    %c0_i32_1 = arith.constant 0 : i32
    return %c0_i32, %c0_i32_0 : i32, i32
  }
  func.func @transform_3(%arg0: i32) -> (i32, i32) {
    %c0_i32 = arith.constant 0 : i32
    %c0_i32_0 = arith.constant 0 : i32
    return %arg0, %c0_i32 : i32, i32
  }
  func.func @transform_4(%arg0: i32) -> (i32, i32) {
    %c0_i32 = arith.constant 0 : i32
    %c0_i32_0 = arith.constant 0 : i32
    return %arg0, %c0_i32 : i32, i32
  }
}

module attributes {stable_mosaic.version = 14 : i64} {
  func.func @_final_mm_body(%arg0: i32, %arg1: memref<2x2048x128xf32, #tpu.memory_space<vmem>>, %arg2: memref<2048x1xf32, #tpu.memory_space<vmem>>, %arg3: memref<128x64xf32, #tpu.memory_space<vmem>>, %arg4: memref<1x64xf32, #tpu.memory_space<vmem>>, %arg5: memref<2048x64xf32, #tpu.memory_space<vmem>>) attributes {dimension_semantics = [#tpu.dimension_semantics<arbitrary>], iteration_bounds = array<i64: 5>, scalar_prefetch = 0 : i64, scratch_operands = 0 : i64, tpu.core_type = #tpu.core_type<tc>, window_params = [{transform_indices = @transform_0, window_bounds = array<i64: 2, 2048, 128>}, {transform_indices = @transform_1, window_bounds = array<i64: 2048, 1>}, {pipeline_mode = #tpu.pipeline_mode<synchronous>, transform_indices = @transform_2, window_bounds = array<i64: 128, 64>}, {pipeline_mode = #tpu.pipeline_mode<synchronous>, transform_indices = @transform_3, window_bounds = array<i64: 1, 64>}, {transform_indices = @transform_4, window_bounds = array<i64: 2048, 64>}]} {
    %get3A = arith.constant 0 : index
    %get3A_0 = arith.constant 0 : index
    %get3A_1 = arith.constant 0 : index
    %get3A_2 = vector.load %arg1[%get3A, %get3A_0, %get3A_1] : memref<2x2048x128xf32, #tpu.memory_space<vmem>>, vector<2x2048x128xf32>
    %slice3A = vector.extract_strided_slice %get3A_2 {offsets = [0, 0, 0], sizes = [1, 2048, 128], strides = [1, 1, 1]} : vector<2x2048x128xf32> to vector<1x2048x128xf32>
    %squeeze3A = vector.shape_cast %slice3A : vector<1x2048x128xf32> to vector<2048x128xf32>
    %slice3A_3 = vector.extract_strided_slice %get3A_2 {offsets = [1, 0, 0], sizes = [1, 2048, 128], strides = [1, 1, 1]} : vector<2x2048x128xf32> to vector<1x2048x128xf32>
    %squeeze3A_4 = vector.shape_cast %slice3A_3 : vector<1x2048x128xf32> to vector<2048x128xf32>
    %add3A = arith.addf %squeeze3A, %squeeze3A_4 : vector<2048x128xf32>
    %get3A_5 = arith.constant 0 : index
    %get3A_6 = arith.constant 0 : index
    %get3A_7 = vector.load %arg2[%get3A_5, %get3A_6] : memref<2048x1xf32, #tpu.memory_space<vmem>>, vector<2048x1xf32>
    %mul3A = vector.broadcast %get3A_7 : vector<2048x1xf32> to vector<2048x128xf32>
    %mul3A_8 = arith.mulf %add3A, %mul3A : vector<2048x128xf32>
    %get3A_9 = arith.constant 0 : index
    %get3A_10 = arith.constant 0 : index
    %get3A_11 = vector.load %arg3[%get3A_9, %get3A_10] : memref<128x64xf32, #tpu.memory_space<vmem>>, vector<128x64xf32>
    %dot_general3A = arith.constant dense<0.000000e+00> : vector<2048x64xf32>
    %dot_general3A_12 = tpu.matmul %mul3A_8, %get3A_11, %dot_general3A {dimension_numbers = #tpu.dot_dimension_numbers<[1], [0], [0], [1], [0, 0, 1, 1], [], []>, transpose_lhs_hint = false} : vector<2048x128xf32>, vector<128x64xf32>, vector<2048x64xf32> -> vector<2048x64xf32>
    %get3A_13 = arith.constant 0 : index
    %get3A_14 = arith.constant 0 : index
    %get3A_15 = vector.load %arg4[%get3A_13, %get3A_14] : memref<1x64xf32, #tpu.memory_space<vmem>>, vector<1x64xf32>
    %add3A_16 = vector.broadcast %get3A_15 : vector<1x64xf32> to vector<2048x64xf32>
    %add3A_17 = arith.addf %dot_general3A_12, %add3A_16 : vector<2048x64xf32>
    %swap3A = arith.constant 0 : index
    %swap3A_18 = arith.constant 0 : index
    %swap3A_19 = vector.load %arg5[%swap3A, %swap3A_18] : memref<2048x64xf32, #tpu.memory_space<vmem>>, vector<2048x64xf32>
    tpu.vector_store %arg5[%swap3A, %swap3A_18], %add3A_17 {strides = array<i32>} : memref<2048x64xf32, #tpu.memory_space<vmem>>, vector<2048x64xf32>,
    return
  }
  func.func @transform_0(%arg0: i32) -> (i32, i32, i32) {
    %c0_i32 = arith.constant 0 : i32
    %c0_i32_0 = arith.constant 0 : i32
    %c0_i32_1 = arith.constant 0 : i32
    return %c0_i32, %arg0, %c0_i32_0 : i32, i32, i32
  }
  func.func @transform_1(%arg0: i32) -> (i32, i32) {
    %c0_i32 = arith.constant 0 : i32
    %c0_i32_0 = arith.constant 0 : i32
    return %arg0, %c0_i32 : i32, i32
  }
  func.func @transform_2(%arg0: i32) -> (i32, i32) {
    %c0_i32 = arith.constant 0 : i32
    %c0_i32_0 = arith.constant 0 : i32
    %c0_i32_1 = arith.constant 0 : i32
    return %c0_i32, %c0_i32_0 : i32, i32
  }
  func.func @transform_3(%arg0: i32) -> (i32, i32) {
    %c0_i32 = arith.constant 0 : i32
    %c0_i32_0 = arith.constant 0 : i32
    %c0_i32_1 = arith.constant 0 : i32
    return %c0_i32, %c0_i32_0 : i32, i32
  }
  func.func @transform_4(%arg0: i32) -> (i32, i32) {
    %c0_i32 = arith.constant 0 : i32
    %c0_i32_0 = arith.constant 0 : i32
    return %arg0, %c0_i32 : i32, i32
  }
}

</mosaic_0001>

<sc_bundles>
// kernel: kernel.10.cloned.1.call-start
scs
__scs_entry_jumppad:
0x0: {  	(pc) =	sbr.rel $0x88, $3  }
0x1: {  	(tag) =	ssettag $0x0;
	lr =	simm.s32 $0x1  }
0x2: {  	[smem:$0x3F99] =	sst lr;
	_ =	strace $0xD0000000  }
0x3: {  	_ = 	snop  }
0x4: {  	_ = 	snop  }
0x5: {  	_ = 	snop  }
0x6: {  	_ = 	snop  }
0x7: {  	_ = 	snop  }
__scs_overlays_trampoline_lowered:
0x8: {  	[smem:$0x3FA8] =	sst s0  }
0x9: {  	[smem:$0x3FA9] =	sst s1  }
0xa: {  	[smem:$0x3FAA] =	sst s2  }
0xb: {  	[smem:$0x3FAB] =	sst s3  }
0xc: {  	[smem:$0x3FAC] =	sst s4  }
0xd: {  	[smem:$0x3FAD] =	sst s5  }
0xe: {  	[smem:$0x3FAE] =	sst s6  }
0xf: {  	[smem:$0x3FAF] =	sst s7  }
0x10: {  	[smem:$0x3FB0] =	sst s8  }
0x11: {  	[smem:$0x3FB1] =	sst s9;
	s0 =	simm.s32 @!p0 $0x0  }
0x12: {  	s1 =	sld [smem:$0x3F97];
	s0 =	simm.s32 @p0 $0x1  }
0x13: {  	[smem:$0x3FB2] =	sst s0;
	s0 =	simm.s32 @!p1 $0x0  }
0x14: {  	s2 =	sld [smem:$0x3F96];
	s0 =	simm.s32 @p1 $0x1  }
0x15: {  	[smem:$0x3FB3] =	sst s0;
	s0 =	simm.s32 @!p2 $0x0  }
0x16: {  	s3 =	sld [smem:$0x3FDB];
	s0 =	simm.s32 @p2 $0x1  }
0x17: {  	s4 =	simm.s32 $0x1BF5;
	[smem:$0x3FB5] =	sst s0  }
0x18: {  	s0 =	sld [smem:$0x3F98];
	_ =	swait.ge [sflag:s4], $0x0  }
0x19: {  	s7 =	sld [smem:$0x3F99]  }
0x1a: {  	s8 =	sadd.s32 $0xFFFFE003, lr  }
0x1b: {  	s9 =	sadd.s32 $0xFFFFFEF7, lr;
	s5 =	simm.s32 $0xFFFFFFFF;
	p2 =	slt.u32 s8, $0xFFFFF086  }
0x1c: {  	p1 =	slt.u32 s9, $0xF7A;
	s5 =	simm.s32 @!p2 $0x0  }
0x1d: {  	s5 =	simm.s32 @p1 $0x1;
	p0 =	seq.s32 s7, s2  }
0x1e: {  	s7 =	smul.u32 @!p0 $0xF7A, s2;
	p2 =	seq.s32 @!p0 s5, $0x0  }
0x1f: {  	s9 =	smul.u32 $0xF7A, s1;
	s8 =	simm.s32 @!p0 $0x1BF5;
	p2 =	por !p2, p0  }
0x20: {  	[sflag:s8] =	ssyncset.s32 @!p0 $0xFFFFF086;
	s6 =	sadd.s32 @!p0 s3, s7;
	s7 =	simm.s32 @!p0 $0x108  }
0x21: {  	s3 =	sadd.s32 s3, s9;
	s6 =	sadd.s32 @!p0 $0x88, s6;
	s7 =	simm.s32 @p2 $0x1082  }
0x22: {  	[simem:s7], [sflag:s8] =	dma.local @!p0 [hbm:s6], $0xF7A  }
0x23: {  	s9 =	sor.u32 $0xD0000000, s2;
	s6 =	simm.s32 $0x108;
	_ =	swait.ge @!p0 [sflag:s8], $0x0  }
0x24: {  	s3 =	sadd.s32 $0x88, s3;
	s6 =	simm.s32 @!p1 $0x1082;
	[sflag:s4] =	ssyncset.s32 $0xFFFFF086  }
0x25: {  	[simem:s6], [sflag:s4] =	dma.local [hbm:s3], $0xF7A  }
0x26: {  	[smem:$0x3F99] =	sst s1;
	(tag) =	ssettag s2;
	_ =	strace s9  }
0x27: {  	s1 =	sld [smem:$0x3FA9]  }
0x28: {  	s2 =	sld [smem:$0x3FAA]  }
0x29: {  	s4 =	sld [smem:$0x3FAC]  }
0x2a: {  	p0 =	seq.s32 s5, $0x0;
	s5 =	sld [smem:$0x3FAD]  }
0x2b: {  	s6 =	sld [smem:$0x3FAE]  }
0x2c: {  	s7 =	sld [smem:$0x3FAF]  }
0x2d: {  	s3 =	simm.s32 $0x108;
	s8 =	sld [smem:$0x3FB0]  }
0x2e: {  	s3 =	simm.s32 @!p0 $0x1082;
	s9 =	sld [smem:$0x3FB1]  }
0x2f: {  	lr =	sadd.s32 s0, s3;
	s0 =	sld [smem:$0x3FA8]  }
0x30: {  	s3 =	sld [smem:$0x3FAB]  }
0x31: {  	[smem:$0x3FB4] =	sst s10  }
0x32: {  	s10 =	sld [smem:$0x3FB2];
	_ =	sdelay $0x3  }
0x33: {  	p0 =	seq.s32 s10, $0x1;
	s10 =	sld [smem:$0x3FB4];
	_ =	sdelay $0x3  }
0x34: {  	[smem:$0x3FB4] =	sst s10  }
0x35: {  	s10 =	sld [smem:$0x3FB3];
	_ =	sdelay $0x3  }
0x36: {  	p1 =	seq.s32 s10, $0x1;
	s10 =	sld [smem:$0x3FB4];
	_ =	sdelay $0x3  }
0x37: {  	[smem:$0x3FB4] =	sst s10  }
0x38: {  	s10 =	sld [smem:$0x3FB5]  }
0x39: {  	_ = 	snop;
	(pc) =	sbr.ind lr, $3  }
0x3a: {  	_ = 	snop  }
0x3b: {  	_ = 	snop  }
0x3c: {  	p2 =	seq.s32 s10, $0x1;
	s10 =	sld [smem:$0x3FB4]  }
0x3d: {  	_ =	shalt  }
0x3e: {  	_ =	shalt  }
0x3f: {  	_ =	shalt  }
0x40: {  	_ =	shalt  }
0x41: {  	_ =	shalt  }
0x42: {  	_ =	shalt  }
0x43: {  	_ =	shalt  }
0x44: {  	_ =	shalt  }
0x45: {  	_ =	shalt  }
0x46: {  	_ =	shalt  }
0x47: {  	_ =	shalt  }
0x48: {  	_ =	shalt  }
0x49: {  	_ =	shalt  }
0x4a: {  	_ =	shalt  }
0x4b: {  	_ =	shalt  }
0x4c: {  	_ =	shalt  }
0x4d: {  	_ =	shalt  }
0x4e: {  	_ =	shalt  }
0x4f: {  	_ =	shalt  }
0x50: {  	_ =	shalt  }
0x51: {  	_ =	shalt  }
0x52: {  	_ =	shalt  }
0x53: {  	_ =	shalt  }
0x54: {  	_ =	shalt  }
0x55: {  	_ =	shalt  }
0x56: {  	_ =	shalt  }
0x57: {  	_ =	shalt  }
0x58: {  	_ =	shalt  }
0x59: {  	_ =	shalt  }
0x5a: {  	_ =	shalt  }
0x5b: {  	_ =	shalt  }
0x5c: {  	_ =	shalt  }
0x5d: {  	_ =	shalt  }
0x5e: {  	_ =	shalt  }
0x5f: {  	_ =	shalt  }
0x60: {  	_ =	shalt  }
0x61: {  	_ =	shalt  }
0x62: {  	_ =	shalt  }
0x63: {  	_ =	shalt  }
0x64: {  	_ =	shalt  }
0x65: {  	_ =	shalt  }
0x66: {  	_ =	shalt  }
0x67: {  	_ =	shalt  }
0x68: {  	_ =	shalt  }
0x69: {  	_ =	shalt  }
0x6a: {  	_ =	shalt  }
0x6b: {  	_ =	shalt  }
0x6c: {  	_ =	shalt  }
0x6d: {  	_ =	shalt  }
0x6e: {  	_ =	shalt  }
0x6f: {  	_ =	shalt  }
0x70: {  	_ =	shalt  }
0x71: {  	_ =	shalt  }
0x72: {  	_ =	shalt  }
0x73: {  	_ =	shalt  }
0x74: {  	_ =	shalt  }
0x75: {  	_ =	shalt  }
0x76: {  	_ =	shalt  }
0x77: {  	_ =	shalt  }
0x78: {  	_ =	shalt  }
0x79: {  	_ =	shalt  }
0x7a: {  	_ =	shalt  }
0x7b: {  	_ =	shalt  }
0x7c: {  	_ =	shalt  }
0x7d: {  	_ =	shalt  }
0x7e: {  	_ =	shalt  }
0x7f: {  	_ =	shalt  }
0x80: {  	_ =	shalt  }
0x81: {  	_ =	shalt  }
0x82: {  	_ =	shalt  }
0x83: {  	_ =	shalt  }
0x84: {  	_ =	shalt  }
0x85: {  	_ =	shalt  }
0x86: {  	_ =	shalt  }
0x87: {  	_ =	shalt  }
.Lfunc_end0:
.L_simem_size_0:
called_computation_lowered:
.L_overlay_start_0:
0x88: {  	s2 =	sld [smem:$0x3FD9]  }
0x89: {  	s3 =	sld [smem:$0x3FFE];
	_ =	sdelay $0x1  }
0x8a: {  	s1 =	srdreg.scid  }
0x8b: {  	s0 =	sand.u32 $0x1, s1  }
0x8c: {  	s17 =	sshll.u32 s0, $0xA;
	s2 =	sadd.s32 s3, s2  }
0x8d: {  	s2 =	sadd.s32 s2, s17  }
0x8e: {  	[smem:$0x3FC0] =	sst s2  }
0x8f: {  	_ = 	snop  }
0x90: {  	s2 =	sld [smem:$0x3FD0];
	(tm) =	ssettm $0x1  }
0x91: {  	s18 =	sld [smem:$0x3FFB];
	_ =	sdelay $0x3  }
0x92: {  	_ =	strace s18  }
0x93: {  	s3 =	sld [smem:$0x3FFC];
	_ =	sdelay $0x3  }
0x94: {  	_ =	strace s3  }
0x95: {  	s3 =	sld [smem:$0x3FFD];
	_ =	sdelay $0x3  }
0x96: {  	_ =	strace s3  }
0x97: {  	_ =	strace $0x8FFFFFFF  }
0x98: {  	s19 =	sld [smem:$0x3FDB];
	_ =	sdelay $0x1  }
0x99: {  	s4 =	simm.s32 $_scs_section_size  }
0x9a: {  	s5 =	simm.s32 $_size__tile_overlayer_lowered;
	s6 =	simm.s32 $_tile_overlayer_lowered  }
0x9b: {  	s22 =	simm.s32 $0x1BFF;
	s21 =	sshll.u32 s6, $0x1;
	s3 =	sadd.s32 s4, s19  }
0x9c: {  	s7 =	simm.s32 $0x0;
	s20 =	sshll.u32 s5, $0x1;
	s5 =	sadd.s32 s21, s3  }
0x9d: {  	[timem:s7], [sflag:s22] =	dma.local [hbm:s5], s20  }
0x9e: {  	_ =	swait.ge [sflag:s22], s20  }
0x9f: {  	s4 =	ssub.s32 $0x0, s20;
	[sflag:s22] =	ssyncset.done $0x0  }
0xa0: {  	[sflag:s22] =	ssyncadd.s32 s4;
	_ =	sdelay $0x1  }
0xa1: {  	s23 =	simm.s32 $0x1B8B  }
0xa2: {  	_ =	swait.ge [sflag:s23], $0x1  }
0xa3: {  	[sflag:s23] =	ssyncset.done $0x0  }
0xa4: {  	s25 =	simm.s32 $0x1B8E;
	s24 =	sld [smem:$0x3FFE];
	[sflag:s23] =	ssyncadd.s32 $0xFFFFFFFF  }
0xa5: {  	s26 =	simm.s32 $execute0_lowered;
	[smem:$0x3FD2] =	sst s25  }
0xa6: {  	s5 =	sshll.u32 s26, $0x1;
	_ =	strace $0x80000046;
	[dreg:$0x1] =	wrdreg $0xFFFFFFFF  }
0xa7: {  	s28 =	simm.s32 $_size_execute0_lowered;
	s3 =	sadd.s32 s3, s5;
	[dreg:$0x0] =	wrdreg $0x0  }
0xa8: {  	s5 =	sshll.u32 s28, $0x1;
	[dreg:$0x2] =	wrdreg s3  }
0xa9: {  	[dreg:$0x3] =	wrdreg s5  }
0xaa: {  	[dreg:$0x4] =	wrdreg $0xC0  }
0xab: {  	_ =	task [dreg:s7], $0x5FFFF  }
0xac: {  	[dreg:$0x1] =	wrdreg $0xFFFFFFFF  }
0xad: {  	[dreg:$0x0] =	wrdreg $0x60  }
0xae: {  	[dreg:$0x2] =	wrdreg s24  }
0xaf: {  	[dreg:$0x3] =	wrdreg s2  }
0xb0: {  	[dreg:$0x4] =	wrdreg $0x53000  }
0xb1: {  	[dreg:$0x5] =	wrdreg $0x55800  }
0xb2: {  	[dreg:$0x6] =	wrdreg $0x9  }
0xb3: {  	_ =	task.clear_ibuf [dreg:s7], $0x7FFFF;
	_ =	strace $0x90000046  }
0xb4: {  	s29 =	simm.s32 $0x9;
	_ =	strace $0x80000048  }
0xb5: {  	_ =	swait.ge [sflag:s29], $0x1  }
0xb6: {  	[sflag:s29] =	ssyncadd.s32 $0xFFFFFFFF  }
0xb7: {  	_ =	strace $0x90000048  }
0xb8: {  	_ =	sfence  }
0xb9: {  	s30 =	sld [smem:$0x0];
	_ =	sdelay $0x2  }
0xba: {  	s31 =	sshll.u32 s1, $0xD;
	s1 =	sshrl.u32 s1, $0x2  }
0xbb: {  	s3 =	sand.u32 $0x4000, s31;
	s1 =	sadd.s32 s1, s30  }
0xbc: {  	s0 =	sor.u32 s3, s0;
	s1 =	sshll.u32 s1, $0x11  }
0xbd: {  	s0 =	sor.u32 s1, s0  }
0xbe: {  	s0 =	sadd.s32 $0x8F2B, s0  }
0xbf: {  	[sflag:s0] =	ssyncadd.remote.s32 $0x1  }
0xc0: {  	_ =	sfence.sel $0xFFFF  }
0xc1: {  	[dreg:$0x0] =	wrdreg $0xFFFFFFFF;
	(pc) =	sbr.abs _section_cstart, $3  }
0xc2: {  	[dreg:$0x1] =	wrdreg $0xFFFFFFFF  }
0xc3: {  	_ =	task.clear_ibuf [dreg:s7], $0x2FFFF;
	_ =	strace $0x9FFFFFFF  }
0xc4: {  	(tm) =	ssettm $0x7FFFFFFF  }
0xc5: {  	_ =	shalt  }
tec
execute0_lowered:
.L_overlay_start_1:
0x0: {  	(tag) =	ssettag $0x1  }
0x1: {  	s5 =	rddreg [dreg:$0x0]  }
0x2: {  	s8 =	rddreg [dreg:$0x1]  }
0x3: {  	s2 =	rddreg [dreg:$0x2]  }
0x4: {  	s3 =	rddreg [dreg:$0x3];
	s4 =	srdreg.scid  }
0x5: {  	s0 =	rddreg [dreg:$0x4];
	s1 =	stileid.u32  }
0x6: {  	s14 =	simm.s32 $0x2800;
	s15 =	simm.s32 $0x80;
	s16 =	simm.s32 $0x5000  }
0x7: {  	s17 =	simm.s32 $0x1;
	s18 =	simm.s32 $0x2;
	s20 =	simm.s32 $0x20  }
0x8: {  	s21 =	simm.s32 $0x10;
	s22 =	simm.s32 $0x0;
	s10 =	smul.u32 $0x500, s1  }
0x9: {  	s6 =	sand.u32 $0x1, s4;
	s4 =	simm.s32 $0x0;
	s30 =	smul.u32 $0x280, s1  }
0xa: {  	s7 =	sshll.u32 s1, $0x1;
	s19 =	sshll.u32 s1, $0x6;
	s9 =	smul.u32 $0x5000, s6  }
0xb: {  	[smem:$0x7FF] =	sst s4;
	s7 =	sor.u32 s6, s7;
	s6 =	ssub.s32 $0x2, s6  }
0xc: {  	s19 =	sor.u32 $0x1C03, s19;
	s11 =	smul.u32 $0x500, s7;
	s12 =	sshrl.u32 s6, $0x1  }
0xd: {  	_ =	strace $0x80000047;
	s29 =	sadd.s32 s10, s9;
	s12 =	ssub.s32 s6, s12  }
0xe: {  	s6 =	sadd.s32 s30, s3;
	s31 =	sadd.s32 s11, s5;
	s7 =	sshrl.u32 s29, $0x3  }
0xf: {  	s8 =	sadd.s32 s8, s11;
	s11 =	smax.u32 s12, $0x1;
	s12 =	simm.s32 $0x5080  }
0x10: {  	s13 =	sadd.s32 s7, s5;
	s5 =	sadd.s32 s30, s2;
	s7 =	sadd.s32 $0x2200, s31  }
0x11: {  	v0 =	vimm.f32 $1.000000000e+00;
	v1 =	vimm.f32 $0.0e+00;
	s9 =	sadd.s32 $0xC200, s13;
	s10 =	sadd.s32 $0xC210, s13;
	s13 =	simm.s32 $0x3  }
.LBB2_1:
0x12: {  	[tilespmem:$0x5000] =	vst v0  }
0x13: {  	[tilespmem:$0x5010] =	vst v0  }
0x14: {  	[tilespmem:$0x5020] =	vst v0  }
0x15: {  	[tilespmem:$0x5030] =	vst v0  }
0x16: {  	[tilespmem:$0x5040] =	vst v0  }
0x17: {  	[tilespmem:$0x5050] =	vst v0  }
0x18: {  	[tilespmem:$0x5060] =	vst v0  }
0x19: {  	[tilespmem:$0x5070] =	vst v0  }
0x1a: {  	[tilespmem:$0x5080] =	vst v1  }
0x1b: {  	[tilespmem:$0x5090] =	vst v1  }
0x1c: {  	[tilespmem:$0x50A0] =	vst v1  }
0x1d: {  	[tilespmem:$0x50B0] =	vst v1  }
0x1e: {  	[tilespmem:$0x50C0] =	vst v1  }
0x1f: {  	[tilespmem:$0x50D0] =	vst v1  }
0x20: {  	[tilespmem:$0x50E0] =	vst v1  }
0x21: {  	[tilespmem:$0x50F0] =	vst v1  }
0x22: {  	[tilespmem:$0x5100] =	vst v1  }
0x23: {  	[tilespmem:$0x5110] =	vst v1  }
0x24: {  	[tilespmem:$0x5120] =	vst v1  }
0x25: {  	[tilespmem:$0x5130] =	vst v1  }
0x26: {  	[tilespmem:$0x5140] =	vst v1  }
0x27: {  	[tilespmem:$0x5150] =	vst v1  }
0x28: {  	[tilespmem:$0x5160] =	vst v1  }
0x29: {  	[tilespmem:$0x5170] =	vst v1  }
0x2a: {  	[tilespmem:$0x5180] =	vst v1  }
0x2b: {  	[tilespmem:$0x5190] =	vst v1  }
0x2c: {  	[tilespmem:$0x51A0] =	vst v1  }
0x2d: {  	[tilespmem:$0x51B0] =	vst v1  }
0x2e: {  	[tilespmem:$0x51C0] =	vst v1  }
0x2f: {  	[tilespmem:$0x51D0] =	vst v1  }
0x30: {  	[tilespmem:$0x51E0] =	vst v1  }
0x31: {  	[tilespmem:$0x51F0] =	vst v1  }
0x32: {  	[tilespmem:$0x5200] =	vst v1  }
0x33: {  	[tilespmem:$0x5210] =	vst v1  }
0x34: {  	[tilespmem:$0x5220] =	vst v1  }
0x35: {  	[tilespmem:$0x5230] =	vst v1  }
0x36: {  	[tilespmem:$0x5240] =	vst v1  }
0x37: {  	[tilespmem:$0x5250] =	vst v1  }
0x38: {  	[tilespmem:$0x5260] =	vst v1  }
0x39: {  	[tilespmem:$0x5270] =	vst v1  }
0x3a: {  	[tilespmem:$0x5280] =	vst v1  }
0x3b: {  	[tilespmem:$0x5290] =	vst v1  }
0x3c: {  	[tilespmem:$0x52A0] =	vst v1  }
0x3d: {  	[tilespmem:$0x52B0] =	vst v1  }
0x3e: {  	[tilespmem:$0x52C0] =	vst v1  }
0x3f: {  	[tilespmem:$0x52D0] =	vst v1  }
0x40: {  	[tilespmem:$0x52E0] =	vst v1  }
0x41: {  	[tilespmem:$0x52F0] =	vst v1  }
0x42: {  	[spmem:s5] =	stream.linear.scatter [tilespmem:s12], [sflag:$0x3], $0x280, $0x38;
	[tilespmem:$0x5800] =	vst v63  }
0x43: {  	_ =	swait.ge [sflag:s13], $0x280  }
0x44: {  	[sflag:s13] =	ssyncset.done $0x0  }
0x45: {  	[sflag:s13] =	ssyncadd.s32 $0xFFFFFD80  }
0x46: {  	[spmem:s6] =	stream.linear.scatter [tilespmem:s12], [sflag:$0x3], $0x280, $0x38;
	[tilespmem:$0x5800] =	vst v63  }
0x47: {  	_ =	swait.ge [sflag:s13], $0x280  }
0x48: {  	[sflag:s13] =	ssyncset.done $0x0  }
0x49: {  	[sflag:s13] =	ssyncadd.s32 $0xFFFFFD80  }
0x4a: {  	[bflag:$0x0] =	sbarrier.arrive $0xFFFF  }
0x4b: {  	[tilespmem:s4], [sflag:$0x3] =	stream.linear.gather [hbm4b:s7+s4], $0x2800, $0x38;
	[tilespmem:$0x5800] =	vst v63  }
0x4c: {  	_ =	swait.ge [sflag:s13], $0x2800  }
0x4d: {  	[sflag:s13] =	ssyncset.done $0x0  }
0x4e: {  	[sflag:s13] =	ssyncadd.s32 $0xFFFFD800  }
0x4f: {  	[tilespmem:s14], [sflag:$0x3] =	stream.linear.gather [hbm4b:s8+s4], $0x2800, $0x38;
	[tilespmem:$0x5800] =	vst v63  }
0x50: {  	_ =	swait.ge [sflag:s13], $0x2800  }
0x51: {  	[sflag:s13] =	ssyncset.done $0x0  }
0x52: {  	s23 =	simm.s32 $0x0;
	[sflag:s13] =	ssyncadd.s32 $0xFFFFD800  }
0x53: {  	[spmem:s2] =	stream.indirect.scatter.add.f32 [tilespmem:s16], [sflag:$0x1], $0x1, s23, s15, $0xb8;
	[tilespmem:$0x5800] =	vst v63  }
0x54: {  	s24 =	simm.s32 $0x2800;
	s23 =	simm.s32 $0x200  }
.LBB2_2:
0x55: {  	[spmem:s3] =	stream.indirect.scatter.add.f32 [tilespmem:s16], [sflag:$0x2], $0x1, s24, s15, $0xb8;
	[tilespmem:$0x5800] =	vst v63  }
0x56: {  	s24 =	smov.u32 s23;
	p0 =	sne.s32 s23, $0x9E00  }
.Ltmp0:
0x57: {  	s23 =	sadd.s32 $0x200, s23;
	(pc) =	sbr.rel @p0 .LBB2_2-.Ltmp0, $4  }
0x58: {  	_ = 	snop  }
0x59: {  	s24 =	sshra.s32 s24, $0x2  }
0x5a: {  	[spmem:s2] =	stream.indirect.scatter.add.f32 [tilespmem:s16], [sflag:$0x1], $0x1, s24, s15, $0xb8;
	[tilespmem:$0x5800] =	vst v63  }
0x5b: {  	s24 =	sadd.s32 $0x2800, s24  }
0x5c: {  	[spmem:s3] =	stream.indirect.scatter.add.f32 [tilespmem:s16], [sflag:$0x2], $0x1, s24, s15, $0xb8;
	[tilespmem:$0x5800] =	vst v63  }
0x5d: {  	_ =	swait.ge [sflag:s17], $0x80  }
0x5e: {  	[sflag:s17] =	ssyncset.done $0x0  }
0x5f: {  	[sflag:s17] =	ssyncadd.s32 $0xFFFFFF80  }
0x60: {  	_ =	swait.ge [sflag:s18], $0x80  }
0x61: {  	s23 =	simm.s32 $0x4F;
	[sflag:s18] =	ssyncset.done $0x0  }
.LBB2_4:
0x62: {  	p0 =	sne.s32 s23, $0x1;
	s23 =	sadd.s32 $0xFFFFFFFF, s23;
	[sflag:s18] =	ssyncadd.s32 $0xFFFFFF80  }
.Ltmp1:
0x63: {  	_ =	swait.ge [sflag:s17], $0x80;
	(pc) =	sbr.rel @p0 .LBB2_4-.Ltmp1, $4  }
0x64: {  	[sflag:s17] =	ssyncset.done $0x0  }
0x65: {  	[sflag:s17] =	ssyncadd.s32 $0xFFFFFF80  }
0x66: {  	_ =	swait.ge [sflag:s18], $0x80  }
0x67: {  	[sflag:s18] =	ssyncset.done $0x0  }
0x68: {  	[sflag:s18] =	ssyncadd.s32 $0xFFFFFF80  }
0x69: {  	s23 =	sshrl.u32 s5, $0x3;
	[bflag:$0x0] =	sbarrier.arrive $0xFFFF  }
0x6a: {  	[hbm:s9@s20], [sflag:s19] =	dma.strided [spmem:s23@s21], $0x50, s17, $0x10   }
0x6b: {  	s22 =	sadd.s32 $0x1, s22;
	_ =	swait.ge [sflag:s13], $0x50  }
0x6c: {  	p0 =	sne.s32 s22, s11;
	[sflag:s13] =	ssyncset.done $0x0  }
.Ltmp2:
0x6d: {  	s31 =	sshrl.u32 s6, $0x3;
	[sflag:s13] =	ssyncadd.s32 $0xFFFFFFB0;
	(pc) =	sbr.rel @p0 .LBB2_1-.Ltmp2, $4  }
0x6e: {  	[hbm:s10@s20], [sflag:s19] =	dma.strided [spmem:s31@s21], $0x50, s17, $0x10   }
0x6f: {  	_ =	swait.ge [sflag:s13], $0x50  }
0x70: {  	[sflag:s13] =	ssyncset.done $0x0  }
0x71: {  	[sflag:s13] =	ssyncadd.s32 $0xFFFFFFB0  }
0x72: {  	_ =	sfence.sel $0x180000  }
0x73: {  	[bflag:$0x0] =	sbarrier.arrive $0xFFFF  }
0x74: {  	p0 =	sne.s32 s1, $0x0;
	_ =	strace $0x90000047  }
0x75: {  	s0 =	sadd.s32 @!p0 $0x100000, s0;
	[bflag:$0x2] =	sbarrier.arrive $0xFFFF  }
0x76: {  	[sflag:s0] =	ssyncadd.tile.s32 @!p0 $0x1;
	_ =	shalt  }
.Lfunc_end2:
_tile_overlayer_lowered:
.L_overlay_start_2:
0x77: {  	(tag) =	ssettag $0x2  }
0x78: {  	s0 =	rddreg [dreg:$0x0];
	s2 =	stileid.u32  }
0x79: {  	s1 =	rddreg [dreg:$0x1];
	p0 =	sne.s32 s2, $0x0  }
0x7a: {  	s3 =	rddreg [dreg:$0x2];
	[bflag:$0x3] =	sbarrier.arrive $0xFFFF;
	s2 =	simm.s32 @!p0 $0x1C03  }
0x7b: {  	[timem:s3], [sflag:s2] =	dma.local @!p0 [hbm:s0], s1  }
0x7c: {  	s0 =	simm.s32 @!p0 $0x3  }
0x7d: {  	_ =	swait.ge @!p0 [sflag:s0], s1  }
0x7e: {  	s1 =	ssub.s32 @!p0 $0x0, s1;
	[sflag:s0] =	ssyncset.done @!p0 $0x0  }
0x7f: {  	[sflag:s0] =	ssyncadd.s32 @!p0 s1  }
0x80: {  	[bflag:$0x3] =	sbarrier.arrive $0xFFFF  }
0x81: {  	_ =	shalt  }

// kernel: kernel.13.cloned.1.call-start
scs
__scs_entry_jumppad:
0x0: {  	(pc) =	sbr.rel $0x88, $3  }
0x1: {  	(tag) =	ssettag $0x0;
	lr =	simm.s32 $0x1  }
0x2: {  	[smem:$0x3F99] =	sst lr;
	_ =	strace $0xD0000000  }
0x3: {  	_ = 	snop  }
0x4: {  	_ = 	snop  }
0x5: {  	_ = 	snop  }
0x6: {  	_ = 	snop  }
0x7: {  	_ = 	snop  }
__scs_overlays_trampoline_lowered:
0x8: {  	[smem:$0x3FA8] =	sst s0  }
0x9: {  	[smem:$0x3FA9] =	sst s1  }
0xa: {  	[smem:$0x3FAA] =	sst s2  }
0xb: {  	[smem:$0x3FAB] =	sst s3  }
0xc: {  	[smem:$0x3FAC] =	sst s4  }
0xd: {  	[smem:$0x3FAD] =	sst s5  }
0xe: {  	[smem:$0x3FAE] =	sst s6  }
0xf: {  	[smem:$0x3FAF] =	sst s7  }
0x10: {  	[smem:$0x3FB0] =	sst s8  }
0x11: {  	[smem:$0x3FB1] =	sst s9;
	s0 =	simm.s32 @!p0 $0x0  }
0x12: {  	s1 =	sld [smem:$0x3F97];
	s0 =	simm.s32 @p0 $0x1  }
0x13: {  	[smem:$0x3FB2] =	sst s0;
	s0 =	simm.s32 @!p1 $0x0  }
0x14: {  	s2 =	sld [smem:$0x3F96];
	s0 =	simm.s32 @p1 $0x1  }
0x15: {  	[smem:$0x3FB3] =	sst s0;
	s0 =	simm.s32 @!p2 $0x0  }
0x16: {  	s3 =	sld [smem:$0x3FDB];
	s0 =	simm.s32 @p2 $0x1  }
0x17: {  	s4 =	simm.s32 $0x1BF5;
	[smem:$0x3FB5] =	sst s0  }
0x18: {  	s0 =	sld [smem:$0x3F98];
	_ =	swait.ge [sflag:s4], $0x0  }
0x19: {  	s7 =	sld [smem:$0x3F99]  }
0x1a: {  	s8 =	sadd.s32 $0xFFFFE003, lr  }
0x1b: {  	s9 =	sadd.s32 $0xFFFFFEF7, lr;
	s5 =	simm.s32 $0xFFFFFFFF;
	p2 =	slt.u32 s8, $0xFFFFF086  }
0x1c: {  	p1 =	slt.u32 s9, $0xF7A;
	s5 =	simm.s32 @!p2 $0x0  }
0x1d: {  	s5 =	simm.s32 @p1 $0x1;
	p0 =	seq.s32 s7, s2  }
0x1e: {  	s7 =	smul.u32 @!p0 $0xF7A, s2;
	p2 =	seq.s32 @!p0 s5, $0x0  }
0x1f: {  	s9 =	smul.u32 $0xF7A, s1;
	s8 =	simm.s32 @!p0 $0x1BF5;
	p2 =	por !p2, p0  }
0x20: {  	[sflag:s8] =	ssyncset.s32 @!p0 $0xFFFFF086;
	s6 =	sadd.s32 @!p0 s3, s7;
	s7 =	simm.s32 @!p0 $0x108  }
0x21: {  	s3 =	sadd.s32 s3, s9;
	s6 =	sadd.s32 @!p0 $0x88, s6;
	s7 =	simm.s32 @p2 $0x1082  }
0x22: {  	[simem:s7], [sflag:s8] =	dma.local @!p0 [hbm:s6], $0xF7A  }
0x23: {  	s9 =	sor.u32 $0xD0000000, s2;
	s6 =	simm.s32 $0x108;
	_ =	swait.ge @!p0 [sflag:s8], $0x0  }
0x24: {  	s3 =	sadd.s32 $0x88, s3;
	s6 =	simm.s32 @!p1 $0x1082;
	[sflag:s4] =	ssyncset.s32 $0xFFFFF086  }
0x25: {  	[simem:s6], [sflag:s4] =	dma.local [hbm:s3], $0xF7A  }
0x26: {  	[smem:$0x3F99] =	sst s1;
	(tag) =	ssettag s2;
	_ =	strace s9  }
0x27: {  	s1 =	sld [smem:$0x3FA9]  }
0x28: {  	s2 =	sld [smem:$0x3FAA]  }
0x29: {  	s4 =	sld [smem:$0x3FAC]  }
0x2a: {  	p0 =	seq.s32 s5, $0x0;
	s5 =	sld [smem:$0x3FAD]  }
0x2b: {  	s6 =	sld [smem:$0x3FAE]  }
0x2c: {  	s7 =	sld [smem:$0x3FAF]  }
0x2d: {  	s3 =	simm.s32 $0x108;
	s8 =	sld [smem:$0x3FB0]  }
0x2e: {  	s3 =	simm.s32 @!p0 $0x1082;
	s9 =	sld [smem:$0x3FB1]  }
0x2f: {  	lr =	sadd.s32 s0, s3;
	s0 =	sld [smem:$0x3FA8]  }
0x30: {  	s3 =	sld [smem:$0x3FAB]  }
0x31: {  	[smem:$0x3FB4] =	sst s10  }
0x32: {  	s10 =	sld [smem:$0x3FB2];
	_ =	sdelay $0x3  }
0x33: {  	p0 =	seq.s32 s10, $0x1;
	s10 =	sld [smem:$0x3FB4];
	_ =	sdelay $0x3  }
0x34: {  	[smem:$0x3FB4] =	sst s10  }
0x35: {  	s10 =	sld [smem:$0x3FB3];
	_ =	sdelay $0x3  }
0x36: {  	p1 =	seq.s32 s10, $0x1;
	s10 =	sld [smem:$0x3FB4];
	_ =	sdelay $0x3  }
0x37: {  	[smem:$0x3FB4] =	sst s10  }
0x38: {  	s10 =	sld [smem:$0x3FB5]  }
0x39: {  	_ = 	snop;
	(pc) =	sbr.ind lr, $3  }
0x3a: {  	_ = 	snop  }
0x3b: {  	_ = 	snop  }
0x3c: {  	p2 =	seq.s32 s10, $0x1;
	s10 =	sld [smem:$0x3FB4]  }
0x3d: {  	_ =	shalt  }
0x3e: {  	_ =	shalt  }
0x3f: {  	_ =	shalt  }
0x40: {  	_ =	shalt  }
0x41: {  	_ =	shalt  }
0x42: {  	_ =	shalt  }
0x43: {  	_ =	shalt  }
0x44: {  	_ =	shalt  }
0x45: {  	_ =	shalt  }
0x46: {  	_ =	shalt  }
0x47: {  	_ =	shalt  }
0x48: {  	_ =	shalt  }
0x49: {  	_ =	shalt  }
0x4a: {  	_ =	shalt  }
0x4b: {  	_ =	shalt  }
0x4c: {  	_ =	shalt  }
0x4d: {  	_ =	shalt  }
0x4e: {  	_ =	shalt  }
0x4f: {  	_ =	shalt  }
0x50: {  	_ =	shalt  }
0x51: {  	_ =	shalt  }
0x52: {  	_ =	shalt  }
0x53: {  	_ =	shalt  }
0x54: {  	_ =	shalt  }
0x55: {  	_ =	shalt  }
0x56: {  	_ =	shalt  }
0x57: {  	_ =	shalt  }
0x58: {  	_ =	shalt  }
0x59: {  	_ =	shalt  }
0x5a: {  	_ =	shalt  }
0x5b: {  	_ =	shalt  }
0x5c: {  	_ =	shalt  }
0x5d: {  	_ =	shalt  }
0x5e: {  	_ =	shalt  }
0x5f: {  	_ =	shalt  }
0x60: {  	_ =	shalt  }
0x61: {  	_ =	shalt  }
0x62: {  	_ =	shalt  }
0x63: {  	_ =	shalt  }
0x64: {  	_ =	shalt  }
0x65: {  	_ =	shalt  }
0x66: {  	_ =	shalt  }
0x67: {  	_ =	shalt  }
0x68: {  	_ =	shalt  }
0x69: {  	_ =	shalt  }
0x6a: {  	_ =	shalt  }
0x6b: {  	_ =	shalt  }
0x6c: {  	_ =	shalt  }
0x6d: {  	_ =	shalt  }
0x6e: {  	_ =	shalt  }
0x6f: {  	_ =	shalt  }
0x70: {  	_ =	shalt  }
0x71: {  	_ =	shalt  }
0x72: {  	_ =	shalt  }
0x73: {  	_ =	shalt  }
0x74: {  	_ =	shalt  }
0x75: {  	_ =	shalt  }
0x76: {  	_ =	shalt  }
0x77: {  	_ =	shalt  }
0x78: {  	_ =	shalt  }
0x79: {  	_ =	shalt  }
0x7a: {  	_ =	shalt  }
0x7b: {  	_ =	shalt  }
0x7c: {  	_ =	shalt  }
0x7d: {  	_ =	shalt  }
0x7e: {  	_ =	shalt  }
0x7f: {  	_ =	shalt  }
0x80: {  	_ =	shalt  }
0x81: {  	_ =	shalt  }
0x82: {  	_ =	shalt  }
0x83: {  	_ =	shalt  }
0x84: {  	_ =	shalt  }
0x85: {  	_ =	shalt  }
0x86: {  	_ =	shalt  }
0x87: {  	_ =	shalt  }
.Lfunc_end0:
.L_simem_size_0:
called_computation.1_lowered:
.L_overlay_start_0:
0x88: {  	s2 =	sld [smem:$0x3FD9]  }
0x89: {  	s3 =	sld [smem:$0x3FFE];
	_ =	sdelay $0x1  }
0x8a: {  	s1 =	srdreg.scid  }
0x8b: {  	s0 =	sand.u32 $0x1, s1  }
0x8c: {  	s16 =	sshll.u32 s0, $0xA;
	s2 =	sadd.s32 s3, s2  }
0x8d: {  	s2 =	sadd.s32 s2, s16  }
0x8e: {  	[smem:$0x3FC0] =	sst s2  }
0x8f: {  	_ = 	snop  }
0x90: {  	(tm) =	ssettm $0x1  }
0x91: {  	s17 =	sld [smem:$0x3FFB];
	_ =	sdelay $0x3  }
0x92: {  	_ =	strace s17  }
0x93: {  	s2 =	sld [smem:$0x3FFC];
	_ =	sdelay $0x3  }
0x94: {  	_ =	strace s2  }
0x95: {  	s2 =	sld [smem:$0x3FFD];
	_ =	sdelay $0x3  }
0x96: {  	_ =	strace s2  }
0x97: {  	_ =	strace $0x8FFFFFFF  }
0x98: {  	s18 =	sld [smem:$0x3FDB];
	_ =	sdelay $0x1  }
0x99: {  	s19 =	simm.s32 $_scs_section_size  }
0x9a: {  	s4 =	simm.s32 $_size__tile_overlayer_lowered;
	s5 =	simm.s32 $_tile_overlayer_lowered  }
0x9b: {  	s22 =	simm.s32 $0x1BFF;
	s21 =	sshll.u32 s5, $0x1;
	s2 =	sadd.s32 s19, s18  }
0x9c: {  	s6 =	simm.s32 $0x0;
	s20 =	sshll.u32 s4, $0x1;
	s4 =	sadd.s32 s21, s2  }
0x9d: {  	[timem:s6], [sflag:s22] =	dma.local [hbm:s4], s20  }
0x9e: {  	_ =	swait.ge [sflag:s22], s20  }
0x9f: {  	s3 =	ssub.s32 $0x0, s20;
	[sflag:s22] =	ssyncset.done $0x0  }
0xa0: {  	[sflag:s22] =	ssyncadd.s32 s3;
	_ =	sdelay $0x1  }
0xa1: {  	s23 =	simm.s32 $0x1B8B  }
0xa2: {  	_ =	swait.ge [sflag:s23], $0x1  }
0xa3: {  	[sflag:s23] =	ssyncset.done $0x0  }
0xa4: {  	s25 =	simm.s32 $0x1B8E;
	s24 =	sld [smem:$0x3FFE];
	[sflag:s23] =	ssyncadd.s32 $0xFFFFFFFF  }
0xa5: {  	s26 =	simm.s32 $execute0_lowered;
	[smem:$0x3FD2] =	sst s25  }
0xa6: {  	s4 =	sshll.u32 s26, $0x1;
	_ =	strace $0x80000049;
	[dreg:$0x1] =	wrdreg $0xFFFFFFFF  }
0xa7: {  	s28 =	simm.s32 $_size_execute0_lowered;
	s2 =	sadd.s32 s2, s4;
	[dreg:$0x0] =	wrdreg $0x0  }
0xa8: {  	s4 =	sshll.u32 s28, $0x1;
	[dreg:$0x2] =	wrdreg s2  }
0xa9: {  	[dreg:$0x3] =	wrdreg s4  }
0xaa: {  	[dreg:$0x4] =	wrdreg $0xC0  }
0xab: {  	_ =	task [dreg:s6], $0x5FFFF  }
0xac: {  	[dreg:$0x1] =	wrdreg $0xFFFFFFFF  }
0xad: {  	[dreg:$0x0] =	wrdreg $0x60  }
0xae: {  	[dreg:$0x2] =	wrdreg s24  }
0xaf: {  	[dreg:$0x3] =	wrdreg $0xBC000  }
0xb0: {  	[dreg:$0x4] =	wrdreg $0x9  }
0xb1: {  	_ =	task.clear_ibuf [dreg:s6], $0x5FFFF;
	_ =	strace $0x90000049  }
0xb2: {  	s29 =	simm.s32 $0x9;
	_ =	strace $0x8000004B  }
0xb3: {  	_ =	swait.ge [sflag:s29], $0x1  }
0xb4: {  	[sflag:s29] =	ssyncadd.s32 $0xFFFFFFFF  }
0xb5: {  	_ =	strace $0x9000004B  }
0xb6: {  	_ =	sfence  }
0xb7: {  	s30 =	sld [smem:$0x0];
	_ =	sdelay $0x2  }
0xb8: {  	s31 =	sshll.u32 s1, $0xD;
	s1 =	sshrl.u32 s1, $0x2  }
0xb9: {  	s3 =	sand.u32 $0x4000, s31;
	s1 =	sadd.s32 s1, s30  }
0xba: {  	s0 =	sor.u32 s3, s0;
	s1 =	sshll.u32 s1, $0x11  }
0xbb: {  	s0 =	sor.u32 s1, s0  }
0xbc: {  	s0 =	sadd.s32 $0x8F2B, s0  }
0xbd: {  	[sflag:s0] =	ssyncadd.remote.s32 $0x1  }
0xbe: {  	_ =	sfence.sel $0xFFFF  }
0xbf: {  	[dreg:$0x0] =	wrdreg $0xFFFFFFFF;
	(pc) =	sbr.abs _section_cstart, $3  }
0xc0: {  	[dreg:$0x1] =	wrdreg $0xFFFFFFFF  }
0xc1: {  	_ =	task.clear_ibuf [dreg:s6], $0x2FFFF;
	_ =	strace $0x9FFFFFFF  }
0xc2: {  	(tm) =	ssettm $0x7FFFFFFF  }
0xc3: {  	_ =	shalt  }
tec
execute0_lowered:
.L_overlay_start_1:
0x0: {  	(tag) =	ssettag $0x1  }
0x1: {  	s0 =	rddreg [dreg:$0x0];
	s1 =	srdreg.scid  }
0x2: {  	s2 =	rddreg [dreg:$0x1];
	s8 =	stileid.u32;
	s3 =	simm.s32 $0x0  }
0x3: {  	s28 =	simm.s32 $0x5C00;
	s29 =	simm.s32 $0x7C00;
	s30 =	simm.s32 $0xC0  }
0x4: {  	s31 =	simm.s32 $0x9C00;
	s12 =	simm.s32 $0x3A00;
	s5 =	smul.u32 $0x14000, s8  }
0x5: {  	s13 =	simm.s32 $0x3A80;
	s1 =	sand.u32 $0x1, s1;
	s15 =	smul.u32 $0x50000, s8  }
0x6: {  	[smem:$0x7FF] =	sst s3;
	s14 =	sshll.u32 s8, $0x1;
	s4 =	smul.u32 $0x140000, s1  }
0x7: {  	_ =	strace $0x8000004A;
	s9 =	sor.u32 s1, s14;
	s1 =	ssub.s32 $0x2, s1  }
0x8: {  	s11 =	sshrl.u32 s1, $0x1;
	s6 =	sadd.s32 s5, s4;
	s4 =	sadd.s32 $0x21600, s0  }
0x9: {  	s5 =	sadd.s32 $0xD600, s0;
	s1 =	ssub.s32 s1, s11;
	s7 =	sshrl.u32 s6, $0x3  }
0xa: {  	s6 =	sadd.s32 $0x2B600, s0;
	s16 =	smax.u32 s1, $0x1;
	s0 =	sadd.s32 s7, s0  }
0xb: {  	s7 =	sshrl.u32 s15, $0x2;
	[dreg:$0x5] =	wrdreg s16;
	s0 =	sadd.s32 $0x53600, s0  }
0xc: {  	s8 =	sshrl.u32 s8, $0x2;
	s18 =	sadd.s32 s7, s2;
	[dreg:$0x4] =	wrdreg s0  }
0xd: {  	s8 =	smul.u32 $0x14000, s8;
	s17 =	sadd.s32 $0x2000, s18;
	[dreg:$0x3] =	wrdreg s18  }
0xe: {  	s14 =	simm.s32 $0x3B00;
	s19 =	sadd.s32 $0x4000, s18;
	[dreg:$0x6] =	wrdreg s17  }
0xf: {  	s10 =	sshll.u32 s9, $0x7;
	s20 =	sadd.s32 $0x6000, s18;
	[dreg:$0x7] =	wrdreg s19  }
0x10: {  	s9 =	smul.u32 $0x5000, s9;
	s21 =	sadd.s32 $0x8000, s18;
	[dreg:$0x8] =	wrdreg s20  }
0x11: {  	s10 =	sand.u32 $0x380, s10;
	s22 =	sadd.s32 $0xA000, s18;
	[dreg:$0x9] =	wrdreg s21  }
0x12: {  	s11 =	simm.s32 $0x4;
	s23 =	sadd.s32 $0xC000, s18;
	[dreg:$0xa] =	wrdreg s22  }
0x13: {  	s8 =	sor.u32 s10, s8;
	s24 =	sadd.s32 $0xE000, s18;
	[dreg:$0xb] =	wrdreg s23  }
0x14: {  	s1 =	simm.s32 $0x2;
	s25 =	sadd.s32 $0x10000, s18;
	[dreg:$0xc] =	wrdreg s24  }
0x15: {  	s10 =	simm.s32 $0x3;
	s26 =	sadd.s32 $0x12000, s18;
	[dreg:$0xd] =	wrdreg s25  }
0x16: {  	s15 =	simm.s32 $0x3B80;
	s0 =	simm.s32 $0x1;
	[dreg:$0xe] =	wrdreg s26  }
0x17: {  	s21 =	simm.s32 $0x3C00;
	s22 =	simm.s32 $0x5;
	s23 =	simm.s32 $0x80  }
0x18: {  	v0 =	vimm.f32 $0.0e+00;
	s24 =	simm.s32 $0x400;
	s25 =	simm.s32 $0x1400;
	s26 =	simm.s32 $0x40  }
.LBB2_1:
0x19: {  	s16 =	simm.s32 $0x0;
	s17 =	simm.s32 $0x200  }
.LBB2_2:
0x1a: {  	p0 =	sne.s32 s17, $0x7E00;
	[tilespmem:s16+$0x3C70] =	vst v0  }
0x1b: {  	[tilespmem:s16+$0x3C00] =	vst v0  }
0x1c: {  	[tilespmem:s16+$0x3C10] =	vst v0  }
.Ltmp0:
0x1d: {  	[tilespmem:s16+$0x3C20] =	vst v0;
	(pc) =	sbr.rel @p0 .LBB2_2-.Ltmp0, $4  }
0x1e: {  	[tilespmem:s16+$0x3C30] =	vst v0  }
0x1f: {  	[tilespmem:s16+$0x3C40] =	vst v0  }
0x20: {  	[tilespmem:s16+$0x3C50] =	vst v0  }
0x21: {  	[tilespmem:s16+$0x3C60] =	vst v0;
	s16 =	sshra.s32 s17, $0x2;
	s17 =	sadd.s32 $0x200, s17  }
0x22: {  	[tilespmem:s16+$0x3C70] =	vst v0  }
0x23: {  	[tilespmem:s16+$0x3C00] =	vst v0  }
0x24: {  	[tilespmem:s16+$0x3C10] =	vst v0  }
0x25: {  	[tilespmem:s16+$0x3C20] =	vst v0  }
0x26: {  	[tilespmem:s16+$0x3C30] =	vst v0  }
0x27: {  	[tilespmem:s16+$0x3C40] =	vst v0  }
0x28: {  	[tilespmem:s16+$0x3C50] =	vst v0  }
0x29: {  	[tilespmem:s16+$0x3C60] =	vst v0  }
0x2a: {  	[spmem:s18] =	stream.linear.scatter [tilespmem:s21], [sflag:$0x5], $0x2000, $0x38;
	[tilespmem:$0x1FC00] =	vst v63  }
0x2b: {  	_ =	swait.ge [sflag:s22], $0x2000  }
0x2c: {  	[sflag:s22] =	ssyncset.done $0x0  }
0x2d: {  	s7 =	rddreg [dreg:$0x6];
	[sflag:s22] =	ssyncadd.s32 $0xFFFFE000  }
0x2e: {  	[spmem:s7] =	stream.linear.scatter [tilespmem:s21], [sflag:$0x5], $0x2000, $0x38;
	[tilespmem:$0x1FC00] =	vst v63  }
0x2f: {  	_ =	swait.ge [sflag:s22], $0x2000  }
0x30: {  	[sflag:s22] =	ssyncset.done $0x0  }
0x31: {  	s18 =	rddreg [dreg:$0x7];
	[sflag:s22] =	ssyncadd.s32 $0xFFFFE000  }
0x32: {  	[spmem:s18] =	stream.linear.scatter [tilespmem:s21], [sflag:$0x5], $0x2000, $0x38;
	[tilespmem:$0x1FC00] =	vst v63  }
0x33: {  	_ =	swait.ge [sflag:s22], $0x2000  }
0x34: {  	[sflag:s22] =	ssyncset.done $0x0  }
0x35: {  	s19 =	rddreg [dreg:$0x8];
	[sflag:s22] =	ssyncadd.s32 $0xFFFFE000  }
0x36: {  	[spmem:s19] =	stream.linear.scatter [tilespmem:s21], [sflag:$0x5], $0x2000, $0x38;
	[tilespmem:$0x1FC00] =	vst v63  }
0x37: {  	_ =	swait.ge [sflag:s22], $0x2000  }
0x38: {  	[sflag:s22] =	ssyncset.done $0x0  }
0x39: {  	s20 =	rddreg [dreg:$0x9];
	[sflag:s22] =	ssyncadd.s32 $0xFFFFE000  }
0x3a: {  	[spmem:s20] =	stream.linear.scatter [tilespmem:s21], [sflag:$0x5], $0x2000, $0x38;
	[tilespmem:$0x1FC00] =	vst v63  }
0x3b: {  	_ =	swait.ge [sflag:s22], $0x2000  }
0x3c: {  	[sflag:s22] =	ssyncset.done $0x0  }
0x3d: {  	s16 =	rddreg [dreg:$0xa];
	[sflag:s22] =	ssyncadd.s32 $0xFFFFE000  }
0x3e: {  	[spmem:s16] =	stream.linear.scatter [tilespmem:s21], [sflag:$0x5], $0x2000, $0x38;
	[tilespmem:$0x1FC00] =	vst v63  }
0x3f: {  	_ =	swait.ge [sflag:s22], $0x2000  }
0x40: {  	[sflag:s22] =	ssyncset.done $0x0  }
0x41: {  	s17 =	rddreg [dreg:$0xb];
	[sflag:s22] =	ssyncadd.s32 $0xFFFFE000  }
0x42: {  	[spmem:s17] =	stream.linear.scatter [tilespmem:s21], [sflag:$0x5], $0x2000, $0x38;
	[tilespmem:$0x1FC00] =	vst v63  }
0x43: {  	_ =	swait.ge [sflag:s22], $0x2000  }
0x44: {  	[sflag:s22] =	ssyncset.done $0x0  }
0x45: {  	s18 =	rddreg [dreg:$0xc];
	[sflag:s22] =	ssyncadd.s32 $0xFFFFE000  }
0x46: {  	[spmem:s18] =	stream.linear.scatter [tilespmem:s21], [sflag:$0x5], $0x2000, $0x38;
	[tilespmem:$0x1FC00] =	vst v63  }
0x47: {  	_ =	swait.ge [sflag:s22], $0x2000  }
0x48: {  	[sflag:s22] =	ssyncset.done $0x0  }
0x49: {  	s19 =	rddreg [dreg:$0xd];
	[sflag:s22] =	ssyncadd.s32 $0xFFFFE000  }
0x4a: {  	[spmem:s19] =	stream.linear.scatter [tilespmem:s21], [sflag:$0x5], $0x2000, $0x38;
	[tilespmem:$0x1FC00] =	vst v63  }
0x4b: {  	_ =	swait.ge [sflag:s22], $0x2000  }
0x4c: {  	[sflag:s22] =	ssyncset.done $0x0  }
0x4d: {  	s20 =	rddreg [dreg:$0xe];
	[sflag:s22] =	ssyncadd.s32 $0xFFFFE000  }
0x4e: {  	[spmem:s20] =	stream.linear.scatter [tilespmem:s21], [sflag:$0x5], $0x2000, $0x38;
	[tilespmem:$0x1FC00] =	vst v63  }
0x4f: {  	_ =	swait.ge [sflag:s22], $0x2000  }
0x50: {  	[sflag:s22] =	ssyncset.done $0x0  }
0x51: {  	p1 =	por $0x1, $0x1;
	[sflag:s22] =	ssyncadd.s32 $0xFFFFE000  }
0x52: {  	s16 =	simm.s32 $0x0;
	s17 =	simm.s32 $0x0;
	[bflag:$0x0] =	sbarrier.arrive $0xFFFF  }
.LBB2_4:
0x53: {  	s18 =	smul.u32 $0xA000, s17;
	_ =	sdelay $0x1  }
0x54: {  	s18 =	sadd.s32 s8, s18  }
0x55: {  	s18 =	sshrl.u32 s18, $0x3  }
0x56: {  	s7 =	smul.u32 $0x2800, s17;
	s18 =	sadd.s32 s4, s18  }
0x57: {  	[tilespmem:s16], [sflag:$0x5] =	stream.strided.gather [hbm4b:s18+s23], $0x1400, s24, s23, $0x38;
	[tilespmem:$0x1FC00] =	vst v63  }
0x58: {  	s17 =	sadd.s32 s9, s7;
	_ =	swait.ge [sflag:s22], $0x1400  }
0x59: {  	s17 =	sshrl.u32 s17, $0x3;
	[sflag:s22] =	ssyncset.done $0x0  }
0x5a: {  	s17 =	sadd.s32 s5, s17;
	[sflag:s22] =	ssyncadd.s32 $0xFFFFEC00  }
0x5b: {  	[tilespmem:s25], [sflag:$0x5] =	stream.linear.gather [hbm4b:s17+s16], $0x2800, $0x38;
	[tilespmem:$0x1FC00] =	vst v63  }
0x5c: {  	_ =	swait.ge [sflag:s22], $0x2800  }
0x5d: {  	[sflag:s22] =	ssyncset.done $0x0  }
0x5e: {  	[sflag:s22] =	ssyncadd.s32 $0xFFFFD800  }
0x5f: {  	[tilespmem:s21], [sflag:$0x1] =	stream.indirect.gather [hbm4b:s6+s26], $0x80, s16, s26, $0xb8;
	[tilespmem:$0x1FC00] =	vst v63  }
0x60: {  	_ = 	snop  }
0x61: {  	[tilespmem:s28], [sflag:$0x2] =	stream.indirect.gather [hbm4b:s6+s26], $0x80, s26, s26, $0xb8;
	[tilespmem:$0x1FC00] =	vst v63  }
0x62: {  	_ = 	snop  }
0x63: {  	[tilespmem:s29], [sflag:$0x3] =	stream.indirect.gather [hbm4b:s6+s26], $0x80, s23, s26, $0xb8;
	[tilespmem:$0x1FC00] =	vst v63  }
0x64: {  	_ = 	snop  }
0x65: {  	[tilespmem:s31], [sflag:$0x4] =	stream.indirect.gather [hbm4b:s6+s26], $0x80, s30, s26, $0xb8;
	[tilespmem:$0x1FC00] =	vst v63  }
0x66: {  	_ =	swait.ge [sflag:s0], $0x2000  }
0x67: {  	[sflag:s0] =	ssyncset.done $0x0  }
0x68: {  	s18 =	simm.s32 $0x1400;
	[sflag:s0] =	ssyncadd.s32 $0xFFFFE000  }
0x69: {  	[spmem:s2] =	stream.indirect.scatter.add.f32 [tilespmem:s21], [sflag:$0x5], $0x80, s18, s26, $0xb8;
	[tilespmem:$0x1FC00] =	vst v63  }
0x6a: {  	_ =	swait.ge [sflag:s22], $0x2000  }
0x6b: {  	[sflag:s22] =	ssyncset.done $0x0  }
0x6c: {  	s19 =	simm.s32 $0x100;
	[sflag:s22] =	ssyncadd.s32 $0xFFFFE000  }
0x6d: {  	[tilespmem:s21], [sflag:$0x1] =	stream.indirect.gather [hbm4b:s6+s26], $0x80, s19, s26, $0xb8;
	[tilespmem:$0x1FC00] =	vst v63  }
0x6e: {  	_ =	swait.ge [sflag:s1], $0x2000  }
0x6f: {  	[sflag:s1] =	ssyncset.done $0x0  }
0x70: {  	s20 =	simm.s32 $0x1480;
	[sflag:s1] =	ssyncadd.s32 $0xFFFFE000  }
0x71: {  	[spmem:s2] =	stream.indirect.scatter.add.f32 [tilespmem:s28], [sflag:$0x5], $0x80, s20, s26, $0xb8;
	[tilespmem:$0x1FC00] =	vst v63  }
0x72: {  	_ =	swait.ge [sflag:s22], $0x2000  }
0x73: {  	[sflag:s22] =	ssyncset.done $0x0  }
0x74: {  	s7 =	simm.s32 $0x140;
	[sflag:s22] =	ssyncadd.s32 $0xFFFFE000  }
0x75: {  	[tilespmem:s28], [sflag:$0x2] =	stream.indirect.gather [hbm4b:s6+s26], $0x80, s7, s26, $0xb8;
	[tilespmem:$0x1FC00] =	vst v63  }
0x76: {  	_ =	swait.ge [sflag:s10], $0x2000  }
0x77: {  	[sflag:s10] =	ssyncset.done $0x0  }
0x78: {  	s18 =	simm.s32 $0x1500;
	[sflag:s10] =	ssyncadd.s32 $0xFFFFE000  }
0x79: {  	[spmem:s2] =	stream.indirect.scatter.add.f32 [tilespmem:s29], [sflag:$0x5], $0x80, s18, s26, $0xb8;
	[tilespmem:$0x1FC00] =	vst v63  }
0x7a: {  	_ =	swait.ge [sflag:s22], $0x2000  }
0x7b: {  	[sflag:s22] =	ssyncset.done $0x0  }
0x7c: {  	s19 =	simm.s32 $0x180;
	[sflag:s22] =	ssyncadd.s32 $0xFFFFE000  }
0x7d: {  	[tilespmem:s29], [sflag:$0x3] =	stream.indirect.gather [hbm4b:s6+s26], $0x80, s19, s26, $0xb8;
	[tilespmem:$0x1FC00] =	vst v63  }
0x7e: {  	_ =	swait.ge [sflag:s11], $0x2000  }
0x7f: {  	[sflag:s11] =	ssyncset.done $0x0  }
0x80: {  	s20 =	simm.s32 $0x1580;
	[sflag:s11] =	ssyncadd.s32 $0xFFFFE000  }
0x81: {  	[spmem:s2] =	stream.indirect.scatter.add.f32 [tilespmem:s31], [sflag:$0x5], $0x80, s20, s26, $0xb8;
	[tilespmem:$0x1FC00] =	vst v63  }
0x82: {  	_ =	swait.ge [sflag:s22], $0x2000  }
0x83: {  	p0 =	por p1, p1;
	s17 =	simm.s32 $0x1C0;
	[sflag:s22] =	ssyncset.done $0x0  }
0x84: {  	s18 =	simm.s32 $0x800;
	s19 =	simm.s32 $0x2C0;
	[sflag:s22] =	ssyncadd.s32 $0xFFFFE000  }
.LBB2_5:
0x85: {  	[tilespmem:s31], [sflag:$0x4] =	stream.indirect.gather [hbm4b:s6+s26], $0x80, s17, s26, $0xb8;
	[tilespmem:$0x1FC00] =	vst v63  }
0x86: {  	s20 =	smov.u32 s18;
	s17 =	smov.u32 s19  }
0x87: {  	p1 =	sne.s32 s18, $0x9000;
	s18 =	sadd.s32 $0x800, s18;
	_ =	swait.ge [sflag:s0], $0x2000  }
0x88: {  	s20 =	sshra.s32 s20, $0x2;
	[sflag:s0] =	ssyncset.done $0x0  }
0x89: {  	s7 =	sadd.s32 $0x1400, s20;
	[sflag:s0] =	ssyncadd.s32 $0xFFFFE000  }
0x8a: {  	[spmem:s2] =	stream.indirect.scatter.add.f32 [tilespmem:s21], [sflag:$0x5], $0x80, s7, s26, $0xb8;
	[tilespmem:$0x1FC00] =	vst v63  }
0x8b: {  	_ =	swait.ge [sflag:s22], $0x2000  }
0x8c: {  	[sflag:s22] =	ssyncset.done $0x0  }
0x8d: {  	s7 =	sadd.s32 $0xFFFFFF40, s19;
	[sflag:s22] =	ssyncadd.s32 $0xFFFFE000  }
0x8e: {  	[tilespmem:s21], [sflag:$0x1] =	stream.indirect.gather [hbm4b:s6+s26], $0x80, s7, s26, $0xb8;
	[tilespmem:$0x1FC00] =	vst v63  }
0x8f: {  	_ =	swait.ge [sflag:s1], $0x2000  }
0x90: {  	[sflag:s1] =	ssyncset.done $0x0  }
0x91: {  	s7 =	sadd.s32 $0x1480, s20;
	[sflag:s1] =	ssyncadd.s32 $0xFFFFE000  }
0x92: {  	[spmem:s2] =	stream.indirect.scatter.add.f32 [tilespmem:s28], [sflag:$0x5], $0x80, s7, s26, $0xb8;
	[tilespmem:$0x1FC00] =	vst v63  }
0x93: {  	_ =	swait.ge [sflag:s22], $0x2000  }
0x94: {  	[sflag:s22] =	ssyncset.done $0x0  }
0x95: {  	s7 =	sadd.s32 $0xFFFFFF80, s19;
	[sflag:s22] =	ssyncadd.s32 $0xFFFFE000  }
0x96: {  	[tilespmem:s28], [sflag:$0x2] =	stream.indirect.gather [hbm4b:s6+s26], $0x80, s7, s26, $0xb8;
	[tilespmem:$0x1FC00] =	vst v63  }
0x97: {  	_ =	swait.ge [sflag:s10], $0x2000  }
0x98: {  	[sflag:s10] =	ssyncset.done $0x0  }
0x99: {  	s7 =	sadd.s32 $0x1500, s20;
	[sflag:s10] =	ssyncadd.s32 $0xFFFFE000  }
0x9a: {  	[spmem:s2] =	stream.indirect.scatter.add.f32 [tilespmem:s29], [sflag:$0x5], $0x80, s7, s26, $0xb8;
	[tilespmem:$0x1FC00] =	vst v63  }
0x9b: {  	_ =	swait.ge [sflag:s22], $0x2000  }
0x9c: {  	[sflag:s22] =	ssyncset.done $0x0  }
0x9d: {  	s7 =	sadd.s32 $0xFFFFFFC0, s19;
	[sflag:s22] =	ssyncadd.s32 $0xFFFFE000  }
0x9e: {  	[tilespmem:s29], [sflag:$0x3] =	stream.indirect.gather [hbm4b:s6+s26], $0x80, s7, s26, $0xb8;
	[tilespmem:$0x1FC00] =	vst v63  }
0x9f: {  	_ =	swait.ge [sflag:s11], $0x2000  }
0xa0: {  	[sflag:s11] =	ssyncset.done $0x0  }
.Ltmp1:
0xa1: {  	s7 =	sadd.s32 $0x1580, s20;
	[sflag:s11] =	ssyncadd.s32 $0xFFFFE000;
	(pc) =	sbr.rel @p1 .LBB2_5-.Ltmp1, $4  }
0xa2: {  	[spmem:s2] =	stream.indirect.scatter.add.f32 [tilespmem:s31], [sflag:$0x5], $0x80, s7, s26, $0xb8;
	[tilespmem:$0x1FC00] =	vst v63  }
0xa3: {  	_ =	swait.ge [sflag:s22], $0x2000  }
0xa4: {  	[sflag:s22] =	ssyncset.done $0x0  }
0xa5: {  	s19 =	sadd.s32 $0x100, s19;
	[sflag:s22] =	ssyncadd.s32 $0xFFFFE000  }
0xa6: {  	[tilespmem:s31], [sflag:$0x4] =	stream.indirect.gather [hbm4b:s6+s26], $0x80, s17, s26, $0xb8;
	[tilespmem:$0x1FC00] =	vst v63  }
0xa7: {  	s17 =	simm.s32 $0x1  }
0xa8: {  	_ =	swait.ge [sflag:s17], $0x2000  }
0xa9: {  	[sflag:s17] =	ssyncset.done $0x0  }
0xaa: {  	[sflag:s17] =	ssyncadd.s32 $0xFFFFE000  }
0xab: {  	[spmem:s2] =	stream.indirect.scatter.add.f32 [tilespmem:s21], [sflag:$0x5], $0x80, s12, s26, $0xb8;
	[tilespmem:$0x1FC00] =	vst v63  }
0xac: {  	_ =	swait.ge [sflag:s22], $0x2000  }
0xad: {  	[sflag:s22] =	ssyncset.done $0x0  }
0xae: {  	[sflag:s22] =	ssyncadd.s32 $0xFFFFE000  }
0xaf: {  	_ =	swait.ge [sflag:s1], $0x2000  }
0xb0: {  	[sflag:s1] =	ssyncset.done $0x0  }
0xb1: {  	[sflag:s1] =	ssyncadd.s32 $0xFFFFE000  }
0xb2: {  	[spmem:s2] =	stream.indirect.scatter.add.f32 [tilespmem:s28], [sflag:$0x5], $0x80, s13, s26, $0xb8;
	[tilespmem:$0x1FC00] =	vst v63  }
0xb3: {  	_ =	swait.ge [sflag:s22], $0x2000  }
0xb4: {  	[sflag:s22] =	ssyncset.done $0x0  }
0xb5: {  	[sflag:s22] =	ssyncadd.s32 $0xFFFFE000  }
0xb6: {  	_ =	swait.ge [sflag:s10], $0x2000  }
0xb7: {  	[sflag:s10] =	ssyncset.done $0x0  }
0xb8: {  	[sflag:s10] =	ssyncadd.s32 $0xFFFFE000  }
0xb9: {  	[spmem:s2] =	stream.indirect.scatter.add.f32 [tilespmem:s29], [sflag:$0x5], $0x80, s14, s26, $0xb8;
	[tilespmem:$0x1FC00] =	vst v63  }
0xba: {  	_ =	swait.ge [sflag:s22], $0x2000  }
0xbb: {  	[sflag:s22] =	ssyncset.done $0x0  }
0xbc: {  	[sflag:s22] =	ssyncadd.s32 $0xFFFFE000  }
0xbd: {  	_ =	swait.ge [sflag:s11], $0x2000  }
0xbe: {  	[sflag:s11] =	ssyncset.done $0x0  }
.Ltmp2:
0xbf: {  	[sflag:s11] =	ssyncadd.s32 $0xFFFFE000;
	(pc) =	sbr.rel @p0 .LBB2_4-.Ltmp2, $4  }
0xc0: {  	[spmem:s2] =	stream.indirect.scatter.add.f32 [tilespmem:s31], [sflag:$0x5], $0x80, s15, s26, $0xb8;
	[tilespmem:$0x1FC00] =	vst v63  }
0xc1: {  	_ =	swait.ge [sflag:s22], $0x2000  }
0xc2: {  	[sflag:s22] =	ssyncset.done $0x0  }
0xc3: {  	p1 =	por $0x0, $0x0;
	[sflag:s22] =	ssyncadd.s32 $0xFFFFE000  }
0xc4: {  	s7 =	stileid.u32;
	[bflag:$0x0] =	sbarrier.arrive $0xFFFF  }
0xc5: {  	s7 =	sshll.u32 s7, $0x6;
	s18 =	rddreg [dreg:$0x3]  }
0xc6: {  	s17 =	rddreg [dreg:$0x4];
	s7 =	sor.u32 $0x1C05, s7;
	s16 =	sshrl.u32 s18, $0x3  }
0xc7: {  	[hbm:s17], [sflag:s7] =	dma.local [spmem:s16], $0x2800  }
0xc8: {  	_ =	swait.ge [sflag:s22], $0x2800  }
0xc9: {  	s3 =	sadd.s32 $0x1, s3;
	s20 =	rddreg [dreg:$0x5]  }
0xca: {  	p0 =	sne.s32 s3, s20  }
.Ltmp3:
0xcb: {  	_ = 	snop;
	(pc) =	sbr.rel @p0 .LBB2_1-.Ltmp3, $3  }
0xcc: {  	_ =	sdelay $0x1  }
0xcd: {  	[sflag:s22] =	ssyncset.done $0x0  }
0xce: {  	[sflag:s22] =	ssyncadd.s32 $0xFFFFD800  }
0xcf: {  	_ =	sfence.sel $0x180000  }
0xd0: {  	[bflag:$0x0] =	sbarrier.arrive $0xFFFF  }
0xd1: {  	_ =	strace $0x9000004A  }
0xd2: {  	s0 =	stileid.u32;
	[bflag:$0x2] =	sbarrier.arrive $0xFFFF  }
0xd3: {  	p0 =	sne.s32 s0, $0x0;
	s0 =	rddreg [dreg:$0x2]  }
0xd4: {  	s0 =	sadd.s32 @!p0 $0x100000, s0  }
0xd5: {  	[sflag:s0] =	ssyncadd.tile.s32 @!p0 $0x1;
	_ =	shalt  }
.Lfunc_end2:
_tile_overlayer_lowered:
.L_overlay_start_2:
0xd6: {  	(tag) =	ssettag $0x2  }
0xd7: {  	s0 =	rddreg [dreg:$0x0];
	s2 =	stileid.u32  }
0xd8: {  	s1 =	rddreg [dreg:$0x1];
	p0 =	sne.s32 s2, $0x0  }
0xd9: {  	s3 =	rddreg [dreg:$0x2];
	[bflag:$0x3] =	sbarrier.arrive $0xFFFF;
	s2 =	simm.s32 @!p0 $0x1C05  }
0xda: {  	[timem:s3], [sflag:s2] =	dma.local @!p0 [hbm:s0], s1  }
0xdb: {  	s0 =	simm.s32 @!p0 $0x5  }
0xdc: {  	_ =	swait.ge @!p0 [sflag:s0], s1  }
0xdd: {  	s1 =	ssub.s32 @!p0 $0x0, s1;
	[sflag:s0] =	ssyncset.done @!p0 $0x0  }
0xde: {  	[sflag:s0] =	ssyncadd.s32 @!p0 s1  }
0xdf: {  	[bflag:$0x3] =	sbarrier.arrive $0xFFFF  }
0xe0: {  	_ =	shalt  }

// kernel: kernel.16.cloned.1.call-start
scs
__scs_entry_jumppad:
0x0: {  	(pc) =	sbr.rel $0x88, $3  }
0x1: {  	(tag) =	ssettag $0x0;
	lr =	simm.s32 $0x1  }
0x2: {  	[smem:$0x3F99] =	sst lr;
	_ =	strace $0xD0000000  }
0x3: {  	_ = 	snop  }
0x4: {  	_ = 	snop  }
0x5: {  	_ = 	snop  }
0x6: {  	_ = 	snop  }
0x7: {  	_ = 	snop  }
__scs_overlays_trampoline_lowered:
0x8: {  	[smem:$0x3FA8] =	sst s0  }
0x9: {  	[smem:$0x3FA9] =	sst s1  }
0xa: {  	[smem:$0x3FAA] =	sst s2  }
0xb: {  	[smem:$0x3FAB] =	sst s3  }
0xc: {  	[smem:$0x3FAC] =	sst s4  }
0xd: {  	[smem:$0x3FAD] =	sst s5  }
0xe: {  	[smem:$0x3FAE] =	sst s6  }
0xf: {  	[smem:$0x3FAF] =	sst s7  }
0x10: {  	[smem:$0x3FB0] =	sst s8  }
0x11: {  	[smem:$0x3FB1] =	sst s9;
	s0 =	simm.s32 @!p0 $0x0  }
0x12: {  	s1 =	sld [smem:$0x3F97];
	s0 =	simm.s32 @p0 $0x1  }
0x13: {  	[smem:$0x3FB2] =	sst s0;
	s0 =	simm.s32 @!p1 $0x0  }
0x14: {  	s2 =	sld [smem:$0x3F96];
	s0 =	simm.s32 @p1 $0x1  }
0x15: {  	[smem:$0x3FB3] =	sst s0;
	s0 =	simm.s32 @!p2 $0x0  }
0x16: {  	s3 =	sld [smem:$0x3FDB];
	s0 =	simm.s32 @p2 $0x1  }
0x17: {  	s4 =	simm.s32 $0x1BF5;
	[smem:$0x3FB5] =	sst s0  }
0x18: {  	s0 =	sld [smem:$0x3F98];
	_ =	swait.ge [sflag:s4], $0x0  }
0x19: {  	s7 =	sld [smem:$0x3F99]  }
0x1a: {  	s8 =	sadd.s32 $0xFFFFE003, lr  }
0x1b: {  	s9 =	sadd.s32 $0xFFFFFEF7, lr;
	s5 =	simm.s32 $0xFFFFFFFF;
	p2 =	slt.u32 s8, $0xFFFFF086  }
0x1c: {  	p1 =	slt.u32 s9, $0xF7A;
	s5 =	simm.s32 @!p2 $0x0  }
0x1d: {  	s5 =	simm.s32 @p1 $0x1;
	p0 =	seq.s32 s7, s2  }
0x1e: {  	s7 =	smul.u32 @!p0 $0xF7A, s2;
	p2 =	seq.s32 @!p0 s5, $0x0  }
0x1f: {  	s9 =	smul.u32 $0xF7A, s1;
	s8 =	simm.s32 @!p0 $0x1BF5;
	p2 =	por !p2, p0  }
0x20: {  	[sflag:s8] =	ssyncset.s32 @!p0 $0xFFFFF086;
	s6 =	sadd.s32 @!p0 s3, s7;
	s7 =	simm.s32 @!p0 $0x108  }
0x21: {  	s3 =	sadd.s32 s3, s9;
	s6 =	sadd.s32 @!p0 $0x88, s6;
	s7 =	simm.s32 @p2 $0x1082  }
0x22: {  	[simem:s7], [sflag:s8] =	dma.local @!p0 [hbm:s6], $0xF7A  }
0x23: {  	s9 =	sor.u32 $0xD0000000, s2;
	s6 =	simm.s32 $0x108;
	_ =	swait.ge @!p0 [sflag:s8], $0x0  }
0x24: {  	s3 =	sadd.s32 $0x88, s3;
	s6 =	simm.s32 @!p1 $0x1082;
	[sflag:s4] =	ssyncset.s32 $0xFFFFF086  }
0x25: {  	[simem:s6], [sflag:s4] =	dma.local [hbm:s3], $0xF7A  }
0x26: {  	[smem:$0x3F99] =	sst s1;
	(tag) =	ssettag s2;
	_ =	strace s9  }
0x27: {  	s1 =	sld [smem:$0x3FA9]  }
0x28: {  	s2 =	sld [smem:$0x3FAA]  }
0x29: {  	s4 =	sld [smem:$0x3FAC]  }
0x2a: {  	p0 =	seq.s32 s5, $0x0;
	s5 =	sld [smem:$0x3FAD]  }
0x2b: {  	s6 =	sld [smem:$0x3FAE]  }
0x2c: {  	s7 =	sld [smem:$0x3FAF]  }
0x2d: {  	s3 =	simm.s32 $0x108;
	s8 =	sld [smem:$0x3FB0]  }
0x2e: {  	s3 =	simm.s32 @!p0 $0x1082;
	s9 =	sld [smem:$0x3FB1]  }
0x2f: {  	lr =	sadd.s32 s0, s3;
	s0 =	sld [smem:$0x3FA8]  }
0x30: {  	s3 =	sld [smem:$0x3FAB]  }
0x31: {  	[smem:$0x3FB4] =	sst s10  }
0x32: {  	s10 =	sld [smem:$0x3FB2];
	_ =	sdelay $0x3  }
0x33: {  	p0 =	seq.s32 s10, $0x1;
	s10 =	sld [smem:$0x3FB4];
	_ =	sdelay $0x3  }
0x34: {  	[smem:$0x3FB4] =	sst s10  }
0x35: {  	s10 =	sld [smem:$0x3FB3];
	_ =	sdelay $0x3  }
0x36: {  	p1 =	seq.s32 s10, $0x1;
	s10 =	sld [smem:$0x3FB4];
	_ =	sdelay $0x3  }
0x37: {  	[smem:$0x3FB4] =	sst s10  }
0x38: {  	s10 =	sld [smem:$0x3FB5]  }
0x39: {  	_ = 	snop;
	(pc) =	sbr.ind lr, $3  }
0x3a: {  	_ = 	snop  }
0x3b: {  	_ = 	snop  }
0x3c: {  	p2 =	seq.s32 s10, $0x1;
	s10 =	sld [smem:$0x3FB4]  }
0x3d: {  	_ =	shalt  }
0x3e: {  	_ =	shalt  }
0x3f: {  	_ =	shalt  }
0x40: {  	_ =	shalt  }
0x41: {  	_ =	shalt  }
0x42: {  	_ =	shalt  }
0x43: {  	_ =	shalt  }
0x44: {  	_ =	shalt  }
0x45: {  	_ =	shalt  }
0x46: {  	_ =	shalt  }
0x47: {  	_ =	shalt  }
0x48: {  	_ =	shalt  }
0x49: {  	_ =	shalt  }
0x4a: {  	_ =	shalt  }
0x4b: {  	_ =	shalt  }
0x4c: {  	_ =	shalt  }
0x4d: {  	_ =	shalt  }
0x4e: {  	_ =	shalt  }
0x4f: {  	_ =	shalt  }
0x50: {  	_ =	shalt  }
0x51: {  	_ =	shalt  }
0x52: {  	_ =	shalt  }
0x53: {  	_ =	shalt  }
0x54: {  	_ =	shalt  }
0x55: {  	_ =	shalt  }
0x56: {  	_ =	shalt  }
0x57: {  	_ =	shalt  }
0x58: {  	_ =	shalt  }
0x59: {  	_ =	shalt  }
0x5a: {  	_ =	shalt  }
0x5b: {  	_ =	shalt  }
0x5c: {  	_ =	shalt  }
0x5d: {  	_ =	shalt  }
0x5e: {  	_ =	shalt  }
0x5f: {  	_ =	shalt  }
0x60: {  	_ =	shalt  }
0x61: {  	_ =	shalt  }
0x62: {  	_ =	shalt  }
0x63: {  	_ =	shalt  }
0x64: {  	_ =	shalt  }
0x65: {  	_ =	shalt  }
0x66: {  	_ =	shalt  }
0x67: {  	_ =	shalt  }
0x68: {  	_ =	shalt  }
0x69: {  	_ =	shalt  }
0x6a: {  	_ =	shalt  }
0x6b: {  	_ =	shalt  }
0x6c: {  	_ =	shalt  }
0x6d: {  	_ =	shalt  }
0x6e: {  	_ =	shalt  }
0x6f: {  	_ =	shalt  }
0x70: {  	_ =	shalt  }
0x71: {  	_ =	shalt  }
0x72: {  	_ =	shalt  }
0x73: {  	_ =	shalt  }
0x74: {  	_ =	shalt  }
0x75: {  	_ =	shalt  }
0x76: {  	_ =	shalt  }
0x77: {  	_ =	shalt  }
0x78: {  	_ =	shalt  }
0x79: {  	_ =	shalt  }
0x7a: {  	_ =	shalt  }
0x7b: {  	_ =	shalt  }
0x7c: {  	_ =	shalt  }
0x7d: {  	_ =	shalt  }
0x7e: {  	_ =	shalt  }
0x7f: {  	_ =	shalt  }
0x80: {  	_ =	shalt  }
0x81: {  	_ =	shalt  }
0x82: {  	_ =	shalt  }
0x83: {  	_ =	shalt  }
0x84: {  	_ =	shalt  }
0x85: {  	_ =	shalt  }
0x86: {  	_ =	shalt  }
0x87: {  	_ =	shalt  }
.Lfunc_end0:
.L_simem_size_0:
called_computation.2_lowered:
.L_overlay_start_0:
0x88: {  	s2 =	sld [smem:$0x3FD9]  }
0x89: {  	s3 =	sld [smem:$0x3FFE];
	_ =	sdelay $0x1  }
0x8a: {  	s1 =	srdreg.scid  }
0x8b: {  	s0 =	sand.u32 $0x1, s1  }
0x8c: {  	s16 =	sshll.u32 s0, $0xA;
	s2 =	sadd.s32 s3, s2  }
0x8d: {  	s2 =	sadd.s32 s2, s16  }
0x8e: {  	[smem:$0x3FC0] =	sst s2  }
0x8f: {  	_ = 	snop  }
0x90: {  	(tm) =	ssettm $0x1  }
0x91: {  	s17 =	sld [smem:$0x3FFB];
	_ =	sdelay $0x3  }
0x92: {  	_ =	strace s17  }
0x93: {  	s2 =	sld [smem:$0x3FFC];
	_ =	sdelay $0x3  }
0x94: {  	_ =	strace s2  }
0x95: {  	s2 =	sld [smem:$0x3FFD];
	_ =	sdelay $0x3  }
0x96: {  	_ =	strace s2  }
0x97: {  	_ =	strace $0x8FFFFFFF  }
0x98: {  	s18 =	sld [smem:$0x3FDB];
	_ =	sdelay $0x1  }
0x99: {  	s19 =	simm.s32 $_scs_section_size  }
0x9a: {  	s4 =	simm.s32 $_size__tile_overlayer_lowered;
	s5 =	simm.s32 $_tile_overlayer_lowered  }
0x9b: {  	s22 =	simm.s32 $0x1BFF;
	s21 =	sshll.u32 s5, $0x1;
	s2 =	sadd.s32 s19, s18  }
0x9c: {  	s6 =	simm.s32 $0x0;
	s20 =	sshll.u32 s4, $0x1;
	s4 =	sadd.s32 s21, s2  }
0x9d: {  	[timem:s6], [sflag:s22] =	dma.local [hbm:s4], s20  }
0x9e: {  	_ =	swait.ge [sflag:s22], s20  }
0x9f: {  	s3 =	ssub.s32 $0x0, s20;
	[sflag:s22] =	ssyncset.done $0x0  }
0xa0: {  	[sflag:s22] =	ssyncadd.s32 s3;
	_ =	sdelay $0x1  }
0xa1: {  	s23 =	simm.s32 $0x1B8B  }
0xa2: {  	_ =	swait.ge [sflag:s23], $0x1  }
0xa3: {  	[sflag:s23] =	ssyncset.done $0x0  }
0xa4: {  	s25 =	simm.s32 $0x1B8E;
	s24 =	sld [smem:$0x3FFE];
	[sflag:s23] =	ssyncadd.s32 $0xFFFFFFFF  }
0xa5: {  	s26 =	simm.s32 $execute0_lowered;
	[smem:$0x3FD2] =	sst s25  }
0xa6: {  	s4 =	sshll.u32 s26, $0x1;
	_ =	strace $0x8000004C;
	[dreg:$0x1] =	wrdreg $0xFFFFFFFF  }
0xa7: {  	s28 =	simm.s32 $_size_execute0_lowered;
	s2 =	sadd.s32 s2, s4;
	[dreg:$0x0] =	wrdreg $0x0  }
0xa8: {  	s4 =	sshll.u32 s28, $0x1;
	[dreg:$0x2] =	wrdreg s2  }
0xa9: {  	[dreg:$0x3] =	wrdreg s4  }
0xaa: {  	[dreg:$0x4] =	wrdreg $0xC0  }
0xab: {  	_ =	task [dreg:s6], $0x5FFFF  }
0xac: {  	[dreg:$0x1] =	wrdreg $0xFFFFFFFF  }
0xad: {  	[dreg:$0x0] =	wrdreg $0x60  }
0xae: {  	[dreg:$0x2] =	wrdreg s24  }
0xaf: {  	[dreg:$0x3] =	wrdreg $0xBC000  }
0xb0: {  	[dreg:$0x4] =	wrdreg $0x9  }
0xb1: {  	_ =	task.clear_ibuf [dreg:s6], $0x5FFFF;
	_ =	strace $0x9000004C  }
0xb2: {  	s29 =	simm.s32 $0x9;
	_ =	strace $0x8000004E  }
0xb3: {  	_ =	swait.ge [sflag:s29], $0x1  }
0xb4: {  	[sflag:s29] =	ssyncadd.s32 $0xFFFFFFFF  }
0xb5: {  	_ =	strace $0x9000004E  }
0xb6: {  	_ =	sfence  }
0xb7: {  	s30 =	sld [smem:$0x0];
	_ =	sdelay $0x2  }
0xb8: {  	s31 =	sshll.u32 s1, $0xD;
	s1 =	sshrl.u32 s1, $0x2  }
0xb9: {  	s3 =	sand.u32 $0x4000, s31;
	s1 =	sadd.s32 s1, s30  }
0xba: {  	s0 =	sor.u32 s3, s0;
	s1 =	sshll.u32 s1, $0x11  }
0xbb: {  	s0 =	sor.u32 s1, s0  }
0xbc: {  	s0 =	sadd.s32 $0x8F2B, s0  }
0xbd: {  	[sflag:s0] =	ssyncadd.remote.s32 $0x1  }
0xbe: {  	_ =	sfence.sel $0xFFFF  }
0xbf: {  	[dreg:$0x0] =	wrdreg $0xFFFFFFFF;
	(pc) =	sbr.abs _section_cstart, $3  }
0xc0: {  	[dreg:$0x1] =	wrdreg $0xFFFFFFFF  }
0xc1: {  	_ =	task.clear_ibuf [dreg:s6], $0x2FFFF;
	_ =	strace $0x9FFFFFFF  }
0xc2: {  	(tm) =	ssettm $0x7FFFFFFF  }
0xc3: {  	_ =	shalt  }
tec
execute0_lowered:
.L_overlay_start_1:
0x0: {  	(tag) =	ssettag $0x1  }
0x1: {  	s0 =	rddreg [dreg:$0x0];
	s1 =	srdreg.scid  }
0x2: {  	s2 =	rddreg [dreg:$0x1];
	s8 =	stileid.u32;
	s3 =	simm.s32 $0x0  }
0x3: {  	s28 =	simm.s32 $0x5C00;
	s29 =	simm.s32 $0x7C00;
	s30 =	simm.s32 $0xC0  }
0x4: {  	s31 =	simm.s32 $0x9C00;
	s12 =	simm.s32 $0x3A00;
	s5 =	smul.u32 $0x14000, s8  }
0x5: {  	s13 =	simm.s32 $0x3A80;
	s1 =	sand.u32 $0x1, s1;
	s15 =	smul.u32 $0x50000, s8  }
0x6: {  	[smem:$0x7FF] =	sst s3;
	s14 =	sshll.u32 s8, $0x1;
	s4 =	smul.u32 $0x140000, s1  }
0x7: {  	_ =	strace $0x8000004D;
	s9 =	sor.u32 s1, s14;
	s1 =	ssub.s32 $0x2, s1  }
0x8: {  	s11 =	sshrl.u32 s1, $0x1;
	s6 =	sadd.s32 s5, s4;
	s4 =	sadd.s32 $0x21600, s0  }
0x9: {  	s5 =	sadd.s32 $0xD600, s0;
	s1 =	ssub.s32 s1, s11;
	s7 =	sshrl.u32 s6, $0x3  }
0xa: {  	s6 =	sadd.s32 $0x2B600, s0;
	s16 =	smax.u32 s1, $0x1;
	s0 =	sadd.s32 s7, s0  }
0xb: {  	s7 =	sshrl.u32 s15, $0x2;
	[dreg:$0x5] =	wrdreg s16;
	s0 =	sadd.s32 $0x53600, s0  }
0xc: {  	s8 =	sshrl.u32 s8, $0x2;
	s18 =	sadd.s32 s7, s2;
	[dreg:$0x4] =	wrdreg s0  }
0xd: {  	s8 =	smul.u32 $0x14000, s8;
	s17 =	sadd.s32 $0x2000, s18;
	[dreg:$0x3] =	wrdreg s18  }
0xe: {  	s14 =	simm.s32 $0x3B00;
	s19 =	sadd.s32 $0x4000, s18;
	[dreg:$0x6] =	wrdreg s17  }
0xf: {  	s10 =	sshll.u32 s9, $0x7;
	s20 =	sadd.s32 $0x6000, s18;
	[dreg:$0x7] =	wrdreg s19  }
0x10: {  	s9 =	smul.u32 $0x5000, s9;
	s21 =	sadd.s32 $0x8000, s18;
	[dreg:$0x8] =	wrdreg s20  }
0x11: {  	s10 =	sand.u32 $0x380, s10;
	s22 =	sadd.s32 $0xA000, s18;
	[dreg:$0x9] =	wrdreg s21  }
0x12: {  	s11 =	simm.s32 $0x4;
	s23 =	sadd.s32 $0xC000, s18;
	[dreg:$0xa] =	wrdreg s22  }
0x13: {  	s8 =	sor.u32 s10, s8;
	s24 =	sadd.s32 $0xE000, s18;
	[dreg:$0xb] =	wrdreg s23  }
0x14: {  	s1 =	simm.s32 $0x2;
	s25 =	sadd.s32 $0x10000, s18;
	[dreg:$0xc] =	wrdreg s24  }
0x15: {  	s10 =	simm.s32 $0x3;
	s26 =	sadd.s32 $0x12000, s18;
	[dreg:$0xd] =	wrdreg s25  }
0x16: {  	s15 =	simm.s32 $0x3B80;
	s0 =	simm.s32 $0x1;
	[dreg:$0xe] =	wrdreg s26  }
0x17: {  	s21 =	simm.s32 $0x3C00;
	s22 =	simm.s32 $0x5;
	s23 =	simm.s32 $0x80  }
0x18: {  	v0 =	vimm.f32 $0.0e+00;
	s24 =	simm.s32 $0x400;
	s25 =	simm.s32 $0x1400;
	s26 =	simm.s32 $0x40  }
.LBB2_1:
0x19: {  	s16 =	simm.s32 $0x0;
	s17 =	simm.s32 $0x200  }
.LBB2_2:
0x1a: {  	p0 =	sne.s32 s17, $0x7E00;
	[tilespmem:s16+$0x3C70] =	vst v0  }
0x1b: {  	[tilespmem:s16+$0x3C00] =	vst v0  }
0x1c: {  	[tilespmem:s16+$0x3C10] =	vst v0  }
.Ltmp0:
0x1d: {  	[tilespmem:s16+$0x3C20] =	vst v0;
	(pc) =	sbr.rel @p0 .LBB2_2-.Ltmp0, $4  }
0x1e: {  	[tilespmem:s16+$0x3C30] =	vst v0  }
0x1f: {  	[tilespmem:s16+$0x3C40] =	vst v0  }
0x20: {  	[tilespmem:s16+$0x3C50] =	vst v0  }
0x21: {  	[tilespmem:s16+$0x3C60] =	vst v0;
	s16 =	sshra.s32 s17, $0x2;
	s17 =	sadd.s32 $0x200, s17  }
0x22: {  	[tilespmem:s16+$0x3C70] =	vst v0  }
0x23: {  	[tilespmem:s16+$0x3C00] =	vst v0  }
0x24: {  	[tilespmem:s16+$0x3C10] =	vst v0  }
0x25: {  	[tilespmem:s16+$0x3C20] =	vst v0  }
0x26: {  	[tilespmem:s16+$0x3C30] =	vst v0  }
0x27: {  	[tilespmem:s16+$0x3C40] =	vst v0  }
0x28: {  	[tilespmem:s16+$0x3C50] =	vst v0  }
0x29: {  	[tilespmem:s16+$0x3C60] =	vst v0  }
0x2a: {  	[spmem:s18] =	stream.linear.scatter [tilespmem:s21], [sflag:$0x5], $0x2000, $0x38;
	[tilespmem:$0x1FC00] =	vst v63  }
0x2b: {  	_ =	swait.ge [sflag:s22], $0x2000  }
0x2c: {  	[sflag:s22] =	ssyncset.done $0x0  }
0x2d: {  	s7 =	rddreg [dreg:$0x6];
	[sflag:s22] =	ssyncadd.s32 $0xFFFFE000  }
0x2e: {  	[spmem:s7] =	stream.linear.scatter [tilespmem:s21], [sflag:$0x5], $0x2000, $0x38;
	[tilespmem:$0x1FC00] =	vst v63  }
0x2f: {  	_ =	swait.ge [sflag:s22], $0x2000  }
0x30: {  	[sflag:s22] =	ssyncset.done $0x0  }
0x31: {  	s18 =	rddreg [dreg:$0x7];
	[sflag:s22] =	ssyncadd.s32 $0xFFFFE000  }
0x32: {  	[spmem:s18] =	stream.linear.scatter [tilespmem:s21], [sflag:$0x5], $0x2000, $0x38;
	[tilespmem:$0x1FC00] =	vst v63  }
0x33: {  	_ =	swait.ge [sflag:s22], $0x2000  }
0x34: {  	[sflag:s22] =	ssyncset.done $0x0  }
0x35: {  	s19 =	rddreg [dreg:$0x8];
	[sflag:s22] =	ssyncadd.s32 $0xFFFFE000  }
0x36: {  	[spmem:s19] =	stream.linear.scatter [tilespmem:s21], [sflag:$0x5], $0x2000, $0x38;
	[tilespmem:$0x1FC00] =	vst v63  }
0x37: {  	_ =	swait.ge [sflag:s22], $0x2000  }
0x38: {  	[sflag:s22] =	ssyncset.done $0x0  }
0x39: {  	s20 =	rddreg [dreg:$0x9];
	[sflag:s22] =	ssyncadd.s32 $0xFFFFE000  }
0x3a: {  	[spmem:s20] =	stream.linear.scatter [tilespmem:s21], [sflag:$0x5], $0x2000, $0x38;
	[tilespmem:$0x1FC00] =	vst v63  }
0x3b: {  	_ =	swait.ge [sflag:s22], $0x2000  }
0x3c: {  	[sflag:s22] =	ssyncset.done $0x0  }
0x3d: {  	s16 =	rddreg [dreg:$0xa];
	[sflag:s22] =	ssyncadd.s32 $0xFFFFE000  }
0x3e: {  	[spmem:s16] =	stream.linear.scatter [tilespmem:s21], [sflag:$0x5], $0x2000, $0x38;
	[tilespmem:$0x1FC00] =	vst v63  }
0x3f: {  	_ =	swait.ge [sflag:s22], $0x2000  }
0x40: {  	[sflag:s22] =	ssyncset.done $0x0  }
0x41: {  	s17 =	rddreg [dreg:$0xb];
	[sflag:s22] =	ssyncadd.s32 $0xFFFFE000  }
0x42: {  	[spmem:s17] =	stream.linear.scatter [tilespmem:s21], [sflag:$0x5], $0x2000, $0x38;
	[tilespmem:$0x1FC00] =	vst v63  }
0x43: {  	_ =	swait.ge [sflag:s22], $0x2000  }
0x44: {  	[sflag:s22] =	ssyncset.done $0x0  }
0x45: {  	s18 =	rddreg [dreg:$0xc];
	[sflag:s22] =	ssyncadd.s32 $0xFFFFE000  }
0x46: {  	[spmem:s18] =	stream.linear.scatter [tilespmem:s21], [sflag:$0x5], $0x2000, $0x38;
	[tilespmem:$0x1FC00] =	vst v63  }
0x47: {  	_ =	swait.ge [sflag:s22], $0x2000  }
0x48: {  	[sflag:s22] =	ssyncset.done $0x0  }
0x49: {  	s19 =	rddreg [dreg:$0xd];
	[sflag:s22] =	ssyncadd.s32 $0xFFFFE000  }
0x4a: {  	[spmem:s19] =	stream.linear.scatter [tilespmem:s21], [sflag:$0x5], $0x2000, $0x38;
	[tilespmem:$0x1FC00] =	vst v63  }
0x4b: {  	_ =	swait.ge [sflag:s22], $0x2000  }
0x4c: {  	[sflag:s22] =	ssyncset.done $0x0  }
0x4d: {  	s20 =	rddreg [dreg:$0xe];
	[sflag:s22] =	ssyncadd.s32 $0xFFFFE000  }
0x4e: {  	[spmem:s20] =	stream.linear.scatter [tilespmem:s21], [sflag:$0x5], $0x2000, $0x38;
	[tilespmem:$0x1FC00] =	vst v63  }
0x4f: {  	_ =	swait.ge [sflag:s22], $0x2000  }
0x50: {  	[sflag:s22] =	ssyncset.done $0x0  }
0x51: {  	p1 =	por $0x1, $0x1;
	[sflag:s22] =	ssyncadd.s32 $0xFFFFE000  }
0x52: {  	s16 =	simm.s32 $0x0;
	s17 =	simm.s32 $0x0;
	[bflag:$0x0] =	sbarrier.arrive $0xFFFF  }
.LBB2_4:
0x53: {  	s18 =	smul.u32 $0xA000, s17;
	_ =	sdelay $0x1  }
0x54: {  	s18 =	sadd.s32 s8, s18  }
0x55: {  	s18 =	sshrl.u32 s18, $0x3  }
0x56: {  	s7 =	smul.u32 $0x2800, s17;
	s18 =	sadd.s32 s4, s18  }
0x57: {  	[tilespmem:s16], [sflag:$0x5] =	stream.strided.gather [hbm4b:s18+s23], $0x1400, s24, s23, $0x38;
	[tilespmem:$0x1FC00] =	vst v63  }
0x58: {  	s17 =	sadd.s32 s9, s7;
	_ =	swait.ge [sflag:s22], $0x1400  }
0x59: {  	s17 =	sshrl.u32 s17, $0x3;
	[sflag:s22] =	ssyncset.done $0x0  }
0x5a: {  	s17 =	sadd.s32 s5, s17;
	[sflag:s22] =	ssyncadd.s32 $0xFFFFEC00  }
0x5b: {  	[tilespmem:s25], [sflag:$0x5] =	stream.linear.gather [hbm4b:s17+s16], $0x2800, $0x38;
	[tilespmem:$0x1FC00] =	vst v63  }
0x5c: {  	_ =	swait.ge [sflag:s22], $0x2800  }
0x5d: {  	[sflag:s22] =	ssyncset.done $0x0  }
0x5e: {  	[sflag:s22] =	ssyncadd.s32 $0xFFFFD800  }
0x5f: {  	[tilespmem:s21], [sflag:$0x1] =	stream.indirect.gather [hbm4b:s6+s26], $0x80, s16, s26, $0xb8;
	[tilespmem:$0x1FC00] =	vst v63  }
0x60: {  	_ = 	snop  }
0x61: {  	[tilespmem:s28], [sflag:$0x2] =	stream.indirect.gather [hbm4b:s6+s26], $0x80, s26, s26, $0xb8;
	[tilespmem:$0x1FC00] =	vst v63  }
0x62: {  	_ = 	snop  }
0x63: {  	[tilespmem:s29], [sflag:$0x3] =	stream.indirect.gather [hbm4b:s6+s26], $0x80, s23, s26, $0xb8;
	[tilespmem:$0x1FC00] =	vst v63  }
0x64: {  	_ = 	snop  }
0x65: {  	[tilespmem:s31], [sflag:$0x4] =	stream.indirect.gather [hbm4b:s6+s26], $0x80, s30, s26, $0xb8;
	[tilespmem:$0x1FC00] =	vst v63  }
0x66: {  	_ =	swait.ge [sflag:s0], $0x2000  }
0x67: {  	[sflag:s0] =	ssyncset.done $0x0  }
0x68: {  	s18 =	simm.s32 $0x1400;
	[sflag:s0] =	ssyncadd.s32 $0xFFFFE000  }
0x69: {  	[spmem:s2] =	stream.indirect.scatter.add.f32 [tilespmem:s21], [sflag:$0x5], $0x80, s18, s26, $0xb8;
	[tilespmem:$0x1FC00] =	vst v63  }
0x6a: {  	_ =	swait.ge [sflag:s22], $0x2000  }
0x6b: {  	[sflag:s22] =	ssyncset.done $0x0  }
0x6c: {  	s19 =	simm.s32 $0x100;
	[sflag:s22] =	ssyncadd.s32 $0xFFFFE000  }
0x6d: {  	[tilespmem:s21], [sflag:$0x1] =	stream.indirect.gather [hbm4b:s6+s26], $0x80, s19, s26, $0xb8;
	[tilespmem:$0x1FC00] =	vst v63  }
0x6e: {  	_ =	swait.ge [sflag:s1], $0x2000  }
0x6f: {  	[sflag:s1] =	ssyncset.done $0x0  }
0x70: {  	s20 =	simm.s32 $0x1480;
	[sflag:s1] =	ssyncadd.s32 $0xFFFFE000  }
0x71: {  	[spmem:s2] =	stream.indirect.scatter.add.f32 [tilespmem:s28], [sflag:$0x5], $0x80, s20, s26, $0xb8;
	[tilespmem:$0x1FC00] =	vst v63  }
0x72: {  	_ =	swait.ge [sflag:s22], $0x2000  }
0x73: {  	[sflag:s22] =	ssyncset.done $0x0  }
0x74: {  	s7 =	simm.s32 $0x140;
	[sflag:s22] =	ssyncadd.s32 $0xFFFFE000  }
0x75: {  	[tilespmem:s28], [sflag:$0x2] =	stream.indirect.gather [hbm4b:s6+s26], $0x80, s7, s26, $0xb8;
	[tilespmem:$0x1FC00] =	vst v63  }
0x76: {  	_ =	swait.ge [sflag:s10], $0x2000  }
0x77: {  	[sflag:s10] =	ssyncset.done $0x0  }
0x78: {  	s18 =	simm.s32 $0x1500;
	[sflag:s10] =	ssyncadd.s32 $0xFFFFE000  }
0x79: {  	[spmem:s2] =	stream.indirect.scatter.add.f32 [tilespmem:s29], [sflag:$0x5], $0x80, s18, s26, $0xb8;
	[tilespmem:$0x1FC00] =	vst v63  }
0x7a: {  	_ =	swait.ge [sflag:s22], $0x2000  }
0x7b: {  	[sflag:s22] =	ssyncset.done $0x0  }
0x7c: {  	s19 =	simm.s32 $0x180;
	[sflag:s22] =	ssyncadd.s32 $0xFFFFE000  }
0x7d: {  	[tilespmem:s29], [sflag:$0x3] =	stream.indirect.gather [hbm4b:s6+s26], $0x80, s19, s26, $0xb8;
	[tilespmem:$0x1FC00] =	vst v63  }
0x7e: {  	_ =	swait.ge [sflag:s11], $0x2000  }
0x7f: {  	[sflag:s11] =	ssyncset.done $0x0  }
0x80: {  	s20 =	simm.s32 $0x1580;
	[sflag:s11] =	ssyncadd.s32 $0xFFFFE000  }
0x81: {  	[spmem:s2] =	stream.indirect.scatter.add.f32 [tilespmem:s31], [sflag:$0x5], $0x80, s20, s26, $0xb8;
	[tilespmem:$0x1FC00] =	vst v63  }
0x82: {  	_ =	swait.ge [sflag:s22], $0x2000  }
0x83: {  	p0 =	por p1, p1;
	s17 =	simm.s32 $0x1C0;
	[sflag:s22] =	ssyncset.done $0x0  }
0x84: {  	s18 =	simm.s32 $0x800;
	s19 =	simm.s32 $0x2C0;
	[sflag:s22] =	ssyncadd.s32 $0xFFFFE000  }
.LBB2_5:
0x85: {  	[tilespmem:s31], [sflag:$0x4] =	stream.indirect.gather [hbm4b:s6+s26], $0x80, s17, s26, $0xb8;
	[tilespmem:$0x1FC00] =	vst v63  }
0x86: {  	s20 =	smov.u32 s18;
	s17 =	smov.u32 s19  }
0x87: {  	p1 =	sne.s32 s18, $0x9000;
	s18 =	sadd.s32 $0x800, s18;
	_ =	swait.ge [sflag:s0], $0x2000  }
0x88: {  	s20 =	sshra.s32 s20, $0x2;
	[sflag:s0] =	ssyncset.done $0x0  }
0x89: {  	s7 =	sadd.s32 $0x1400, s20;
	[sflag:s0] =	ssyncadd.s32 $0xFFFFE000  }
0x8a: {  	[spmem:s2] =	stream.indirect.scatter.add.f32 [tilespmem:s21], [sflag:$0x5], $0x80, s7, s26, $0xb8;
	[tilespmem:$0x1FC00] =	vst v63  }
0x8b: {  	_ =	swait.ge [sflag:s22], $0x2000  }
0x8c: {  	[sflag:s22] =	ssyncset.done $0x0  }
0x8d: {  	s7 =	sadd.s32 $0xFFFFFF40, s19;
	[sflag:s22] =	ssyncadd.s32 $0xFFFFE000  }
0x8e: {  	[tilespmem:s21], [sflag:$0x1] =	stream.indirect.gather [hbm4b:s6+s26], $0x80, s7, s26, $0xb8;
	[tilespmem:$0x1FC00] =	vst v63  }
0x8f: {  	_ =	swait.ge [sflag:s1], $0x2000  }
0x90: {  	[sflag:s1] =	ssyncset.done $0x0  }
0x91: {  	s7 =	sadd.s32 $0x1480, s20;
	[sflag:s1] =	ssyncadd.s32 $0xFFFFE000  }
0x92: {  	[spmem:s2] =	stream.indirect.scatter.add.f32 [tilespmem:s28], [sflag:$0x5], $0x80, s7, s26, $0xb8;
	[tilespmem:$0x1FC00] =	vst v63  }
0x93: {  	_ =	swait.ge [sflag:s22], $0x2000  }
0x94: {  	[sflag:s22] =	ssyncset.done $0x0  }
0x95: {  	s7 =	sadd.s32 $0xFFFFFF80, s19;
	[sflag:s22] =	ssyncadd.s32 $0xFFFFE000  }
0x96: {  	[tilespmem:s28], [sflag:$0x2] =	stream.indirect.gather [hbm4b:s6+s26], $0x80, s7, s26, $0xb8;
	[tilespmem:$0x1FC00] =	vst v63  }
0x97: {  	_ =	swait.ge [sflag:s10], $0x2000  }
0x98: {  	[sflag:s10] =	ssyncset.done $0x0  }
0x99: {  	s7 =	sadd.s32 $0x1500, s20;
	[sflag:s10] =	ssyncadd.s32 $0xFFFFE000  }
0x9a: {  	[spmem:s2] =	stream.indirect.scatter.add.f32 [tilespmem:s29], [sflag:$0x5], $0x80, s7, s26, $0xb8;
	[tilespmem:$0x1FC00] =	vst v63  }
0x9b: {  	_ =	swait.ge [sflag:s22], $0x2000  }
0x9c: {  	[sflag:s22] =	ssyncset.done $0x0  }
0x9d: {  	s7 =	sadd.s32 $0xFFFFFFC0, s19;
	[sflag:s22] =	ssyncadd.s32 $0xFFFFE000  }
0x9e: {  	[tilespmem:s29], [sflag:$0x3] =	stream.indirect.gather [hbm4b:s6+s26], $0x80, s7, s26, $0xb8;
	[tilespmem:$0x1FC00] =	vst v63  }
0x9f: {  	_ =	swait.ge [sflag:s11], $0x2000  }
0xa0: {  	[sflag:s11] =	ssyncset.done $0x0  }
.Ltmp1:
0xa1: {  	s7 =	sadd.s32 $0x1580, s20;
	[sflag:s11] =	ssyncadd.s32 $0xFFFFE000;
	(pc) =	sbr.rel @p1 .LBB2_5-.Ltmp1, $4  }
0xa2: {  	[spmem:s2] =	stream.indirect.scatter.add.f32 [tilespmem:s31], [sflag:$0x5], $0x80, s7, s26, $0xb8;
	[tilespmem:$0x1FC00] =	vst v63  }
0xa3: {  	_ =	swait.ge [sflag:s22], $0x2000  }
0xa4: {  	[sflag:s22] =	ssyncset.done $0x0  }
0xa5: {  	s19 =	sadd.s32 $0x100, s19;
	[sflag:s22] =	ssyncadd.s32 $0xFFFFE000  }
0xa6: {  	[tilespmem:s31], [sflag:$0x4] =	stream.indirect.gather [hbm4b:s6+s26], $0x80, s17, s26, $0xb8;
	[tilespmem:$0x1FC00] =	vst v63  }
0xa7: {  	s17 =	simm.s32 $0x1  }
0xa8: {  	_ =	swait.ge [sflag:s17], $0x2000  }
0xa9: {  	[sflag:s17] =	ssyncset.done $0x0  }
0xaa: {  	[sflag:s17] =	ssyncadd.s32 $0xFFFFE000  }
0xab: {  	[spmem:s2] =	stream.indirect.scatter.add.f32 [tilespmem:s21], [sflag:$0x5], $0x80, s12, s26, $0xb8;
	[tilespmem:$0x1FC00] =	vst v63  }
0xac: {  	_ =	swait.ge [sflag:s22], $0x2000  }
0xad: {  	[sflag:s22] =	ssyncset.done $0x0  }
0xae: {  	[sflag:s22] =	ssyncadd.s32 $0xFFFFE000  }
0xaf: {  	_ =	swait.ge [sflag:s1], $0x2000  }
0xb0: {  	[sflag:s1] =	ssyncset.done $0x0  }
0xb1: {  	[sflag:s1] =	ssyncadd.s32 $0xFFFFE000  }
0xb2: {  	[spmem:s2] =	stream.indirect.scatter.add.f32 [tilespmem:s28], [sflag:$0x5], $0x80, s13, s26, $0xb8;
	[tilespmem:$0x1FC00] =	vst v63  }
0xb3: {  	_ =	swait.ge [sflag:s22], $0x2000  }
0xb4: {  	[sflag:s22] =	ssyncset.done $0x0  }
0xb5: {  	[sflag:s22] =	ssyncadd.s32 $0xFFFFE000  }
0xb6: {  	_ =	swait.ge [sflag:s10], $0x2000  }
0xb7: {  	[sflag:s10] =	ssyncset.done $0x0  }
0xb8: {  	[sflag:s10] =	ssyncadd.s32 $0xFFFFE000  }
0xb9: {  	[spmem:s2] =	stream.indirect.scatter.add.f32 [tilespmem:s29], [sflag:$0x5], $0x80, s14, s26, $0xb8;
	[tilespmem:$0x1FC00] =	vst v63  }
0xba: {  	_ =	swait.ge [sflag:s22], $0x2000  }
0xbb: {  	[sflag:s22] =	ssyncset.done $0x0  }
0xbc: {  	[sflag:s22] =	ssyncadd.s32 $0xFFFFE000  }
0xbd: {  	_ =	swait.ge [sflag:s11], $0x2000  }
0xbe: {  	[sflag:s11] =	ssyncset.done $0x0  }
.Ltmp2:
0xbf: {  	[sflag:s11] =	ssyncadd.s32 $0xFFFFE000;
	(pc) =	sbr.rel @p0 .LBB2_4-.Ltmp2, $4  }
0xc0: {  	[spmem:s2] =	stream.indirect.scatter.add.f32 [tilespmem:s31], [sflag:$0x5], $0x80, s15, s26, $0xb8;
	[tilespmem:$0x1FC00] =	vst v63  }
0xc1: {  	_ =	swait.ge [sflag:s22], $0x2000  }
0xc2: {  	[sflag:s22] =	ssyncset.done $0x0  }
0xc3: {  	p1 =	por $0x0, $0x0;
	[sflag:s22] =	ssyncadd.s32 $0xFFFFE000  }
0xc4: {  	s7 =	stileid.u32;
	[bflag:$0x0] =	sbarrier.arrive $0xFFFF  }
0xc5: {  	s7 =	sshll.u32 s7, $0x6;
	s18 =	rddreg [dreg:$0x3]  }
0xc6: {  	s17 =	rddreg [dreg:$0x4];
	s7 =	sor.u32 $0x1C05, s7;
	s16 =	sshrl.u32 s18, $0x3  }
0xc7: {  	[hbm:s17], [sflag:s7] =	dma.local [spmem:s16], $0x2800  }
0xc8: {  	_ =	swait.ge [sflag:s22], $0x2800  }
0xc9: {  	s3 =	sadd.s32 $0x1, s3;
	s20 =	rddreg [dreg:$0x5]  }
0xca: {  	p0 =	sne.s32 s3, s20  }
.Ltmp3:
0xcb: {  	_ = 	snop;
	(pc) =	sbr.rel @p0 .LBB2_1-.Ltmp3, $3  }
0xcc: {  	_ =	sdelay $0x1  }
0xcd: {  	[sflag:s22] =	ssyncset.done $0x0  }
0xce: {  	[sflag:s22] =	ssyncadd.s32 $0xFFFFD800  }
0xcf: {  	_ =	sfence.sel $0x180000  }
0xd0: {  	[bflag:$0x0] =	sbarrier.arrive $0xFFFF  }
0xd1: {  	_ =	strace $0x9000004D  }
0xd2: {  	s0 =	stileid.u32;
	[bflag:$0x2] =	sbarrier.arrive $0xFFFF  }
0xd3: {  	p0 =	sne.s32 s0, $0x0;
	s0 =	rddreg [dreg:$0x2]  }
0xd4: {  	s0 =	sadd.s32 @!p0 $0x100000, s0  }
0xd5: {  	[sflag:s0] =	ssyncadd.tile.s32 @!p0 $0x1;
	_ =	shalt  }
.Lfunc_end2:
_tile_overlayer_lowered:
.L_overlay_start_2:
0xd6: {  	(tag) =	ssettag $0x2  }
0xd7: {  	s0 =	rddreg [dreg:$0x0];
	s2 =	stileid.u32  }
0xd8: {  	s1 =	rddreg [dreg:$0x1];
	p0 =	sne.s32 s2, $0x0  }
0xd9: {  	s3 =	rddreg [dreg:$0x2];
	[bflag:$0x3] =	sbarrier.arrive $0xFFFF;
	s2 =	simm.s32 @!p0 $0x1C05  }
0xda: {  	[timem:s3], [sflag:s2] =	dma.local @!p0 [hbm:s0], s1  }
0xdb: {  	s0 =	simm.s32 @!p0 $0x5  }
0xdc: {  	_ =	swait.ge @!p0 [sflag:s0], s1  }
0xdd: {  	s1 =	ssub.s32 @!p0 $0x0, s1;
	[sflag:s0] =	ssyncset.done @!p0 $0x0  }
0xde: {  	[sflag:s0] =	ssyncadd.s32 @!p0 s1  }
0xdf: {  	[bflag:$0x3] =	sbarrier.arrive $0xFFFF  }
0xe0: {  	_ =	shalt  }

// kernel: kernel.19.cloned.1.call-start
scs
__scs_entry_jumppad:
0x0: {  	(pc) =	sbr.rel $0x88, $3  }
0x1: {  	(tag) =	ssettag $0x0;
	lr =	simm.s32 $0x1  }
0x2: {  	[smem:$0x3F99] =	sst lr;
	_ =	strace $0xD0000000  }
0x3: {  	_ = 	snop  }
0x4: {  	_ = 	snop  }
0x5: {  	_ = 	snop  }
0x6: {  	_ = 	snop  }
0x7: {  	_ = 	snop  }
__scs_overlays_trampoline_lowered:
0x8: {  	[smem:$0x3FA8] =	sst s0  }
0x9: {  	[smem:$0x3FA9] =	sst s1  }
0xa: {  	[smem:$0x3FAA] =	sst s2  }
0xb: {  	[smem:$0x3FAB] =	sst s3  }
0xc: {  	[smem:$0x3FAC] =	sst s4  }
0xd: {  	[smem:$0x3FAD] =	sst s5  }
0xe: {  	[smem:$0x3FAE] =	sst s6  }
0xf: {  	[smem:$0x3FAF] =	sst s7  }
0x10: {  	[smem:$0x3FB0] =	sst s8  }
0x11: {  	[smem:$0x3FB1] =	sst s9;
	s0 =	simm.s32 @!p0 $0x0  }
0x12: {  	s1 =	sld [smem:$0x3F97];
	s0 =	simm.s32 @p0 $0x1  }
0x13: {  	[smem:$0x3FB2] =	sst s0;
	s0 =	simm.s32 @!p1 $0x0  }
0x14: {  	s2 =	sld [smem:$0x3F96];
	s0 =	simm.s32 @p1 $0x1  }
0x15: {  	[smem:$0x3FB3] =	sst s0;
	s0 =	simm.s32 @!p2 $0x0  }
0x16: {  	s3 =	sld [smem:$0x3FDB];
	s0 =	simm.s32 @p2 $0x1  }
0x17: {  	s4 =	simm.s32 $0x1BF5;
	[smem:$0x3FB5] =	sst s0  }
0x18: {  	s0 =	sld [smem:$0x3F98];
	_ =	swait.ge [sflag:s4], $0x0  }
0x19: {  	s7 =	sld [smem:$0x3F99]  }
0x1a: {  	s8 =	sadd.s32 $0xFFFFE003, lr  }
0x1b: {  	s9 =	sadd.s32 $0xFFFFFEF7, lr;
	s5 =	simm.s32 $0xFFFFFFFF;
	p2 =	slt.u32 s8, $0xFFFFF086  }
0x1c: {  	p1 =	slt.u32 s9, $0xF7A;
	s5 =	simm.s32 @!p2 $0x0  }
0x1d: {  	s5 =	simm.s32 @p1 $0x1;
	p0 =	seq.s32 s7, s2  }
0x1e: {  	s7 =	smul.u32 @!p0 $0xF7A, s2;
	p2 =	seq.s32 @!p0 s5, $0x0  }
0x1f: {  	s9 =	smul.u32 $0xF7A, s1;
	s8 =	simm.s32 @!p0 $0x1BF5;
	p2 =	por !p2, p0  }
0x20: {  	[sflag:s8] =	ssyncset.s32 @!p0 $0xFFFFF086;
	s6 =	sadd.s32 @!p0 s3, s7;
	s7 =	simm.s32 @!p0 $0x108  }
0x21: {  	s3 =	sadd.s32 s3, s9;
	s6 =	sadd.s32 @!p0 $0x88, s6;
	s7 =	simm.s32 @p2 $0x1082  }
0x22: {  	[simem:s7], [sflag:s8] =	dma.local @!p0 [hbm:s6], $0xF7A  }
0x23: {  	s9 =	sor.u32 $0xD0000000, s2;
	s6 =	simm.s32 $0x108;
	_ =	swait.ge @!p0 [sflag:s8], $0x0  }
0x24: {  	s3 =	sadd.s32 $0x88, s3;
	s6 =	simm.s32 @!p1 $0x1082;
	[sflag:s4] =	ssyncset.s32 $0xFFFFF086  }
0x25: {  	[simem:s6], [sflag:s4] =	dma.local [hbm:s3], $0xF7A  }
0x26: {  	[smem:$0x3F99] =	sst s1;
	(tag) =	ssettag s2;
	_ =	strace s9  }
0x27: {  	s1 =	sld [smem:$0x3FA9]  }
0x28: {  	s2 =	sld [smem:$0x3FAA]  }
0x29: {  	s4 =	sld [smem:$0x3FAC]  }
0x2a: {  	p0 =	seq.s32 s5, $0x0;
	s5 =	sld [smem:$0x3FAD]  }
0x2b: {  	s6 =	sld [smem:$0x3FAE]  }
0x2c: {  	s7 =	sld [smem:$0x3FAF]  }
0x2d: {  	s3 =	simm.s32 $0x108;
	s8 =	sld [smem:$0x3FB0]  }
0x2e: {  	s3 =	simm.s32 @!p0 $0x1082;
	s9 =	sld [smem:$0x3FB1]  }
0x2f: {  	lr =	sadd.s32 s0, s3;
	s0 =	sld [smem:$0x3FA8]  }
0x30: {  	s3 =	sld [smem:$0x3FAB]  }
0x31: {  	[smem:$0x3FB4] =	sst s10  }
0x32: {  	s10 =	sld [smem:$0x3FB2];
	_ =	sdelay $0x3  }
0x33: {  	p0 =	seq.s32 s10, $0x1;
	s10 =	sld [smem:$0x3FB4];
	_ =	sdelay $0x3  }
0x34: {  	[smem:$0x3FB4] =	sst s10  }
0x35: {  	s10 =	sld [smem:$0x3FB3];
	_ =	sdelay $0x3  }
0x36: {  	p1 =	seq.s32 s10, $0x1;
	s10 =	sld [smem:$0x3FB4];
	_ =	sdelay $0x3  }
0x37: {  	[smem:$0x3FB4] =	sst s10  }
0x38: {  	s10 =	sld [smem:$0x3FB5]  }
0x39: {  	_ = 	snop;
	(pc) =	sbr.ind lr, $3  }
0x3a: {  	_ = 	snop  }
0x3b: {  	_ = 	snop  }
0x3c: {  	p2 =	seq.s32 s10, $0x1;
	s10 =	sld [smem:$0x3FB4]  }
0x3d: {  	_ =	shalt  }
0x3e: {  	_ =	shalt  }
0x3f: {  	_ =	shalt  }
0x40: {  	_ =	shalt  }
0x41: {  	_ =	shalt  }
0x42: {  	_ =	shalt  }
0x43: {  	_ =	shalt  }
0x44: {  	_ =	shalt  }
0x45: {  	_ =	shalt  }
0x46: {  	_ =	shalt  }
0x47: {  	_ =	shalt  }
0x48: {  	_ =	shalt  }
0x49: {  	_ =	shalt  }
0x4a: {  	_ =	shalt  }
0x4b: {  	_ =	shalt  }
0x4c: {  	_ =	shalt  }
0x4d: {  	_ =	shalt  }
0x4e: {  	_ =	shalt  }
0x4f: {  	_ =	shalt  }
0x50: {  	_ =	shalt  }
0x51: {  	_ =	shalt  }
0x52: {  	_ =	shalt  }
0x53: {  	_ =	shalt  }
0x54: {  	_ =	shalt  }
0x55: {  	_ =	shalt  }
0x56: {  	_ =	shalt  }
0x57: {  	_ =	shalt  }
0x58: {  	_ =	shalt  }
0x59: {  	_ =	shalt  }
0x5a: {  	_ =	shalt  }
0x5b: {  	_ =	shalt  }
0x5c: {  	_ =	shalt  }
0x5d: {  	_ =	shalt  }
0x5e: {  	_ =	shalt  }
0x5f: {  	_ =	shalt  }
0x60: {  	_ =	shalt  }
0x61: {  	_ =	shalt  }
0x62: {  	_ =	shalt  }
0x63: {  	_ =	shalt  }
0x64: {  	_ =	shalt  }
0x65: {  	_ =	shalt  }
0x66: {  	_ =	shalt  }
0x67: {  	_ =	shalt  }
0x68: {  	_ =	shalt  }
0x69: {  	_ =	shalt  }
0x6a: {  	_ =	shalt  }
0x6b: {  	_ =	shalt  }
0x6c: {  	_ =	shalt  }
0x6d: {  	_ =	shalt  }
0x6e: {  	_ =	shalt  }
0x6f: {  	_ =	shalt  }
0x70: {  	_ =	shalt  }
0x71: {  	_ =	shalt  }
0x72: {  	_ =	shalt  }
0x73: {  	_ =	shalt  }
0x74: {  	_ =	shalt  }
0x75: {  	_ =	shalt  }
0x76: {  	_ =	shalt  }
0x77: {  	_ =	shalt  }
0x78: {  	_ =	shalt  }
0x79: {  	_ =	shalt  }
0x7a: {  	_ =	shalt  }
0x7b: {  	_ =	shalt  }
0x7c: {  	_ =	shalt  }
0x7d: {  	_ =	shalt  }
0x7e: {  	_ =	shalt  }
0x7f: {  	_ =	shalt  }
0x80: {  	_ =	shalt  }
0x81: {  	_ =	shalt  }
0x82: {  	_ =	shalt  }
0x83: {  	_ =	shalt  }
0x84: {  	_ =	shalt  }
0x85: {  	_ =	shalt  }
0x86: {  	_ =	shalt  }
0x87: {  	_ =	shalt  }
.Lfunc_end0:
.L_simem_size_0:
called_computation.3_lowered:
.L_overlay_start_0:
0x88: {  	s2 =	sld [smem:$0x3FD9]  }
0x89: {  	s3 =	sld [smem:$0x3FFE];
	_ =	sdelay $0x1  }
0x8a: {  	s1 =	srdreg.scid  }
0x8b: {  	s0 =	sand.u32 $0x1, s1  }
0x8c: {  	s16 =	sshll.u32 s0, $0xA;
	s2 =	sadd.s32 s3, s2  }
0x8d: {  	s2 =	sadd.s32 s2, s16  }
0x8e: {  	[smem:$0x3FC0] =	sst s2  }
0x8f: {  	_ = 	snop  }
0x90: {  	(tm) =	ssettm $0x1  }
0x91: {  	s17 =	sld [smem:$0x3FFB];
	_ =	sdelay $0x3  }
0x92: {  	_ =	strace s17  }
0x93: {  	s2 =	sld [smem:$0x3FFC];
	_ =	sdelay $0x3  }
0x94: {  	_ =	strace s2  }
0x95: {  	s2 =	sld [smem:$0x3FFD];
	_ =	sdelay $0x3  }
0x96: {  	_ =	strace s2  }
0x97: {  	_ =	strace $0x8FFFFFFF  }
0x98: {  	s18 =	sld [smem:$0x3FDB];
	_ =	sdelay $0x1  }
0x99: {  	s19 =	simm.s32 $_scs_section_size  }
0x9a: {  	s4 =	simm.s32 $_size__tile_overlayer_lowered;
	s5 =	simm.s32 $_tile_overlayer_lowered  }
0x9b: {  	s22 =	simm.s32 $0x1BFF;
	s21 =	sshll.u32 s5, $0x1;
	s2 =	sadd.s32 s19, s18  }
0x9c: {  	s6 =	simm.s32 $0x0;
	s20 =	sshll.u32 s4, $0x1;
	s4 =	sadd.s32 s21, s2  }
0x9d: {  	[timem:s6], [sflag:s22] =	dma.local [hbm:s4], s20  }
0x9e: {  	_ =	swait.ge [sflag:s22], s20  }
0x9f: {  	s3 =	ssub.s32 $0x0, s20;
	[sflag:s22] =	ssyncset.done $0x0  }
0xa0: {  	[sflag:s22] =	ssyncadd.s32 s3;
	_ =	sdelay $0x1  }
0xa1: {  	s23 =	simm.s32 $0x1B8B  }
0xa2: {  	_ =	swait.ge [sflag:s23], $0x1  }
0xa3: {  	[sflag:s23] =	ssyncset.done $0x0  }
0xa4: {  	s25 =	simm.s32 $0x1B8E;
	s24 =	sld [smem:$0x3FFE];
	[sflag:s23] =	ssyncadd.s32 $0xFFFFFFFF  }
0xa5: {  	s26 =	simm.s32 $execute0_lowered;
	[smem:$0x3FD2] =	sst s25  }
0xa6: {  	s4 =	sshll.u32 s26, $0x1;
	_ =	strace $0x8000004F;
	[dreg:$0x1] =	wrdreg $0xFFFFFFFF  }
0xa7: {  	s28 =	simm.s32 $_size_execute0_lowered;
	s2 =	sadd.s32 s2, s4;
	[dreg:$0x0] =	wrdreg $0x0  }
0xa8: {  	s4 =	sshll.u32 s28, $0x1;
	[dreg:$0x2] =	wrdreg s2  }
0xa9: {  	[dreg:$0x3] =	wrdreg s4  }
0xaa: {  	[dreg:$0x4] =	wrdreg $0xC0  }
0xab: {  	_ =	task [dreg:s6], $0x5FFFF  }
0xac: {  	[dreg:$0x1] =	wrdreg $0xFFFFFFFF  }
0xad: {  	[dreg:$0x0] =	wrdreg $0x60  }
0xae: {  	[dreg:$0x2] =	wrdreg s24  }
0xaf: {  	[dreg:$0x3] =	wrdreg $0xBC000  }
0xb0: {  	[dreg:$0x4] =	wrdreg $0x9  }
0xb1: {  	_ =	task.clear_ibuf [dreg:s6], $0x5FFFF;
	_ =	strace $0x9000004F  }
0xb2: {  	s29 =	simm.s32 $0x9;
	_ =	strace $0x80000051  }
0xb3: {  	_ =	swait.ge [sflag:s29], $0x1  }
0xb4: {  	[sflag:s29] =	ssyncadd.s32 $0xFFFFFFFF  }
0xb5: {  	_ =	strace $0x90000051  }
0xb6: {  	_ =	sfence  }
0xb7: {  	s30 =	sld [smem:$0x0];
	_ =	sdelay $0x2  }
0xb8: {  	s31 =	sshll.u32 s1, $0xD;
	s1 =	sshrl.u32 s1, $0x2  }
0xb9: {  	s3 =	sand.u32 $0x4000, s31;
	s1 =	sadd.s32 s1, s30  }
0xba: {  	s0 =	sor.u32 s3, s0;
	s1 =	sshll.u32 s1, $0x11  }
0xbb: {  	s0 =	sor.u32 s1, s0  }
0xbc: {  	s0 =	sadd.s32 $0x8F2B, s0  }
0xbd: {  	[sflag:s0] =	ssyncadd.remote.s32 $0x1  }
0xbe: {  	_ =	sfence.sel $0xFFFF  }
0xbf: {  	[dreg:$0x0] =	wrdreg $0xFFFFFFFF;
	(pc) =	sbr.abs _section_cstart, $3  }
0xc0: {  	[dreg:$0x1] =	wrdreg $0xFFFFFFFF  }
0xc1: {  	_ =	task.clear_ibuf [dreg:s6], $0x2FFFF;
	_ =	strace $0x9FFFFFFF  }
0xc2: {  	(tm) =	ssettm $0x7FFFFFFF  }
0xc3: {  	_ =	shalt  }
tec
execute0_lowered:
.L_overlay_start_1:
0x0: {  	(tag) =	ssettag $0x1  }
0x1: {  	s0 =	rddreg [dreg:$0x0];
	s1 =	srdreg.scid  }
0x2: {  	s2 =	rddreg [dreg:$0x1];
	s8 =	stileid.u32;
	s3 =	simm.s32 $0x0  }
0x3: {  	s28 =	simm.s32 $0x5C00;
	s29 =	simm.s32 $0x7C00;
	s30 =	simm.s32 $0xC0  }
0x4: {  	s31 =	simm.s32 $0x9C00;
	s12 =	simm.s32 $0x3A00;
	s5 =	smul.u32 $0x14000, s8  }
0x5: {  	s13 =	simm.s32 $0x3A80;
	s1 =	sand.u32 $0x1, s1;
	s15 =	smul.u32 $0x50000, s8  }
0x6: {  	[smem:$0x7FF] =	sst s3;
	s14 =	sshll.u32 s8, $0x1;
	s4 =	smul.u32 $0x140000, s1  }
0x7: {  	_ =	strace $0x80000050;
	s9 =	sor.u32 s1, s14;
	s1 =	ssub.s32 $0x2, s1  }
0x8: {  	s11 =	sshrl.u32 s1, $0x1;
	s6 =	sadd.s32 s5, s4;
	s4 =	sadd.s32 $0x21600, s0  }
0x9: {  	s5 =	sadd.s32 $0xD600, s0;
	s1 =	ssub.s32 s1, s11;
	s7 =	sshrl.u32 s6, $0x3  }
0xa: {  	s6 =	sadd.s32 $0x2B600, s0;
	s16 =	smax.u32 s1, $0x1;
	s0 =	sadd.s32 s7, s0  }
0xb: {  	s7 =	sshrl.u32 s15, $0x2;
	[dreg:$0x5] =	wrdreg s16;
	s0 =	sadd.s32 $0x53600, s0  }
0xc: {  	s8 =	sshrl.u32 s8, $0x2;
	s18 =	sadd.s32 s7, s2;
	[dreg:$0x4] =	wrdreg s0  }
0xd: {  	s8 =	smul.u32 $0x14000, s8;
	s17 =	sadd.s32 $0x2000, s18;
	[dreg:$0x3] =	wrdreg s18  }
0xe: {  	s14 =	simm.s32 $0x3B00;
	s19 =	sadd.s32 $0x4000, s18;
	[dreg:$0x6] =	wrdreg s17  }
0xf: {  	s10 =	sshll.u32 s9, $0x7;
	s20 =	sadd.s32 $0x6000, s18;
	[dreg:$0x7] =	wrdreg s19  }
0x10: {  	s9 =	smul.u32 $0x5000, s9;
	s21 =	sadd.s32 $0x8000, s18;
	[dreg:$0x8] =	wrdreg s20  }
0x11: {  	s10 =	sand.u32 $0x380, s10;
	s22 =	sadd.s32 $0xA000, s18;
	[dreg:$0x9] =	wrdreg s21  }
0x12: {  	s11 =	simm.s32 $0x4;
	s23 =	sadd.s32 $0xC000, s18;
	[dreg:$0xa] =	wrdreg s22  }
0x13: {  	s8 =	sor.u32 s10, s8;
	s24 =	sadd.s32 $0xE000, s18;
	[dreg:$0xb] =	wrdreg s23  }
0x14: {  	s1 =	simm.s32 $0x2;
	s25 =	sadd.s32 $0x10000, s18;
	[dreg:$0xc] =	wrdreg s24  }
0x15: {  	s10 =	simm.s32 $0x3;
	s26 =	sadd.s32 $0x12000, s18;
	[dreg:$0xd] =	wrdreg s25  }
0x16: {  	s15 =	simm.s32 $0x3B80;
	s0 =	simm.s32 $0x1;
	[dreg:$0xe] =	wrdreg s26  }
0x17: {  	s21 =	simm.s32 $0x3C00;
	s22 =	simm.s32 $0x5;
	s23 =	simm.s32 $0x80  }
0x18: {  	v0 =	vimm.f32 $0.0e+00;
	s24 =	simm.s32 $0x400;
	s25 =	simm.s32 $0x1400;
	s26 =	simm.s32 $0x40  }
.LBB2_1:
0x19: {  	s16 =	simm.s32 $0x0;
	s17 =	simm.s32 $0x200  }
.LBB2_2:
0x1a: {  	p0 =	sne.s32 s17, $0x7E00;
	[tilespmem:s16+$0x3C70] =	vst v0  }
0x1b: {  	[tilespmem:s16+$0x3C00] =	vst v0  }
0x1c: {  	[tilespmem:s16+$0x3C10] =	vst v0  }
.Ltmp0:
0x1d: {  	[tilespmem:s16+$0x3C20] =	vst v0;
	(pc) =	sbr.rel @p0 .LBB2_2-.Ltmp0, $4  }
0x1e: {  	[tilespmem:s16+$0x3C30] =	vst v0  }
0x1f: {  	[tilespmem:s16+$0x3C40] =	vst v0  }
0x20: {  	[tilespmem:s16+$0x3C50] =	vst v0  }
0x21: {  	[tilespmem:s16+$0x3C60] =	vst v0;
	s16 =	sshra.s32 s17, $0x2;
	s17 =	sadd.s32 $0x200, s17  }
0x22: {  	[tilespmem:s16+$0x3C70] =	vst v0  }
0x23: {  	[tilespmem:s16+$0x3C00] =	vst v0  }
0x24: {  	[tilespmem:s16+$0x3C10] =	vst v0  }
0x25: {  	[tilespmem:s16+$0x3C20] =	vst v0  }
0x26: {  	[tilespmem:s16+$0x3C30] =	vst v0  }
0x27: {  	[tilespmem:s16+$0x3C40] =	vst v0  }
0x28: {  	[tilespmem:s16+$0x3C50] =	vst v0  }
0x29: {  	[tilespmem:s16+$0x3C60] =	vst v0  }
0x2a: {  	[spmem:s18] =	stream.linear.scatter [tilespmem:s21], [sflag:$0x5], $0x2000, $0x38;
	[tilespmem:$0x1FC00] =	vst v63  }
0x2b: {  	_ =	swait.ge [sflag:s22], $0x2000  }
0x2c: {  	[sflag:s22] =	ssyncset.done $0x0  }
0x2d: {  	s7 =	rddreg [dreg:$0x6];
	[sflag:s22] =	ssyncadd.s32 $0xFFFFE000  }
0x2e: {  	[spmem:s7] =	stream.linear.scatter [tilespmem:s21], [sflag:$0x5], $0x2000, $0x38;
	[tilespmem:$0x1FC00] =	vst v63  }
0x2f: {  	_ =	swait.ge [sflag:s22], $0x2000  }
0x30: {  	[sflag:s22] =	ssyncset.done $0x0  }
0x31: {  	s18 =	rddreg [dreg:$0x7];
	[sflag:s22] =	ssyncadd.s32 $0xFFFFE000  }
0x32: {  	[spmem:s18] =	stream.linear.scatter [tilespmem:s21], [sflag:$0x5], $0x2000, $0x38;
	[tilespmem:$0x1FC00] =	vst v63  }
0x33: {  	_ =	swait.ge [sflag:s22], $0x2000  }
0x34: {  	[sflag:s22] =	ssyncset.done $0x0  }
0x35: {  	s19 =	rddreg [dreg:$0x8];
	[sflag:s22] =	ssyncadd.s32 $0xFFFFE000  }
0x36: {  	[spmem:s19] =	stream.linear.scatter [tilespmem:s21], [sflag:$0x5], $0x2000, $0x38;
	[tilespmem:$0x1FC00] =	vst v63  }
0x37: {  	_ =	swait.ge [sflag:s22], $0x2000  }
0x38: {  	[sflag:s22] =	ssyncset.done $0x0  }
0x39: {  	s20 =	rddreg [dreg:$0x9];
	[sflag:s22] =	ssyncadd.s32 $0xFFFFE000  }
0x3a: {  	[spmem:s20] =	stream.linear.scatter [tilespmem:s21], [sflag:$0x5], $0x2000, $0x38;
	[tilespmem:$0x1FC00] =	vst v63  }
0x3b: {  	_ =	swait.ge [sflag:s22], $0x2000  }
0x3c: {  	[sflag:s22] =	ssyncset.done $0x0  }
0x3d: {  	s16 =	rddreg [dreg:$0xa];
	[sflag:s22] =	ssyncadd.s32 $0xFFFFE000  }
0x3e: {  	[spmem:s16] =	stream.linear.scatter [tilespmem:s21], [sflag:$0x5], $0x2000, $0x38;
	[tilespmem:$0x1FC00] =	vst v63  }
0x3f: {  	_ =	swait.ge [sflag:s22], $0x2000  }
0x40: {  	[sflag:s22] =	ssyncset.done $0x0  }
0x41: {  	s17 =	rddreg [dreg:$0xb];
	[sflag:s22] =	ssyncadd.s32 $0xFFFFE000  }
0x42: {  	[spmem:s17] =	stream.linear.scatter [tilespmem:s21], [sflag:$0x5], $0x2000, $0x38;
	[tilespmem:$0x1FC00] =	vst v63  }
0x43: {  	_ =	swait.ge [sflag:s22], $0x2000  }
0x44: {  	[sflag:s22] =	ssyncset.done $0x0  }
0x45: {  	s18 =	rddreg [dreg:$0xc];
	[sflag:s22] =	ssyncadd.s32 $0xFFFFE000  }
0x46: {  	[spmem:s18] =	stream.linear.scatter [tilespmem:s21], [sflag:$0x5], $0x2000, $0x38;
	[tilespmem:$0x1FC00] =	vst v63  }
0x47: {  	_ =	swait.ge [sflag:s22], $0x2000  }
0x48: {  	[sflag:s22] =	ssyncset.done $0x0  }
0x49: {  	s19 =	rddreg [dreg:$0xd];
	[sflag:s22] =	ssyncadd.s32 $0xFFFFE000  }
0x4a: {  	[spmem:s19] =	stream.linear.scatter [tilespmem:s21], [sflag:$0x5], $0x2000, $0x38;
	[tilespmem:$0x1FC00] =	vst v63  }
0x4b: {  	_ =	swait.ge [sflag:s22], $0x2000  }
0x4c: {  	[sflag:s22] =	ssyncset.done $0x0  }
0x4d: {  	s20 =	rddreg [dreg:$0xe];
	[sflag:s22] =	ssyncadd.s32 $0xFFFFE000  }
0x4e: {  	[spmem:s20] =	stream.linear.scatter [tilespmem:s21], [sflag:$0x5], $0x2000, $0x38;
	[tilespmem:$0x1FC00] =	vst v63  }
0x4f: {  	_ =	swait.ge [sflag:s22], $0x2000  }
0x50: {  	[sflag:s22] =	ssyncset.done $0x0  }
0x51: {  	p1 =	por $0x1, $0x1;
	[sflag:s22] =	ssyncadd.s32 $0xFFFFE000  }
0x52: {  	s16 =	simm.s32 $0x0;
	s17 =	simm.s32 $0x0;
	[bflag:$0x0] =	sbarrier.arrive $0xFFFF  }
.LBB2_4:
0x53: {  	s18 =	smul.u32 $0xA000, s17;
	_ =	sdelay $0x1  }
0x54: {  	s18 =	sadd.s32 s8, s18  }
0x55: {  	s18 =	sshrl.u32 s18, $0x3  }
0x56: {  	s7 =	smul.u32 $0x2800, s17;
	s18 =	sadd.s32 s4, s18  }
0x57: {  	[tilespmem:s16], [sflag:$0x5] =	stream.strided.gather [hbm4b:s18+s23], $0x1400, s24, s23, $0x38;
	[tilespmem:$0x1FC00] =	vst v63  }
0x58: {  	s17 =	sadd.s32 s9, s7;
	_ =	swait.ge [sflag:s22], $0x1400  }
0x59: {  	s17 =	sshrl.u32 s17, $0x3;
	[sflag:s22] =	ssyncset.done $0x0  }
0x5a: {  	s17 =	sadd.s32 s5, s17;
	[sflag:s22] =	ssyncadd.s32 $0xFFFFEC00  }
0x5b: {  	[tilespmem:s25], [sflag:$0x5] =	stream.linear.gather [hbm4b:s17+s16], $0x2800, $0x38;
	[tilespmem:$0x1FC00] =	vst v63  }
0x5c: {  	_ =	swait.ge [sflag:s22], $0x2800  }
0x5d: {  	[sflag:s22] =	ssyncset.done $0x0  }
0x5e: {  	[sflag:s22] =	ssyncadd.s32 $0xFFFFD800  }
0x5f: {  	[tilespmem:s21], [sflag:$0x1] =	stream.indirect.gather [hbm4b:s6+s26], $0x80, s16, s26, $0xb8;
	[tilespmem:$0x1FC00] =	vst v63  }
0x60: {  	_ = 	snop  }
0x61: {  	[tilespmem:s28], [sflag:$0x2] =	stream.indirect.gather [hbm4b:s6+s26], $0x80, s26, s26, $0xb8;
	[tilespmem:$0x1FC00] =	vst v63  }
0x62: {  	_ = 	snop  }
0x63: {  	[tilespmem:s29], [sflag:$0x3] =	stream.indirect.gather [hbm4b:s6+s26], $0x80, s23, s26, $0xb8;
	[tilespmem:$0x1FC00] =	vst v63  }
0x64: {  	_ = 	snop  }
0x65: {  	[tilespmem:s31], [sflag:$0x4] =	stream.indirect.gather [hbm4b:s6+s26], $0x80, s30, s26, $0xb8;
	[tilespmem:$0x1FC00] =	vst v63  }
0x66: {  	_ =	swait.ge [sflag:s0], $0x2000  }
0x67: {  	[sflag:s0] =	ssyncset.done $0x0  }
0x68: {  	s18 =	simm.s32 $0x1400;
	[sflag:s0] =	ssyncadd.s32 $0xFFFFE000  }
0x69: {  	[spmem:s2] =	stream.indirect.scatter.add.f32 [tilespmem:s21], [sflag:$0x5], $0x80, s18, s26, $0xb8;
	[tilespmem:$0x1FC00] =	vst v63  }
0x6a: {  	_ =	swait.ge [sflag:s22], $0x2000  }
0x6b: {  	[sflag:s22] =	ssyncset.done $0x0  }
0x6c: {  	s19 =	simm.s32 $0x100;
	[sflag:s22] =	ssyncadd.s32 $0xFFFFE000  }
0x6d: {  	[tilespmem:s21], [sflag:$0x1] =	stream.indirect.gather [hbm4b:s6+s26], $0x80, s19, s26, $0xb8;
	[tilespmem:$0x1FC00] =	vst v63  }
0x6e: {  	_ =	swait.ge [sflag:s1], $0x2000  }
0x6f: {  	[sflag:s1] =	ssyncset.done $0x0  }
0x70: {  	s20 =	simm.s32 $0x1480;
	[sflag:s1] =	ssyncadd.s32 $0xFFFFE000  }
0x71: {  	[spmem:s2] =	stream.indirect.scatter.add.f32 [tilespmem:s28], [sflag:$0x5], $0x80, s20, s26, $0xb8;
	[tilespmem:$0x1FC00] =	vst v63  }
0x72: {  	_ =	swait.ge [sflag:s22], $0x2000  }
0x73: {  	[sflag:s22] =	ssyncset.done $0x0  }
0x74: {  	s7 =	simm.s32 $0x140;
	[sflag:s22] =	ssyncadd.s32 $0xFFFFE000  }
0x75: {  	[tilespmem:s28], [sflag:$0x2] =	stream.indirect.gather [hbm4b:s6+s26], $0x80, s7, s26, $0xb8;
	[tilespmem:$0x1FC00] =	vst v63  }
0x76: {  	_ =	swait.ge [sflag:s10], $0x2000  }
0x77: {  	[sflag:s10] =	ssyncset.done $0x0  }
0x78: {  	s18 =	simm.s32 $0x1500;
	[sflag:s10] =	ssyncadd.s32 $0xFFFFE000  }
0x79: {  	[spmem:s2] =	stream.indirect.scatter.add.f32 [tilespmem:s29], [sflag:$0x5], $0x80, s18, s26, $0xb8;
	[tilespmem:$0x1FC00] =	vst v63  }
0x7a: {  	_ =	swait.ge [sflag:s22], $0x2000  }
0x7b: {  	[sflag:s22] =	ssyncset.done $0x0  }
0x7c: {  	s19 =	simm.s32 $0x180;
	[sflag:s22] =	ssyncadd.s32 $0xFFFFE000  }
0x7d: {  	[tilespmem:s29], [sflag:$0x3] =	stream.indirect.gather [hbm4b:s6+s26], $0x80, s19, s26, $0xb8;
	[tilespmem:$0x1FC00] =	vst v63  }
0x7e: {  	_ =	swait.ge [sflag:s11], $0x2000  }
0x7f: {  	[sflag:s11] =	ssyncset.done $0x0  }
0x80: {  	s20 =	simm.s32 $0x1580;
	[sflag:s11] =	ssyncadd.s32 $0xFFFFE000  }
0x81: {  	[spmem:s2] =	stream.indirect.scatter.add.f32 [tilespmem:s31], [sflag:$0x5], $0x80, s20, s26, $0xb8;
	[tilespmem:$0x1FC00] =	vst v63  }
0x82: {  	_ =	swait.ge [sflag:s22], $0x2000  }
0x83: {  	p0 =	por p1, p1;
	s17 =	simm.s32 $0x1C0;
	[sflag:s22] =	ssyncset.done $0x0  }
0x84: {  	s18 =	simm.s32 $0x800;
	s19 =	simm.s32 $0x2C0;
	[sflag:s22] =	ssyncadd.s32 $0xFFFFE000  }
.LBB2_5:
0x85: {  	[tilespmem:s31], [sflag:$0x4] =	stream.indirect.gather [hbm4b:s6+s26], $0x80, s17, s26, $0xb8;
	[tilespmem:$0x1FC00] =	vst v63  }
0x86: {  	s20 =	smov.u32 s18;
	s17 =	smov.u32 s19  }
0x87: {  	p1 =	sne.s32 s18, $0x9000;
	s18 =	sadd.s32 $0x800, s18;
	_ =	swait.ge [sflag:s0], $0x2000  }
0x88: {  	s20 =	sshra.s32 s20, $0x2;
	[sflag:s0] =	ssyncset.done $0x0  }
0x89: {  	s7 =	sadd.s32 $0x1400, s20;
	[sflag:s0] =	ssyncadd.s32 $0xFFFFE000  }
0x8a: {  	[spmem:s2] =	stream.indirect.scatter.add.f32 [tilespmem:s21], [sflag:$0x5], $0x80, s7, s26, $0xb8;
	[tilespmem:$0x1FC00] =	vst v63  }
0x8b: {  	_ =	swait.ge [sflag:s22], $0x2000  }
0x8c: {  	[sflag:s22] =	ssyncset.done $0x0  }
0x8d: {  	s7 =	sadd.s32 $0xFFFFFF40, s19;
	[sflag:s22] =	ssyncadd.s32 $0xFFFFE000  }
0x8e: {  	[tilespmem:s21], [sflag:$0x1] =	stream.indirect.gather [hbm4b:s6+s26], $0x80, s7, s26, $0xb8;
	[tilespmem:$0x1FC00] =	vst v63  }
0x8f: {  	_ =	swait.ge [sflag:s1], $0x2000  }
0x90: {  	[sflag:s1] =	ssyncset.done $0x0  }
0x91: {  	s7 =	sadd.s32 $0x1480, s20;
	[sflag:s1] =	ssyncadd.s32 $0xFFFFE000  }
0x92: {  	[spmem:s2] =	stream.indirect.scatter.add.f32 [tilespmem:s28], [sflag:$0x5], $0x80, s7, s26, $0xb8;
	[tilespmem:$0x1FC00] =	vst v63  }
0x93: {  	_ =	swait.ge [sflag:s22], $0x2000  }
0x94: {  	[sflag:s22] =	ssyncset.done $0x0  }
0x95: {  	s7 =	sadd.s32 $0xFFFFFF80, s19;
	[sflag:s22] =	ssyncadd.s32 $0xFFFFE000  }
0x96: {  	[tilespmem:s28], [sflag:$0x2] =	stream.indirect.gather [hbm4b:s6+s26], $0x80, s7, s26, $0xb8;
	[tilespmem:$0x1FC00] =	vst v63  }
0x97: {  	_ =	swait.ge [sflag:s10], $0x2000  }
0x98: {  	[sflag:s10] =	ssyncset.done $0x0  }
0x99: {  	s7 =	sadd.s32 $0x1500, s20;
	[sflag:s10] =	ssyncadd.s32 $0xFFFFE000  }
0x9a: {  	[spmem:s2] =	stream.indirect.scatter.add.f32 [tilespmem:s29], [sflag:$0x5], $0x80, s7, s26, $0xb8;
	[tilespmem:$0x1FC00] =	vst v63  }
0x9b: {  	_ =	swait.ge [sflag:s22], $0x2000  }
0x9c: {  	[sflag:s22] =	ssyncset.done $0x0  }
0x9d: {  	s7 =	sadd.s32 $0xFFFFFFC0, s19;
	[sflag:s22] =	ssyncadd.s32 $0xFFFFE000  }
0x9e: {  	[tilespmem:s29], [sflag:$0x3] =	stream.indirect.gather [hbm4b:s6+s26], $0x80, s7, s26, $0xb8;
	[tilespmem:$0x1FC00] =	vst v63  }
0x9f: {  	_ =	swait.ge [sflag:s11], $0x2000  }
0xa0: {  	[sflag:s11] =	ssyncset.done $0x0  }
.Ltmp1:
0xa1: {  	s7 =	sadd.s32 $0x1580, s20;
	[sflag:s11] =	ssyncadd.s32 $0xFFFFE000;
	(pc) =	sbr.rel @p1 .LBB2_5-.Ltmp1, $4  }
0xa2: {  	[spmem:s2] =	stream.indirect.scatter.add.f32 [tilespmem:s31], [sflag:$0x5], $0x80, s7, s26, $0xb8;
	[tilespmem:$0x1FC00] =	vst v63  }
0xa3: {  	_ =	swait.ge [sflag:s22], $0x2000  }
0xa4: {  	[sflag:s22] =	ssyncset.done $0x0  }
0xa5: {  	s19 =	sadd.s32 $0x100, s19;
	[sflag:s22] =	ssyncadd.s32 $0xFFFFE000  }
0xa6: {  	[tilespmem:s31], [sflag:$0x4] =	stream.indirect.gather [hbm4b:s6+s26], $0x80, s17, s26, $0xb8;
	[tilespmem:$0x1FC00] =	vst v63  }
0xa7: {  	s17 =	simm.s32 $0x1  }
0xa8: {  	_ =	swait.ge [sflag:s17], $0x2000  }
0xa9: {  	[sflag:s17] =	ssyncset.done $0x0  }
0xaa: {  	[sflag:s17] =	ssyncadd.s32 $0xFFFFE000  }
0xab: {  	[spmem:s2] =	stream.indirect.scatter.add.f32 [tilespmem:s21], [sflag:$0x5], $0x80, s12, s26, $0xb8;
	[tilespmem:$0x1FC00] =	vst v63  }
0xac: {  	_ =	swait.ge [sflag:s22], $0x2000  }
0xad: {  	[sflag:s22] =	ssyncset.done $0x0  }
0xae: {  	[sflag:s22] =	ssyncadd.s32 $0xFFFFE000  }
0xaf: {  	_ =	swait.ge [sflag:s1], $0x2000  }
0xb0: {  	[sflag:s1] =	ssyncset.done $0x0  }
0xb1: {  	[sflag:s1] =	ssyncadd.s32 $0xFFFFE000  }
0xb2: {  	[spmem:s2] =	stream.indirect.scatter.add.f32 [tilespmem:s28], [sflag:$0x5], $0x80, s13, s26, $0xb8;
	[tilespmem:$0x1FC00] =	vst v63  }
0xb3: {  	_ =	swait.ge [sflag:s22], $0x2000  }
0xb4: {  	[sflag:s22] =	ssyncset.done $0x0  }
0xb5: {  	[sflag:s22] =	ssyncadd.s32 $0xFFFFE000  }
0xb6: {  	_ =	swait.ge [sflag:s10], $0x2000  }
0xb7: {  	[sflag:s10] =	ssyncset.done $0x0  }
0xb8: {  	[sflag:s10] =	ssyncadd.s32 $0xFFFFE000  }
0xb9: {  	[spmem:s2] =	stream.indirect.scatter.add.f32 [tilespmem:s29], [sflag:$0x5], $0x80, s14, s26, $0xb8;
	[tilespmem:$0x1FC00] =	vst v63  }
0xba: {  	_ =	swait.ge [sflag:s22], $0x2000  }
0xbb: {  	[sflag:s22] =	ssyncset.done $0x0  }
0xbc: {  	[sflag:s22] =	ssyncadd.s32 $0xFFFFE000  }
0xbd: {  	_ =	swait.ge [sflag:s11], $0x2000  }
0xbe: {  	[sflag:s11] =	ssyncset.done $0x0  }
.Ltmp2:
0xbf: {  	[sflag:s11] =	ssyncadd.s32 $0xFFFFE000;
	(pc) =	sbr.rel @p0 .LBB2_4-.Ltmp2, $4  }
0xc0: {  	[spmem:s2] =	stream.indirect.scatter.add.f32 [tilespmem:s31], [sflag:$0x5], $0x80, s15, s26, $0xb8;
	[tilespmem:$0x1FC00] =	vst v63  }
0xc1: {  	_ =	swait.ge [sflag:s22], $0x2000  }
0xc2: {  	[sflag:s22] =	ssyncset.done $0x0  }
0xc3: {  	p1 =	por $0x0, $0x0;
	[sflag:s22] =	ssyncadd.s32 $0xFFFFE000  }
0xc4: {  	s7 =	stileid.u32;
	[bflag:$0x0] =	sbarrier.arrive $0xFFFF  }
0xc5: {  	s7 =	sshll.u32 s7, $0x6;
	s18 =	rddreg [dreg:$0x3]  }
0xc6: {  	s17 =	rddreg [dreg:$0x4];
	s7 =	sor.u32 $0x1C05, s7;
	s16 =	sshrl.u32 s18, $0x3  }
0xc7: {  	[hbm:s17], [sflag:s7] =	dma.local [spmem:s16], $0x2800  }
0xc8: {  	_ =	swait.ge [sflag:s22], $0x2800  }
0xc9: {  	s3 =	sadd.s32 $0x1, s3;
	s20 =	rddreg [dreg:$0x5]  }
0xca: {  	p0 =	sne.s32 s3, s20  }
.Ltmp3:
0xcb: {  	_ = 	snop;
	(pc) =	sbr.rel @p0 .LBB2_1-.Ltmp3, $3  }
0xcc: {  	_ =	sdelay $0x1  }
0xcd: {  	[sflag:s22] =	ssyncset.done $0x0  }
0xce: {  	[sflag:s22] =	ssyncadd.s32 $0xFFFFD800  }
0xcf: {  	_ =	sfence.sel $0x180000  }
0xd0: {  	[bflag:$0x0] =	sbarrier.arrive $0xFFFF  }
0xd1: {  	_ =	strace $0x90000050  }
0xd2: {  	s0 =	stileid.u32;
	[bflag:$0x2] =	sbarrier.arrive $0xFFFF  }
0xd3: {  	p0 =	sne.s32 s0, $0x0;
	s0 =	rddreg [dreg:$0x2]  }
0xd4: {  	s0 =	sadd.s32 @!p0 $0x100000, s0  }
0xd5: {  	[sflag:s0] =	ssyncadd.tile.s32 @!p0 $0x1;
	_ =	shalt  }
.Lfunc_end2:
_tile_overlayer_lowered:
.L_overlay_start_2:
0xd6: {  	(tag) =	ssettag $0x2  }
0xd7: {  	s0 =	rddreg [dreg:$0x0];
	s2 =	stileid.u32  }
0xd8: {  	s1 =	rddreg [dreg:$0x1];
	p0 =	sne.s32 s2, $0x0  }
0xd9: {  	s3 =	rddreg [dreg:$0x2];
	[bflag:$0x3] =	sbarrier.arrive $0xFFFF;
	s2 =	simm.s32 @!p0 $0x1C05  }
0xda: {  	[timem:s3], [sflag:s2] =	dma.local @!p0 [hbm:s0], s1  }
0xdb: {  	s0 =	simm.s32 @!p0 $0x5  }
0xdc: {  	_ =	swait.ge @!p0 [sflag:s0], s1  }
0xdd: {  	s1 =	ssub.s32 @!p0 $0x0, s1;
	[sflag:s0] =	ssyncset.done @!p0 $0x0  }
0xde: {  	[sflag:s0] =	ssyncadd.s32 @!p0 s1  }
0xdf: {  	[bflag:$0x3] =	sbarrier.arrive $0xFFFF  }
0xe0: {  	_ =	shalt  }

</sc_bundles>
